<compile_context>
chip_gen: v7x
topology: tpu7x:2x2x1
jax: 0.10.2.dev20260603
libtpu: 0.0.44.dev20260713+nightly
codegen_flags: <defaults>
</compile_context>

<pallas_src>
import functools

import jax
import jax.numpy as jnp
from jax import lax
from jax.experimental import pallas as pl
from jax.experimental.pallas import tpu as pltpu
from jax.experimental.pallas import tpu_sc as plsc

BINS = 2048
QMAX = 128.0
QMIN = -128.0
EPS = 1e-5

N = 4096 * 4096
NW = 32
L = 16
PER_W = N // NW
CHUNK = 32768
CROWS = 8
ROWS_W = 4096 // NW
NCHUNK = PER_W // CHUNK
UNROLL = 8
LSTRIDE = BINS + 1
HBUF = L * LSTRIDE
HBUF_PAD = 32896



def _mm_body(x_ref, params_ref, scale_ref, zp_ref, mn_ref, mx_ref):
    i = pl.program_id(0)
    blk = x_ref[...]
    bmn = jnp.min(blk)
    bmx = jnp.max(blk)

    @pl.when(i == 0)
    def _():
        mn_ref[0] = bmn
        mx_ref[0] = bmx

    @pl.when(i > 0)
    def _():
        mn_ref[0] = jnp.minimum(mn_ref[0], bmn)
        mx_ref[0] = jnp.maximum(mx_ref[0], bmx)

    @pl.when(i == pl.num_programs(0) - 1)
    def _():
        mn = mn_ref[0]
        mx = mx_ref[0]
        width = (mx - mn) / float(BINS)
        safe_width = jnp.where(width == 0.0, jnp.float32(1.0), width)
        inv_width = jnp.float32(1.0) / safe_width
        params_ref[...] = jnp.concatenate(
            [jnp.full((1, L), mn, jnp.float32),
             jnp.full((1, L), inv_width, jnp.float32)], axis=0)
        mxp = jnp.maximum(mx, 0.0)
        mnn = jnp.minimum(mn, 0.0)
        scale = (mxp - mnn) / (QMAX - QMIN)
        scale_ref[0] = jnp.maximum(scale, jnp.float32(EPS))
        zp = jnp.float32(QMIN) - jnp.round(mnn / scale)
        zp_ref[0] = jnp.clip(zp, QMIN, QMAX).astype(jnp.int32)


_minmax = pl.pallas_call(
    _mm_body,
    grid=(16,),
    in_specs=[pl.BlockSpec((256, 4096), lambda i: (i, 0))],
    out_specs=[
        pl.BlockSpec((2, L), lambda i: (0, 0)),
        pl.BlockSpec(memory_space=pltpu.SMEM),
        pl.BlockSpec(memory_space=pltpu.SMEM),
    ],
    out_shape=[
        jax.ShapeDtypeStruct((2, L), jnp.float32),
        jax.ShapeDtypeStruct((1,), jnp.float32),
        jax.ShapeDtypeStruct((1,), jnp.int32),
    ],
    scratch_shapes=[
        pltpu.SMEM((1,), jnp.float32),
        pltpu.SMEM((1,), jnp.float32),
    ],
)



def _copy_body(x_ref, xout_ref):
    xout_ref[...] = x_ref[...]


_copy_x = pl.pallas_call(
    _copy_body,
    grid=(16,),
    in_specs=[pl.BlockSpec((256, 4096), lambda i: (i, 0))],
    out_specs=pl.BlockSpec((256, 4096), lambda i: (i, 0)),
    out_shape=jax.ShapeDtypeStruct((4096, 4096), jnp.float32),
)



_sc_mesh = plsc.VectorSubcoreMesh(core_axis_name="c", subcore_axis_name="s")


@functools.partial(
    pl.kernel,
    mesh=_sc_mesh,
    compiler_params=pltpu.CompilerParams(needs_layout_passes=False),
    out_type=jax.ShapeDtypeStruct((NW, BINS), jnp.float32),
    scratch_types=[
        pltpu.VMEM((CROWS, 4096), jnp.float32),
        pltpu.VMEM((CROWS, 4096), jnp.float32),
        pltpu.VMEM((HBUF_PAD,), jnp.float32),
        pltpu.VMEM((BINS,), jnp.float32),
        pltpu.VMEM((2 * L,), jnp.float32),
        pltpu.SemaphoreType.DMA,
        pltpu.SemaphoreType.DMA,
    ],
)
def _sc_hist(x_hbm, p_hbm, out_hbm, buf0, buf1, hbuf, hout, pv, sem0, sem1):
    wid = lax.axis_index("s") * 2 + lax.axis_index("c")
    row0 = wid * ROWS_W

    pltpu.sync_copy(p_hbm, pv)
    minv = pv[pl.ds(0, L)]
    invwv = pv[pl.ds(L, L)]
    lane_i = lax.iota(jnp.int32, L)
    lane_off = lane_i * LSTRIDE
    c_lane = lane_off.astype(jnp.float32) - minv * invwv + jnp.float32(1.0 / 256.0)
    ones = jnp.full((L,), 1.0, jnp.float32)
    zero = jnp.zeros((L,), jnp.float32)

    bufs = (buf0, buf1)
    sems = (sem0, sem1)
    cps = pltpu.async_copy(x_hbm.at[pl.ds(row0, CROWS)], buf0, sem0)

    @plsc.parallel_loop(0, HBUF_PAD // L, 1, unroll=8)
    def _zloop(i):
        hbuf[pl.ds(i * L, L)] = zero

    for c in range(NCHUNK):
        cur = bufs[c % 2]
        cps.wait()
        if c + 1 < NCHUNK:
            cps = pltpu.async_copy(
                x_hbm.at[pl.ds(row0 + (c + 1) * CROWS, CROWS)],
                bufs[(c + 1) % 2], sems[(c + 1) % 2])

        @plsc.parallel_loop(0, CHUNK // L, 1, unroll=UNROLL)
        def _ploop(j, cur=cur):
            r = j >> 8
            cb = (j & 255) * L
            v = cur[r, pl.ds(cb, L)]
            t = v * invwv + c_lane
            plsc.addupdate_scatter(hbuf, [t.astype(jnp.int32)], ones)

    @plsc.parallel_loop(0, BINS // L, 1, unroll=2)
    def _rloop(j):
        b = j * L
        acc = hbuf[pl.ds(b, L)]
        for l in range(1, L):
            acc = acc + plsc.load_gather(hbuf, [lane_i + (l * LSTRIDE + b)])
        hout[pl.ds(b, L)] = acc

    ovf = plsc.load_gather(hbuf, [lane_off + BINS])
    total_ovf = jnp.sum(ovf)
    last = hout[pl.ds(BINS - L, L)]
    hout[pl.ds(BINS - L, L)] = last + jnp.where(lane_i == L - 1, total_ovf, 0.0)

    pltpu.sync_copy(hout, out_hbm.at[wid])



def _comb_body(p_ref, h_ref):
    h_ref[...] = jnp.sum(p_ref[...], axis=0, keepdims=True)


_combine = pl.pallas_call(
    _comb_body,
    out_shape=jax.ShapeDtypeStruct((1, BINS), jnp.float32),
)


def kernel(x):
    params, scale, zp = _minmax(x)
    partial = _sc_hist(x, params.reshape(2 * L))
    x_out = _copy_x(x)
    hist = _combine(partial)
    return (x_out, scale, zp, hist.reshape(BINS))

# --- scband reference (transcript-rebuilt; emitter-appended) ---
"""Pipeline reference for scband-lbobserver-77386720739756 (READ-ONLY COPY).

The authoritative reference and input builder live on the scoring server;
editing this copy changes nothing except your own understanding.
"""

import jax, jax.numpy as jnp
import numpy as np

N_BITS = 8
QUANT_MAX = 2 ** (N_BITS - 1)      # 128
QUANT_MIN = -2 ** (N_BITS - 1)     # -128
EPS = 1e-05
BINS = 2048                        # torch default_histogram_observer uses 2048 bins


def setup_inputs(seed: int = 0) -> dict:
    key = jax.random.key(seed)
    x = jax.random.normal(key, (4096, 4096), dtype=jnp.float32)
    return {"x": x}


def reference(x):
    # --- HistogramObserver forward (fresh state): record min/max and histc ---
    min_val = jnp.min(x)
    max_val = jnp.max(x)
    width = (max_val - min_val) / float(BINS)
    safe_width = jnp.where(width == 0, jnp.float32(1.0), width)
    flat = x.reshape(-1)
    idx = jnp.clip(jnp.floor((flat - min_val) / safe_width).astype(jnp.int32), 0, BINS - 1)
    hist = jnp.zeros((BINS,), jnp.float32).at[idx].add(1.0)  # scatter-add histogram
    # --- update_qparams (quantize_per_tensor branch) ---
    max_val_pos = jnp.maximum(max_val, 0.0)
    min_val_neg = jnp.minimum(min_val, 0.0)
    scale = (max_val_pos - min_val_neg) / float(QUANT_MAX - QUANT_MIN)
    scale_clamped = jnp.maximum(scale, jnp.float32(EPS))
    zero_point = jnp.float32(QUANT_MIN) - jnp.round(min_val_neg / scale)
    zero_point = jnp.clip(zero_point, QUANT_MIN, QUANT_MAX).astype(jnp.int32)
    # torch forward returns x; scale/zero_point/hist are the updated module state
    return (x, scale_clamped.reshape(1), zero_point.reshape(1), hist)

if __name__ == "__main__":
    import jax
    _d = setup_inputs()
    print(jax.jit(kernel)(*tuple(_d.values())))

</pallas_src>

<mosaic_0001>
#map = affine_map<(d0, d1) -> (0, 0)>
#map1 = affine_map<(d0, d1) -> (0)>
module attributes {stable_mosaic.version = 14 : i64} {
  func.func @_sc_hist(%arg0: i32, %arg1: i32, %arg2: memref<4096x4096xf32, #tpu.memory_space<hbm>>, %arg3: memref<32xf32, #tpu.memory_space<hbm>>, %arg4: memref<32x2048xf32, #tpu.memory_space<hbm>>, %arg5: memref<8x4096xf32, #tpu.memory_space<vmem>>, %arg6: memref<8x4096xf32, #tpu.memory_space<vmem>>, %arg7: memref<32896xf32, #tpu.memory_space<vmem>>, %arg8: memref<2048xf32, #tpu.memory_space<vmem>>, %arg9: memref<32xf32, #tpu.memory_space<vmem>>, %arg10: memref<!tpu.dma_semaphore, #tpu.memory_space<semaphore_mem>>, %arg11: memref<!tpu.dma_semaphore, #tpu.memory_space<semaphore_mem>>) attributes {dimension_semantics = [#tpu.dimension_semantics<core_parallel>, #tpu.dimension_semantics<subcore_parallel>], iteration_bounds = array<i64: 2, 16>, scalar_prefetch = 0 : i64, scratch_operands = 7 : i64, tpu.core_type = #tpu.core_type<sc_vector_subcore>, window_params = [{transform_indices = #map}, {transform_indices = #map1}, {transform_indices = #map}]} {
    %mul3A = arith.constant 2 : i32
    %mul3A_0 = arith.muli %arg1, %mul3A : i32
    %add3A = arith.addi %mul3A_0, %arg0 : i32
    %mul3A_1 = arith.constant 128 : i32
    %mul3A_2 = arith.muli %add3A, %mul3A_1 : i32
    "tpu.region"() ({
      %run_scoped3A = tpu.sem_alloc : memref<!tpu.dma_semaphore, #tpu.memory_space<semaphore_mem>>
      tpu.enqueue_dma source(%arg3 : memref<32xf32, #tpu.memory_space<hbm>>) target(%arg9 : memref<32xf32, #tpu.memory_space<vmem>>) target_semaphore(%run_scoped3A : memref<!tpu.dma_semaphore, #tpu.memory_space<semaphore_mem>>)
      tpu.wait_dma2 semaphore(%run_scoped3A : memref<!tpu.dma_semaphore, #tpu.memory_space<semaphore_mem>>) src(%arg3 : memref<32xf32, #tpu.memory_space<hbm>>) dst(%arg9 : memref<32xf32, #tpu.memory_space<vmem>>)
      tpu.yield
    }) : () -> ()
    %get3A = arith.constant 0 : index
    %get3A_3 = tpu.vector_load %arg9[%get3A] {strides = array<i32>} : memref<32xf32, #tpu.memory_space<vmem>>, vector<16xf32>,
    %get3A_4 = arith.constant 16 : index
    %get3A_5 = tpu.vector_load %arg9[%get3A_4] {strides = array<i32>} : memref<32xf32, #tpu.memory_space<vmem>>, vector<16xf32>,
    %iota3A = tpu.iota {dimensions = array<i32: 0>} : vector<16xi32>
    %mul3A_6 = arith.constant 2049 : i32
    %mul3A_7 = vector.broadcast %mul3A_6 : i32 to vector<16xi32>
    %mul3A_8 = arith.muli %iota3A, %mul3A_7 : vector<16xi32>
    %convert_element_type3A = arith.sitofp %mul3A_8 : vector<16xi32> to vector<16xf32>
    %mul3A_9 = arith.mulf %get3A_3, %get3A_5 : vector<16xf32>
    %sub3A = arith.subf %convert_element_type3A, %mul3A_9 : vector<16xf32>
    %add3A_10 = arith.constant 3.906250e-03 : f32
    %add3A_11 = vector.broadcast %add3A_10 : f32 to vector<16xf32>
    %add3A_12 = arith.addf %sub3A, %add3A_11 : vector<16xf32>
    %broadcast_in_dim3A = arith.constant 1.000000e+00 : f32
    %broadcast_in_dim3A_13 = vector.broadcast %broadcast_in_dim3A : f32 to vector<16xf32>
    %broadcast_in_dim3A_14 = arith.constant 0.000000e+00 : f32
    %broadcast_in_dim3A_15 = vector.broadcast %broadcast_in_dim3A_14 : f32 to vector<16xf32>
    %dma_start3A = arith.constant 0 : i32
    %dma_start3A_16 = tpu.memref_slice %arg2[%mul3A_2, %dma_start3A] : memref<4096x4096xf32, #tpu.memory_space<hbm>> -> memref<8x4096xf32, #tpu.memory_space<hbm>>
    %dma_start3A_17 = arith.constant 0 : i32
    %dma_start3A_18 = tpu.memref_slice %arg2[%mul3A_2, %dma_start3A_17] : memref<4096x4096xf32, #tpu.memory_space<hbm>> -> memref<8x4096xf32, #tpu.memory_space<hbm>>
    tpu.enqueue_dma source(%dma_start3A_18 : memref<8x4096xf32, #tpu.memory_space<hbm>>) target(%arg5 : memref<8x4096xf32, #tpu.memory_space<vmem>>) target_semaphore(%arg10 : memref<!tpu.dma_semaphore, #tpu.memory_space<semaphore_mem>>)
    %parallel_loop3A = arith.constant 0 : i32
    %parallel_loop3A_19 = arith.constant 2056 : i32
    %parallel_loop3A_20 = arith.constant 1 : i32
    scf.for %parallel_loop3A_239 = %parallel_loop3A to %parallel_loop3A_19 step %parallel_loop3A_20  : i32 {
      %parallel_loop3A_240 = arith.constant 16 : i32
      %parallel_loop3A_241 = arith.muli %parallel_loop3A_239, %parallel_loop3A_240 : i32
      %parallel_loop3A_242 = arith.index_cast %parallel_loop3A_241 : i32 to index
      %parallel_loop3A_243 = tpu.vector_load %arg7[%parallel_loop3A_242] {strides = array<i32>} : memref<32896xf32, #tpu.memory_space<vmem>>, vector<16xf32>,
      tpu.vector_store %arg7[%parallel_loop3A_242], %broadcast_in_dim3A_15 {strides = array<i32>} : memref<32896xf32, #tpu.memory_space<vmem>>, vector<16xf32>,
    } {sc.loop_unroll_factor = 8 : i64, sc.parallel_access}
    %dma_wait3A = arith.constant 0 : i32
    %dma_wait3A_21 = tpu.memref_slice %arg2[%mul3A_2, %dma_wait3A] : memref<4096x4096xf32, #tpu.memory_space<hbm>> -> memref<8x4096xf32, #tpu.memory_space<hbm>>
    %dma_wait3A_22 = arith.constant 0 : i32
    %dma_wait3A_23 = tpu.memref_slice %arg2[%mul3A_2, %dma_wait3A_22] : memref<4096x4096xf32, #tpu.memory_space<hbm>> -> memref<8x4096xf32, #tpu.memory_space<hbm>>
    tpu.wait_dma2 semaphore(%arg10 : memref<!tpu.dma_semaphore, #tpu.memory_space<semaphore_mem>>) src(%dma_wait3A_23 : memref<8x4096xf32, #tpu.memory_space<hbm>>) dst(%arg5 : memref<8x4096xf32, #tpu.memory_space<vmem>>)
    %add3A_24 = arith.constant 8 : i32
    %add3A_25 = arith.addi %mul3A_2, %add3A_24 : i32
    %dma_start3A_26 = arith.constant 0 : i32
    %dma_start3A_27 = tpu.memref_slice %arg2[%add3A_25, %dma_start3A_26] : memref<4096x4096xf32, #tpu.memory_space<hbm>> -> memref<8x4096xf32, #tpu.memory_space<hbm>>
    %dma_start3A_28 = arith.constant 0 : i32
    %dma_start3A_29 = tpu.memref_slice %arg2[%add3A_25, %dma_start3A_28] : memref<4096x4096xf32, #tpu.memory_space<hbm>> -> memref<8x4096xf32, #tpu.memory_space<hbm>>
    tpu.enqueue_dma source(%dma_start3A_29 : memref<8x4096xf32, #tpu.memory_space<hbm>>) target(%arg6 : memref<8x4096xf32, #tpu.memory_space<vmem>>) target_semaphore(%arg11 : memref<!tpu.dma_semaphore, #tpu.memory_space<semaphore_mem>>)
    %parallel_loop3A_30 = arith.constant 0 : i32
    %parallel_loop3A_31 = arith.constant 2048 : i32
    %parallel_loop3A_32 = arith.constant 1 : i32
    scf.for %parallel_loop3A_239 = %parallel_loop3A_30 to %parallel_loop3A_31 step %parallel_loop3A_32  : i32 {
      %parallel_loop3A_240 = arith.constant 8 : i32
      %parallel_loop3A_241 = arith.shrsi %parallel_loop3A_239, %parallel_loop3A_240 : i32
      %parallel_loop3A_242 = arith.constant 255 : i32
      %parallel_loop3A_243 = arith.andi %parallel_loop3A_239, %parallel_loop3A_242 : i32
      %parallel_loop3A_244 = arith.constant 16 : i32
      %parallel_loop3A_245 = arith.muli %parallel_loop3A_243, %parallel_loop3A_244 : i32
      %parallel_loop3A_246 = arith.index_cast %parallel_loop3A_241 : i32 to index
      %parallel_loop3A_247 = arith.index_cast %parallel_loop3A_245 : i32 to index
      %parallel_loop3A_248 = tpu.vector_load %arg5[%parallel_loop3A_246, %parallel_loop3A_247] {strides = array<i32>} : memref<8x4096xf32, #tpu.memory_space<vmem>>, vector<16xf32>,
      %parallel_loop3A_249 = arith.mulf %parallel_loop3A_248, %get3A_5 : vector<16xf32>
      %parallel_loop3A_250 = arith.addf %parallel_loop3A_249, %add3A_12 : vector<16xf32>
      %parallel_loop3A_251 = arith.fptosi %parallel_loop3A_250 : vector<16xf32> to vector<16xi32>
      tpu.vector_store_idx %arg7[%parallel_loop3A_251], %broadcast_in_dim3A_13 {add = true} : memref<32896xf32, #tpu.memory_space<vmem>>[vector<16xi32>], vector<16xf32>,
    } {sc.loop_unroll_factor = 8 : i64, sc.parallel_access}
    %dma_wait3A_33 = arith.constant 0 : i32
    %dma_wait3A_34 = tpu.memref_slice %arg2[%add3A_25, %dma_wait3A_33] : memref<4096x4096xf32, #tpu.memory_space<hbm>> -> memref<8x4096xf32, #tpu.memory_space<hbm>>
    %dma_wait3A_35 = arith.constant 0 : i32
    %dma_wait3A_36 = tpu.memref_slice %arg2[%add3A_25, %dma_wait3A_35] : memref<4096x4096xf32, #tpu.memory_space<hbm>> -> memref<8x4096xf32, #tpu.memory_space<hbm>>
    tpu.wait_dma2 semaphore(%arg11 : memref<!tpu.dma_semaphore, #tpu.memory_space<semaphore_mem>>) src(%dma_wait3A_36 : memref<8x4096xf32, #tpu.memory_space<hbm>>) dst(%arg6 : memref<8x4096xf32, #tpu.memory_space<vmem>>)
    %add3A_37 = arith.constant 16 : i32
    %add3A_38 = arith.addi %mul3A_2, %add3A_37 : i32
    %dma_start3A_39 = arith.constant 0 : i32
    %dma_start3A_40 = tpu.memref_slice %arg2[%add3A_38, %dma_start3A_39] : memref<4096x4096xf32, #tpu.memory_space<hbm>> -> memref<8x4096xf32, #tpu.memory_space<hbm>>
    %dma_start3A_41 = arith.constant 0 : i32
    %dma_start3A_42 = tpu.memref_slice %arg2[%add3A_38, %dma_start3A_41] : memref<4096x4096xf32, #tpu.memory_space<hbm>> -> memref<8x4096xf32, #tpu.memory_space<hbm>>
    tpu.enqueue_dma source(%dma_start3A_42 : memref<8x4096xf32, #tpu.memory_space<hbm>>) target(%arg5 : memref<8x4096xf32, #tpu.memory_space<vmem>>) target_semaphore(%arg10 : memref<!tpu.dma_semaphore, #tpu.memory_space<semaphore_mem>>)
    %parallel_loop3A_43 = arith.constant 0 : i32
    %parallel_loop3A_44 = arith.constant 2048 : i32
    %parallel_loop3A_45 = arith.constant 1 : i32
    scf.for %parallel_loop3A_239 = %parallel_loop3A_43 to %parallel_loop3A_44 step %parallel_loop3A_45  : i32 {
      %parallel_loop3A_240 = arith.constant 8 : i32
      %parallel_loop3A_241 = arith.shrsi %parallel_loop3A_239, %parallel_loop3A_240 : i32
      %parallel_loop3A_242 = arith.constant 255 : i32
      %parallel_loop3A_243 = arith.andi %parallel_loop3A_239, %parallel_loop3A_242 : i32
      %parallel_loop3A_244 = arith.constant 16 : i32
      %parallel_loop3A_245 = arith.muli %parallel_loop3A_243, %parallel_loop3A_244 : i32
      %parallel_loop3A_246 = arith.index_cast %parallel_loop3A_241 : i32 to index
      %parallel_loop3A_247 = arith.index_cast %parallel_loop3A_245 : i32 to index
      %parallel_loop3A_248 = tpu.vector_load %arg6[%parallel_loop3A_246, %parallel_loop3A_247] {strides = array<i32>} : memref<8x4096xf32, #tpu.memory_space<vmem>>, vector<16xf32>,
      %parallel_loop3A_249 = arith.mulf %parallel_loop3A_248, %get3A_5 : vector<16xf32>
      %parallel_loop3A_250 = arith.addf %parallel_loop3A_249, %add3A_12 : vector<16xf32>
      %parallel_loop3A_251 = arith.fptosi %parallel_loop3A_250 : vector<16xf32> to vector<16xi32>
      tpu.vector_store_idx %arg7[%parallel_loop3A_251], %broadcast_in_dim3A_13 {add = true} : memref<32896xf32, #tpu.memory_space<vmem>>[vector<16xi32>], vector<16xf32>,
    } {sc.loop_unroll_factor = 8 : i64, sc.parallel_access}
    %dma_wait3A_46 = arith.constant 0 : i32
    %dma_wait3A_47 = tpu.memref_slice %arg2[%add3A_38, %dma_wait3A_46] : memref<4096x4096xf32, #tpu.memory_space<hbm>> -> memref<8x4096xf32, #tpu.memory_space<hbm>>
    %dma_wait3A_48 = arith.constant 0 : i32
    %dma_wait3A_49 = tpu.memref_slice %arg2[%add3A_38, %dma_wait3A_48] : memref<4096x4096xf32, #tpu.memory_space<hbm>> -> memref<8x4096xf32, #tpu.memory_space<hbm>>
    tpu.wait_dma2 semaphore(%arg10 : memref<!tpu.dma_semaphore, #tpu.memory_space<semaphore_mem>>) src(%dma_wait3A_49 : memref<8x4096xf32, #tpu.memory_space<hbm>>) dst(%arg5 : memref<8x4096xf32, #tpu.memory_space<vmem>>)
    %add3A_50 = arith.constant 24 : i32
    %add3A_51 = arith.addi %mul3A_2, %add3A_50 : i32
    %dma_start3A_52 = arith.constant 0 : i32
    %dma_start3A_53 = tpu.memref_slice %arg2[%add3A_51, %dma_start3A_52] : memref<4096x4096xf32, #tpu.memory_space<hbm>> -> memref<8x4096xf32, #tpu.memory_space<hbm>>
    %dma_start3A_54 = arith.constant 0 : i32
    %dma_start3A_55 = tpu.memref_slice %arg2[%add3A_51, %dma_start3A_54] : memref<4096x4096xf32, #tpu.memory_space<hbm>> -> memref<8x4096xf32, #tpu.memory_space<hbm>>
    tpu.enqueue_dma source(%dma_start3A_55 : memref<8x4096xf32, #tpu.memory_space<hbm>>) target(%arg6 : memref<8x4096xf32, #tpu.memory_space<vmem>>) target_semaphore(%arg11 : memref<!tpu.dma_semaphore, #tpu.memory_space<semaphore_mem>>)
    %parallel_loop3A_56 = arith.constant 0 : i32
    %parallel_loop3A_57 = arith.constant 2048 : i32
    %parallel_loop3A_58 = arith.constant 1 : i32
    scf.for %parallel_loop3A_239 = %parallel_loop3A_56 to %parallel_loop3A_57 step %parallel_loop3A_58  : i32 {
      %parallel_loop3A_240 = arith.constant 8 : i32
      %parallel_loop3A_241 = arith.shrsi %parallel_loop3A_239, %parallel_loop3A_240 : i32
      %parallel_loop3A_242 = arith.constant 255 : i32
      %parallel_loop3A_243 = arith.andi %parallel_loop3A_239, %parallel_loop3A_242 : i32
      %parallel_loop3A_244 = arith.constant 16 : i32
      %parallel_loop3A_245 = arith.muli %parallel_loop3A_243, %parallel_loop3A_244 : i32
      %parallel_loop3A_246 = arith.index_cast %parallel_loop3A_241 : i32 to index
      %parallel_loop3A_247 = arith.index_cast %parallel_loop3A_245 : i32 to index
      %parallel_loop3A_248 = tpu.vector_load %arg5[%parallel_loop3A_246, %parallel_loop3A_247] {strides = array<i32>} : memref<8x4096xf32, #tpu.memory_space<vmem>>, vector<16xf32>,
      %parallel_loop3A_249 = arith.mulf %parallel_loop3A_248, %get3A_5 : vector<16xf32>
      %parallel_loop3A_250 = arith.addf %parallel_loop3A_249, %add3A_12 : vector<16xf32>
      %parallel_loop3A_251 = arith.fptosi %parallel_loop3A_250 : vector<16xf32> to vector<16xi32>
      tpu.vector_store_idx %arg7[%parallel_loop3A_251], %broadcast_in_dim3A_13 {add = true} : memref<32896xf32, #tpu.memory_space<vmem>>[vector<16xi32>], vector<16xf32>,
    } {sc.loop_unroll_factor = 8 : i64, sc.parallel_access}
    %dma_wait3A_59 = arith.constant 0 : i32
    %dma_wait3A_60 = tpu.memref_slice %arg2[%add3A_51, %dma_wait3A_59] : memref<4096x4096xf32, #tpu.memory_space<hbm>> -> memref<8x4096xf32, #tpu.memory_space<hbm>>
    %dma_wait3A_61 = arith.constant 0 : i32
    %dma_wait3A_62 = tpu.memref_slice %arg2[%add3A_51, %dma_wait3A_61] : memref<4096x4096xf32, #tpu.memory_space<hbm>> -> memref<8x4096xf32, #tpu.memory_space<hbm>>
    tpu.wait_dma2 semaphore(%arg11 : memref<!tpu.dma_semaphore, #tpu.memory_space<semaphore_mem>>) src(%dma_wait3A_62 : memref<8x4096xf32, #tpu.memory_space<hbm>>) dst(%arg6 : memref<8x4096xf32, #tpu.memory_space<vmem>>)
    %add3A_63 = arith.constant 32 : i32
    %add3A_64 = arith.addi %mul3A_2, %add3A_63 : i32
    %dma_start3A_65 = arith.constant 0 : i32
    %dma_start3A_66 = tpu.memref_slice %arg2[%add3A_64, %dma_start3A_65] : memref<4096x4096xf32, #tpu.memory_space<hbm>> -> memref<8x4096xf32, #tpu.memory_space<hbm>>
    %dma_start3A_67 = arith.constant 0 : i32
    %dma_start3A_68 = tpu.memref_slice %arg2[%add3A_64, %dma_start3A_67] : memref<4096x4096xf32, #tpu.memory_space<hbm>> -> memref<8x4096xf32, #tpu.memory_space<hbm>>
    tpu.enqueue_dma source(%dma_start3A_68 : memref<8x4096xf32, #tpu.memory_space<hbm>>) target(%arg5 : memref<8x4096xf32, #tpu.memory_space<vmem>>) target_semaphore(%arg10 : memref<!tpu.dma_semaphore, #tpu.memory_space<semaphore_mem>>)
    %parallel_loop3A_69 = arith.constant 0 : i32
    %parallel_loop3A_70 = arith.constant 2048 : i32
    %parallel_loop3A_71 = arith.constant 1 : i32
    scf.for %parallel_loop3A_239 = %parallel_loop3A_69 to %parallel_loop3A_70 step %parallel_loop3A_71  : i32 {
      %parallel_loop3A_240 = arith.constant 8 : i32
      %parallel_loop3A_241 = arith.shrsi %parallel_loop3A_239, %parallel_loop3A_240 : i32
      %parallel_loop3A_242 = arith.constant 255 : i32
      %parallel_loop3A_243 = arith.andi %parallel_loop3A_239, %parallel_loop3A_242 : i32
      %parallel_loop3A_244 = arith.constant 16 : i32
      %parallel_loop3A_245 = arith.muli %parallel_loop3A_243, %parallel_loop3A_244 : i32
      %parallel_loop3A_246 = arith.index_cast %parallel_loop3A_241 : i32 to index
      %parallel_loop3A_247 = arith.index_cast %parallel_loop3A_245 : i32 to index
      %parallel_loop3A_248 = tpu.vector_load %arg6[%parallel_loop3A_246, %parallel_loop3A_247] {strides = array<i32>} : memref<8x4096xf32, #tpu.memory_space<vmem>>, vector<16xf32>,
      %parallel_loop3A_249 = arith.mulf %parallel_loop3A_248, %get3A_5 : vector<16xf32>
      %parallel_loop3A_250 = arith.addf %parallel_loop3A_249, %add3A_12 : vector<16xf32>
      %parallel_loop3A_251 = arith.fptosi %parallel_loop3A_250 : vector<16xf32> to vector<16xi32>
      tpu.vector_store_idx %arg7[%parallel_loop3A_251], %broadcast_in_dim3A_13 {add = true} : memref<32896xf32, #tpu.memory_space<vmem>>[vector<16xi32>], vector<16xf32>,
    } {sc.loop_unroll_factor = 8 : i64, sc.parallel_access}
    %dma_wait3A_72 = arith.constant 0 : i32
    %dma_wait3A_73 = tpu.memref_slice %arg2[%add3A_64, %dma_wait3A_72] : memref<4096x4096xf32, #tpu.memory_space<hbm>> -> memref<8x4096xf32, #tpu.memory_space<hbm>>
    %dma_wait3A_74 = arith.constant 0 : i32
    %dma_wait3A_75 = tpu.memref_slice %arg2[%add3A_64, %dma_wait3A_74] : memref<4096x4096xf32, #tpu.memory_space<hbm>> -> memref<8x4096xf32, #tpu.memory_space<hbm>>
    tpu.wait_dma2 semaphore(%arg10 : memref<!tpu.dma_semaphore, #tpu.memory_space<semaphore_mem>>) src(%dma_wait3A_75 : memref<8x4096xf32, #tpu.memory_space<hbm>>) dst(%arg5 : memref<8x4096xf32, #tpu.memory_space<vmem>>)
    %add3A_76 = arith.constant 40 : i32
    %add3A_77 = arith.addi %mul3A_2, %add3A_76 : i32
    %dma_start3A_78 = arith.constant 0 : i32
    %dma_start3A_79 = tpu.memref_slice %arg2[%add3A_77, %dma_start3A_78] : memref<4096x4096xf32, #tpu.memory_space<hbm>> -> memref<8x4096xf32, #tpu.memory_space<hbm>>
    %dma_start3A_80 = arith.constant 0 : i32
    %dma_start3A_81 = tpu.memref_slice %arg2[%add3A_77, %dma_start3A_80] : memref<4096x4096xf32, #tpu.memory_space<hbm>> -> memref<8x4096xf32, #tpu.memory_space<hbm>>
    tpu.enqueue_dma source(%dma_start3A_81 : memref<8x4096xf32, #tpu.memory_space<hbm>>) target(%arg6 : memref<8x4096xf32, #tpu.memory_space<vmem>>) target_semaphore(%arg11 : memref<!tpu.dma_semaphore, #tpu.memory_space<semaphore_mem>>)
    %parallel_loop3A_82 = arith.constant 0 : i32
    %parallel_loop3A_83 = arith.constant 2048 : i32
    %parallel_loop3A_84 = arith.constant 1 : i32
    scf.for %parallel_loop3A_239 = %parallel_loop3A_82 to %parallel_loop3A_83 step %parallel_loop3A_84  : i32 {
      %parallel_loop3A_240 = arith.constant 8 : i32
      %parallel_loop3A_241 = arith.shrsi %parallel_loop3A_239, %parallel_loop3A_240 : i32
      %parallel_loop3A_242 = arith.constant 255 : i32
      %parallel_loop3A_243 = arith.andi %parallel_loop3A_239, %parallel_loop3A_242 : i32
      %parallel_loop3A_244 = arith.constant 16 : i32
      %parallel_loop3A_245 = arith.muli %parallel_loop3A_243, %parallel_loop3A_244 : i32
      %parallel_loop3A_246 = arith.index_cast %parallel_loop3A_241 : i32 to index
      %parallel_loop3A_247 = arith.index_cast %parallel_loop3A_245 : i32 to index
      %parallel_loop3A_248 = tpu.vector_load %arg5[%parallel_loop3A_246, %parallel_loop3A_247] {strides = array<i32>} : memref<8x4096xf32, #tpu.memory_space<vmem>>, vector<16xf32>,
      %parallel_loop3A_249 = arith.mulf %parallel_loop3A_248, %get3A_5 : vector<16xf32>
      %parallel_loop3A_250 = arith.addf %parallel_loop3A_249, %add3A_12 : vector<16xf32>
      %parallel_loop3A_251 = arith.fptosi %parallel_loop3A_250 : vector<16xf32> to vector<16xi32>
      tpu.vector_store_idx %arg7[%parallel_loop3A_251], %broadcast_in_dim3A_13 {add = true} : memref<32896xf32, #tpu.memory_space<vmem>>[vector<16xi32>], vector<16xf32>,
    } {sc.loop_unroll_factor = 8 : i64, sc.parallel_access}
    %dma_wait3A_85 = arith.constant 0 : i32
    %dma_wait3A_86 = tpu.memref_slice %arg2[%add3A_77, %dma_wait3A_85] : memref<4096x4096xf32, #tpu.memory_space<hbm>> -> memref<8x4096xf32, #tpu.memory_space<hbm>>
    %dma_wait3A_87 = arith.constant 0 : i32
    %dma_wait3A_88 = tpu.memref_slice %arg2[%add3A_77, %dma_wait3A_87] : memref<4096x4096xf32, #tpu.memory_space<hbm>> -> memref<8x4096xf32, #tpu.memory_space<hbm>>
    tpu.wait_dma2 semaphore(%arg11 : memref<!tpu.dma_semaphore, #tpu.memory_space<semaphore_mem>>) src(%dma_wait3A_88 : memref<8x4096xf32, #tpu.memory_space<hbm>>) dst(%arg6 : memref<8x4096xf32, #tpu.memory_space<vmem>>)
    %add3A_89 = arith.constant 48 : i32
    %add3A_90 = arith.addi %mul3A_2, %add3A_89 : i32
    %dma_start3A_91 = arith.constant 0 : i32
    %dma_start3A_92 = tpu.memref_slice %arg2[%add3A_90, %dma_start3A_91] : memref<4096x4096xf32, #tpu.memory_space<hbm>> -> memref<8x4096xf32, #tpu.memory_space<hbm>>
    %dma_start3A_93 = arith.constant 0 : i32
    %dma_start3A_94 = tpu.memref_slice %arg2[%add3A_90, %dma_start3A_93] : memref<4096x4096xf32, #tpu.memory_space<hbm>> -> memref<8x4096xf32, #tpu.memory_space<hbm>>
    tpu.enqueue_dma source(%dma_start3A_94 : memref<8x4096xf32, #tpu.memory_space<hbm>>) target(%arg5 : memref<8x4096xf32, #tpu.memory_space<vmem>>) target_semaphore(%arg10 : memref<!tpu.dma_semaphore, #tpu.memory_space<semaphore_mem>>)
    %parallel_loop3A_95 = arith.constant 0 : i32
    %parallel_loop3A_96 = arith.constant 2048 : i32
    %parallel_loop3A_97 = arith.constant 1 : i32
    scf.for %parallel_loop3A_239 = %parallel_loop3A_95 to %parallel_loop3A_96 step %parallel_loop3A_97  : i32 {
      %parallel_loop3A_240 = arith.constant 8 : i32
      %parallel_loop3A_241 = arith.shrsi %parallel_loop3A_239, %parallel_loop3A_240 : i32
      %parallel_loop3A_242 = arith.constant 255 : i32
      %parallel_loop3A_243 = arith.andi %parallel_loop3A_239, %parallel_loop3A_242 : i32
      %parallel_loop3A_244 = arith.constant 16 : i32
      %parallel_loop3A_245 = arith.muli %parallel_loop3A_243, %parallel_loop3A_244 : i32
      %parallel_loop3A_246 = arith.index_cast %parallel_loop3A_241 : i32 to index
      %parallel_loop3A_247 = arith.index_cast %parallel_loop3A_245 : i32 to index
      %parallel_loop3A_248 = tpu.vector_load %arg6[%parallel_loop3A_246, %parallel_loop3A_247] {strides = array<i32>} : memref<8x4096xf32, #tpu.memory_space<vmem>>, vector<16xf32>,
      %parallel_loop3A_249 = arith.mulf %parallel_loop3A_248, %get3A_5 : vector<16xf32>
      %parallel_loop3A_250 = arith.addf %parallel_loop3A_249, %add3A_12 : vector<16xf32>
      %parallel_loop3A_251 = arith.fptosi %parallel_loop3A_250 : vector<16xf32> to vector<16xi32>
      tpu.vector_store_idx %arg7[%parallel_loop3A_251], %broadcast_in_dim3A_13 {add = true} : memref<32896xf32, #tpu.memory_space<vmem>>[vector<16xi32>], vector<16xf32>,
    } {sc.loop_unroll_factor = 8 : i64, sc.parallel_access}
    %dma_wait3A_98 = arith.constant 0 : i32
    %dma_wait3A_99 = tpu.memref_slice %arg2[%add3A_90, %dma_wait3A_98] : memref<4096x4096xf32, #tpu.memory_space<hbm>> -> memref<8x4096xf32, #tpu.memory_space<hbm>>
    %dma_wait3A_100 = arith.constant 0 : i32
    %dma_wait3A_101 = tpu.memref_slice %arg2[%add3A_90, %dma_wait3A_100] : memref<4096x4096xf32, #tpu.memory_space<hbm>> -> memref<8x4096xf32, #tpu.memory_space<hbm>>
    tpu.wait_dma2 semaphore(%arg10 : memref<!tpu.dma_semaphore, #tpu.memory_space<semaphore_mem>>) src(%dma_wait3A_101 : memref<8x4096xf32, #tpu.memory_space<hbm>>) dst(%arg5 : memref<8x4096xf32, #tpu.memory_space<vmem>>)
    %add3A_102 = arith.constant 56 : i32
    %add3A_103 = arith.addi %mul3A_2, %add3A_102 : i32
    %dma_start3A_104 = arith.constant 0 : i32
    %dma_start3A_105 = tpu.memref_slice %arg2[%add3A_103, %dma_start3A_104] : memref<4096x4096xf32, #tpu.memory_space<hbm>> -> memref<8x4096xf32, #tpu.memory_space<hbm>>
    %dma_start3A_106 = arith.constant 0 : i32
    %dma_start3A_107 = tpu.memref_slice %arg2[%add3A_103, %dma_start3A_106] : memref<4096x4096xf32, #tpu.memory_space<hbm>> -> memref<8x4096xf32, #tpu.memory_space<hbm>>
    tpu.enqueue_dma source(%dma_start3A_107 : memref<8x4096xf32, #tpu.memory_space<hbm>>) target(%arg6 : memref<8x4096xf32, #tpu.memory_space<vmem>>) target_semaphore(%arg11 : memref<!tpu.dma_semaphore, #tpu.memory_space<semaphore_mem>>)
    %parallel_loop3A_108 = arith.constant 0 : i32
    %parallel_loop3A_109 = arith.constant 2048 : i32
    %parallel_loop3A_110 = arith.constant 1 : i32
    scf.for %parallel_loop3A_239 = %parallel_loop3A_108 to %parallel_loop3A_109 step %parallel_loop3A_110  : i32 {
      %parallel_loop3A_240 = arith.constant 8 : i32
      %parallel_loop3A_241 = arith.shrsi %parallel_loop3A_239, %parallel_loop3A_240 : i32
      %parallel_loop3A_242 = arith.constant 255 : i32
      %parallel_loop3A_243 = arith.andi %parallel_loop3A_239, %parallel_loop3A_242 : i32
      %parallel_loop3A_244 = arith.constant 16 : i32
      %parallel_loop3A_245 = arith.muli %parallel_loop3A_243, %parallel_loop3A_244 : i32
      %parallel_loop3A_246 = arith.index_cast %parallel_loop3A_241 : i32 to index
      %parallel_loop3A_247 = arith.index_cast %parallel_loop3A_245 : i32 to index
      %parallel_loop3A_248 = tpu.vector_load %arg5[%parallel_loop3A_246, %parallel_loop3A_247] {strides = array<i32>} : memref<8x4096xf32, #tpu.memory_space<vmem>>, vector<16xf32>,
      %parallel_loop3A_249 = arith.mulf %parallel_loop3A_248, %get3A_5 : vector<16xf32>
      %parallel_loop3A_250 = arith.addf %parallel_loop3A_249, %add3A_12 : vector<16xf32>
      %parallel_loop3A_251 = arith.fptosi %parallel_loop3A_250 : vector<16xf32> to vector<16xi32>
      tpu.vector_store_idx %arg7[%parallel_loop3A_251], %broadcast_in_dim3A_13 {add = true} : memref<32896xf32, #tpu.memory_space<vmem>>[vector<16xi32>], vector<16xf32>,
    } {sc.loop_unroll_factor = 8 : i64, sc.parallel_access}
    %dma_wait3A_111 = arith.constant 0 : i32
    %dma_wait3A_112 = tpu.memref_slice %arg2[%add3A_103, %dma_wait3A_111] : memref<4096x4096xf32, #tpu.memory_space<hbm>> -> memref<8x4096xf32, #tpu.memory_space<hbm>>
    %dma_wait3A_113 = arith.constant 0 : i32
    %dma_wait3A_114 = tpu.memref_slice %arg2[%add3A_103, %dma_wait3A_113] : memref<4096x4096xf32, #tpu.memory_space<hbm>> -> memref<8x4096xf32, #tpu.memory_space<hbm>>
    tpu.wait_dma2 semaphore(%arg11 : memref<!tpu.dma_semaphore, #tpu.memory_space<semaphore_mem>>) src(%dma_wait3A_114 : memref<8x4096xf32, #tpu.memory_space<hbm>>) dst(%arg6 : memref<8x4096xf32, #tpu.memory_space<vmem>>)
    %add3A_115 = arith.constant 64 : i32
    %add3A_116 = arith.addi %mul3A_2, %add3A_115 : i32
    %dma_start3A_117 = arith.constant 0 : i32
    %dma_start3A_118 = tpu.memref_slice %arg2[%add3A_116, %dma_start3A_117] : memref<4096x4096xf32, #tpu.memory_space<hbm>> -> memref<8x4096xf32, #tpu.memory_space<hbm>>
    %dma_start3A_119 = arith.constant 0 : i32
    %dma_start3A_120 = tpu.memref_slice %arg2[%add3A_116, %dma_start3A_119] : memref<4096x4096xf32, #tpu.memory_space<hbm>> -> memref<8x4096xf32, #tpu.memory_space<hbm>>
    tpu.enqueue_dma source(%dma_start3A_120 : memref<8x4096xf32, #tpu.memory_space<hbm>>) target(%arg5 : memref<8x4096xf32, #tpu.memory_space<vmem>>) target_semaphore(%arg10 : memref<!tpu.dma_semaphore, #tpu.memory_space<semaphore_mem>>)
    %parallel_loop3A_121 = arith.constant 0 : i32
    %parallel_loop3A_122 = arith.constant 2048 : i32
    %parallel_loop3A_123 = arith.constant 1 : i32
    scf.for %parallel_loop3A_239 = %parallel_loop3A_121 to %parallel_loop3A_122 step %parallel_loop3A_123  : i32 {
      %parallel_loop3A_240 = arith.constant 8 : i32
      %parallel_loop3A_241 = arith.shrsi %parallel_loop3A_239, %parallel_loop3A_240 : i32
      %parallel_loop3A_242 = arith.constant 255 : i32
      %parallel_loop3A_243 = arith.andi %parallel_loop3A_239, %parallel_loop3A_242 : i32
      %parallel_loop3A_244 = arith.constant 16 : i32
      %parallel_loop3A_245 = arith.muli %parallel_loop3A_243, %parallel_loop3A_244 : i32
      %parallel_loop3A_246 = arith.index_cast %parallel_loop3A_241 : i32 to index
      %parallel_loop3A_247 = arith.index_cast %parallel_loop3A_245 : i32 to index
      %parallel_loop3A_248 = tpu.vector_load %arg6[%parallel_loop3A_246, %parallel_loop3A_247] {strides = array<i32>} : memref<8x4096xf32, #tpu.memory_space<vmem>>, vector<16xf32>,
      %parallel_loop3A_249 = arith.mulf %parallel_loop3A_248, %get3A_5 : vector<16xf32>
      %parallel_loop3A_250 = arith.addf %parallel_loop3A_249, %add3A_12 : vector<16xf32>
      %parallel_loop3A_251 = arith.fptosi %parallel_loop3A_250 : vector<16xf32> to vector<16xi32>
      tpu.vector_store_idx %arg7[%parallel_loop3A_251], %broadcast_in_dim3A_13 {add = true} : memref<32896xf32, #tpu.memory_space<vmem>>[vector<16xi32>], vector<16xf32>,
    } {sc.loop_unroll_factor = 8 : i64, sc.parallel_access}
    %dma_wait3A_124 = arith.constant 0 : i32
    %dma_wait3A_125 = tpu.memref_slice %arg2[%add3A_116, %dma_wait3A_124] : memref<4096x4096xf32, #tpu.memory_space<hbm>> -> memref<8x4096xf32, #tpu.memory_space<hbm>>
    %dma_wait3A_126 = arith.constant 0 : i32
    %dma_wait3A_127 = tpu.memref_slice %arg2[%add3A_116, %dma_wait3A_126] : memref<4096x4096xf32, #tpu.memory_space<hbm>> -> memref<8x4096xf32, #tpu.memory_space<hbm>>
    tpu.wait_dma2 semaphore(%arg10 : memref<!tpu.dma_semaphore, #tpu.memory_space<semaphore_mem>>) src(%dma_wait3A_127 : memref<8x4096xf32, #tpu.memory_space<hbm>>) dst(%arg5 : memref<8x4096xf32, #tpu.memory_space<vmem>>)
    %add3A_128 = arith.constant 72 : i32
    %add3A_129 = arith.addi %mul3A_2, %add3A_128 : i32
    %dma_start3A_130 = arith.constant 0 : i32
    %dma_start3A_131 = tpu.memref_slice %arg2[%add3A_129, %dma_start3A_130] : memref<4096x4096xf32, #tpu.memory_space<hbm>> -> memref<8x4096xf32, #tpu.memory_space<hbm>>
    %dma_start3A_132 = arith.constant 0 : i32
    %dma_start3A_133 = tpu.memref_slice %arg2[%add3A_129, %dma_start3A_132] : memref<4096x4096xf32, #tpu.memory_space<hbm>> -> memref<8x4096xf32, #tpu.memory_space<hbm>>
    tpu.enqueue_dma source(%dma_start3A_133 : memref<8x4096xf32, #tpu.memory_space<hbm>>) target(%arg6 : memref<8x4096xf32, #tpu.memory_space<vmem>>) target_semaphore(%arg11 : memref<!tpu.dma_semaphore, #tpu.memory_space<semaphore_mem>>)
    %parallel_loop3A_134 = arith.constant 0 : i32
    %parallel_loop3A_135 = arith.constant 2048 : i32
    %parallel_loop3A_136 = arith.constant 1 : i32
    scf.for %parallel_loop3A_239 = %parallel_loop3A_134 to %parallel_loop3A_135 step %parallel_loop3A_136  : i32 {
      %parallel_loop3A_240 = arith.constant 8 : i32
      %parallel_loop3A_241 = arith.shrsi %parallel_loop3A_239, %parallel_loop3A_240 : i32
      %parallel_loop3A_242 = arith.constant 255 : i32
      %parallel_loop3A_243 = arith.andi %parallel_loop3A_239, %parallel_loop3A_242 : i32
      %parallel_loop3A_244 = arith.constant 16 : i32
      %parallel_loop3A_245 = arith.muli %parallel_loop3A_243, %parallel_loop3A_244 : i32
      %parallel_loop3A_246 = arith.index_cast %parallel_loop3A_241 : i32 to index
      %parallel_loop3A_247 = arith.index_cast %parallel_loop3A_245 : i32 to index
      %parallel_loop3A_248 = tpu.vector_load %arg5[%parallel_loop3A_246, %parallel_loop3A_247] {strides = array<i32>} : memref<8x4096xf32, #tpu.memory_space<vmem>>, vector<16xf32>,
      %parallel_loop3A_249 = arith.mulf %parallel_loop3A_248, %get3A_5 : vector<16xf32>
      %parallel_loop3A_250 = arith.addf %parallel_loop3A_249, %add3A_12 : vector<16xf32>
      %parallel_loop3A_251 = arith.fptosi %parallel_loop3A_250 : vector<16xf32> to vector<16xi32>
      tpu.vector_store_idx %arg7[%parallel_loop3A_251], %broadcast_in_dim3A_13 {add = true} : memref<32896xf32, #tpu.memory_space<vmem>>[vector<16xi32>], vector<16xf32>,
    } {sc.loop_unroll_factor = 8 : i64, sc.parallel_access}
    %dma_wait3A_137 = arith.constant 0 : i32
    %dma_wait3A_138 = tpu.memref_slice %arg2[%add3A_129, %dma_wait3A_137] : memref<4096x4096xf32, #tpu.memory_space<hbm>> -> memref<8x4096xf32, #tpu.memory_space<hbm>>
    %dma_wait3A_139 = arith.constant 0 : i32
    %dma_wait3A_140 = tpu.memref_slice %arg2[%add3A_129, %dma_wait3A_139] : memref<4096x4096xf32, #tpu.memory_space<hbm>> -> memref<8x4096xf32, #tpu.memory_space<hbm>>
    tpu.wait_dma2 semaphore(%arg11 : memref<!tpu.dma_semaphore, #tpu.memory_space<semaphore_mem>>) src(%dma_wait3A_140 : memref<8x4096xf32, #tpu.memory_space<hbm>>) dst(%arg6 : memref<8x4096xf32, #tpu.memory_space<vmem>>)
    %add3A_141 = arith.constant 80 : i32
    %add3A_142 = arith.addi %mul3A_2, %add3A_141 : i32
    %dma_start3A_143 = arith.constant 0 : i32
    %dma_start3A_144 = tpu.memref_slice %arg2[%add3A_142, %dma_start3A_143] : memref<4096x4096xf32, #tpu.memory_space<hbm>> -> memref<8x4096xf32, #tpu.memory_space<hbm>>
    %dma_start3A_145 = arith.constant 0 : i32
    %dma_start3A_146 = tpu.memref_slice %arg2[%add3A_142, %dma_start3A_145] : memref<4096x4096xf32, #tpu.memory_space<hbm>> -> memref<8x4096xf32, #tpu.memory_space<hbm>>
    tpu.enqueue_dma source(%dma_start3A_146 : memref<8x4096xf32, #tpu.memory_space<hbm>>) target(%arg5 : memref<8x4096xf32, #tpu.memory_space<vmem>>) target_semaphore(%arg10 : memref<!tpu.dma_semaphore, #tpu.memory_space<semaphore_mem>>)
    %parallel_loop3A_147 = arith.constant 0 : i32
    %parallel_loop3A_148 = arith.constant 2048 : i32
    %parallel_loop3A_149 = arith.constant 1 : i32
    scf.for %parallel_loop3A_239 = %parallel_loop3A_147 to %parallel_loop3A_148 step %parallel_loop3A_149  : i32 {
      %parallel_loop3A_240 = arith.constant 8 : i32
      %parallel_loop3A_241 = arith.shrsi %parallel_loop3A_239, %parallel_loop3A_240 : i32
      %parallel_loop3A_242 = arith.constant 255 : i32
      %parallel_loop3A_243 = arith.andi %parallel_loop3A_239, %parallel_loop3A_242 : i32
      %parallel_loop3A_244 = arith.constant 16 : i32
      %parallel_loop3A_245 = arith.muli %parallel_loop3A_243, %parallel_loop3A_244 : i32
      %parallel_loop3A_246 = arith.index_cast %parallel_loop3A_241 : i32 to index
      %parallel_loop3A_247 = arith.index_cast %parallel_loop3A_245 : i32 to index
      %parallel_loop3A_248 = tpu.vector_load %arg6[%parallel_loop3A_246, %parallel_loop3A_247] {strides = array<i32>} : memref<8x4096xf32, #tpu.memory_space<vmem>>, vector<16xf32>,
      %parallel_loop3A_249 = arith.mulf %parallel_loop3A_248, %get3A_5 : vector<16xf32>
      %parallel_loop3A_250 = arith.addf %parallel_loop3A_249, %add3A_12 : vector<16xf32>
      %parallel_loop3A_251 = arith.fptosi %parallel_loop3A_250 : vector<16xf32> to vector<16xi32>
      tpu.vector_store_idx %arg7[%parallel_loop3A_251], %broadcast_in_dim3A_13 {add = true} : memref<32896xf32, #tpu.memory_space<vmem>>[vector<16xi32>], vector<16xf32>,
    } {sc.loop_unroll_factor = 8 : i64, sc.parallel_access}
    %dma_wait3A_150 = arith.constant 0 : i32
    %dma_wait3A_151 = tpu.memref_slice %arg2[%add3A_142, %dma_wait3A_150] : memref<4096x4096xf32, #tpu.memory_space<hbm>> -> memref<8x4096xf32, #tpu.memory_space<hbm>>
    %dma_wait3A_152 = arith.constant 0 : i32
    %dma_wait3A_153 = tpu.memref_slice %arg2[%add3A_142, %dma_wait3A_152] : memref<4096x4096xf32, #tpu.memory_space<hbm>> -> memref<8x4096xf32, #tpu.memory_space<hbm>>
    tpu.wait_dma2 semaphore(%arg10 : memref<!tpu.dma_semaphore, #tpu.memory_space<semaphore_mem>>) src(%dma_wait3A_153 : memref<8x4096xf32, #tpu.memory_space<hbm>>) dst(%arg5 : memref<8x4096xf32, #tpu.memory_space<vmem>>)
    %add3A_154 = arith.constant 88 : i32
    %add3A_155 = arith.addi %mul3A_2, %add3A_154 : i32
    %dma_start3A_156 = arith.constant 0 : i32
    %dma_start3A_157 = tpu.memref_slice %arg2[%add3A_155, %dma_start3A_156] : memref<4096x4096xf32, #tpu.memory_space<hbm>> -> memref<8x4096xf32, #tpu.memory_space<hbm>>
    %dma_start3A_158 = arith.constant 0 : i32
    %dma_start3A_159 = tpu.memref_slice %arg2[%add3A_155, %dma_start3A_158] : memref<4096x4096xf32, #tpu.memory_space<hbm>> -> memref<8x4096xf32, #tpu.memory_space<hbm>>
    tpu.enqueue_dma source(%dma_start3A_159 : memref<8x4096xf32, #tpu.memory_space<hbm>>) target(%arg6 : memref<8x4096xf32, #tpu.memory_space<vmem>>) target_semaphore(%arg11 : memref<!tpu.dma_semaphore, #tpu.memory_space<semaphore_mem>>)
    %parallel_loop3A_160 = arith.constant 0 : i32
    %parallel_loop3A_161 = arith.constant 2048 : i32
    %parallel_loop3A_162 = arith.constant 1 : i32
    scf.for %parallel_loop3A_239 = %parallel_loop3A_160 to %parallel_loop3A_161 step %parallel_loop3A_162  : i32 {
      %parallel_loop3A_240 = arith.constant 8 : i32
      %parallel_loop3A_241 = arith.shrsi %parallel_loop3A_239, %parallel_loop3A_240 : i32
      %parallel_loop3A_242 = arith.constant 255 : i32
      %parallel_loop3A_243 = arith.andi %parallel_loop3A_239, %parallel_loop3A_242 : i32
      %parallel_loop3A_244 = arith.constant 16 : i32
      %parallel_loop3A_245 = arith.muli %parallel_loop3A_243, %parallel_loop3A_244 : i32
      %parallel_loop3A_246 = arith.index_cast %parallel_loop3A_241 : i32 to index
      %parallel_loop3A_247 = arith.index_cast %parallel_loop3A_245 : i32 to index
      %parallel_loop3A_248 = tpu.vector_load %arg5[%parallel_loop3A_246, %parallel_loop3A_247] {strides = array<i32>} : memref<8x4096xf32, #tpu.memory_space<vmem>>, vector<16xf32>,
      %parallel_loop3A_249 = arith.mulf %parallel_loop3A_248, %get3A_5 : vector<16xf32>
      %parallel_loop3A_250 = arith.addf %parallel_loop3A_249, %add3A_12 : vector<16xf32>
      %parallel_loop3A_251 = arith.fptosi %parallel_loop3A_250 : vector<16xf32> to vector<16xi32>
      tpu.vector_store_idx %arg7[%parallel_loop3A_251], %broadcast_in_dim3A_13 {add = true} : memref<32896xf32, #tpu.memory_space<vmem>>[vector<16xi32>], vector<16xf32>,
    } {sc.loop_unroll_factor = 8 : i64, sc.parallel_access}
    %dma_wait3A_163 = arith.constant 0 : i32
    %dma_wait3A_164 = tpu.memref_slice %arg2[%add3A_155, %dma_wait3A_163] : memref<4096x4096xf32, #tpu.memory_space<hbm>> -> memref<8x4096xf32, #tpu.memory_space<hbm>>
    %dma_wait3A_165 = arith.constant 0 : i32
    %dma_wait3A_166 = tpu.memref_slice %arg2[%add3A_155, %dma_wait3A_165] : memref<4096x4096xf32, #tpu.memory_space<hbm>> -> memref<8x4096xf32, #tpu.memory_space<hbm>>
    tpu.wait_dma2 semaphore(%arg11 : memref<!tpu.dma_semaphore, #tpu.memory_space<semaphore_mem>>) src(%dma_wait3A_166 : memref<8x4096xf32, #tpu.memory_space<hbm>>) dst(%arg6 : memref<8x4096xf32, #tpu.memory_space<vmem>>)
    %add3A_167 = arith.constant 96 : i32
    %add3A_168 = arith.addi %mul3A_2, %add3A_167 : i32
    %dma_start3A_169 = arith.constant 0 : i32
    %dma_start3A_170 = tpu.memref_slice %arg2[%add3A_168, %dma_start3A_169] : memref<4096x4096xf32, #tpu.memory_space<hbm>> -> memref<8x4096xf32, #tpu.memory_space<hbm>>
    %dma_start3A_171 = arith.constant 0 : i32
    %dma_start3A_172 = tpu.memref_slice %arg2[%add3A_168, %dma_start3A_171] : memref<4096x4096xf32, #tpu.memory_space<hbm>> -> memref<8x4096xf32, #tpu.memory_space<hbm>>
    tpu.enqueue_dma source(%dma_start3A_172 : memref<8x4096xf32, #tpu.memory_space<hbm>>) target(%arg5 : memref<8x4096xf32, #tpu.memory_space<vmem>>) target_semaphore(%arg10 : memref<!tpu.dma_semaphore, #tpu.memory_space<semaphore_mem>>)
    %parallel_loop3A_173 = arith.constant 0 : i32
    %parallel_loop3A_174 = arith.constant 2048 : i32
    %parallel_loop3A_175 = arith.constant 1 : i32
    scf.for %parallel_loop3A_239 = %parallel_loop3A_173 to %parallel_loop3A_174 step %parallel_loop3A_175  : i32 {
      %parallel_loop3A_240 = arith.constant 8 : i32
      %parallel_loop3A_241 = arith.shrsi %parallel_loop3A_239, %parallel_loop3A_240 : i32
      %parallel_loop3A_242 = arith.constant 255 : i32
      %parallel_loop3A_243 = arith.andi %parallel_loop3A_239, %parallel_loop3A_242 : i32
      %parallel_loop3A_244 = arith.constant 16 : i32
      %parallel_loop3A_245 = arith.muli %parallel_loop3A_243, %parallel_loop3A_244 : i32
      %parallel_loop3A_246 = arith.index_cast %parallel_loop3A_241 : i32 to index
      %parallel_loop3A_247 = arith.index_cast %parallel_loop3A_245 : i32 to index
      %parallel_loop3A_248 = tpu.vector_load %arg6[%parallel_loop3A_246, %parallel_loop3A_247] {strides = array<i32>} : memref<8x4096xf32, #tpu.memory_space<vmem>>, vector<16xf32>,
      %parallel_loop3A_249 = arith.mulf %parallel_loop3A_248, %get3A_5 : vector<16xf32>
      %parallel_loop3A_250 = arith.addf %parallel_loop3A_249, %add3A_12 : vector<16xf32>
      %parallel_loop3A_251 = arith.fptosi %parallel_loop3A_250 : vector<16xf32> to vector<16xi32>
      tpu.vector_store_idx %arg7[%parallel_loop3A_251], %broadcast_in_dim3A_13 {add = true} : memref<32896xf32, #tpu.memory_space<vmem>>[vector<16xi32>], vector<16xf32>,
    } {sc.loop_unroll_factor = 8 : i64, sc.parallel_access}
    %dma_wait3A_176 = arith.constant 0 : i32
    %dma_wait3A_177 = tpu.memref_slice %arg2[%add3A_168, %dma_wait3A_176] : memref<4096x4096xf32, #tpu.memory_space<hbm>> -> memref<8x4096xf32, #tpu.memory_space<hbm>>
    %dma_wait3A_178 = arith.constant 0 : i32
    %dma_wait3A_179 = tpu.memref_slice %arg2[%add3A_168, %dma_wait3A_178] : memref<4096x4096xf32, #tpu.memory_space<hbm>> -> memref<8x4096xf32, #tpu.memory_space<hbm>>
    tpu.wait_dma2 semaphore(%arg10 : memref<!tpu.dma_semaphore, #tpu.memory_space<semaphore_mem>>) src(%dma_wait3A_179 : memref<8x4096xf32, #tpu.memory_space<hbm>>) dst(%arg5 : memref<8x4096xf32, #tpu.memory_space<vmem>>)
    %add3A_180 = arith.constant 104 : i32
    %add3A_181 = arith.addi %mul3A_2, %add3A_180 : i32
    %dma_start3A_182 = arith.constant 0 : i32
    %dma_start3A_183 = tpu.memref_slice %arg2[%add3A_181, %dma_start3A_182] : memref<4096x4096xf32, #tpu.memory_space<hbm>> -> memref<8x4096xf32, #tpu.memory_space<hbm>>
    %dma_start3A_184 = arith.constant 0 : i32
    %dma_start3A_185 = tpu.memref_slice %arg2[%add3A_181, %dma_start3A_184] : memref<4096x4096xf32, #tpu.memory_space<hbm>> -> memref<8x4096xf32, #tpu.memory_space<hbm>>
    tpu.enqueue_dma source(%dma_start3A_185 : memref<8x4096xf32, #tpu.memory_space<hbm>>) target(%arg6 : memref<8x4096xf32, #tpu.memory_space<vmem>>) target_semaphore(%arg11 : memref<!tpu.dma_semaphore, #tpu.memory_space<semaphore_mem>>)
    %parallel_loop3A_186 = arith.constant 0 : i32
    %parallel_loop3A_187 = arith.constant 2048 : i32
    %parallel_loop3A_188 = arith.constant 1 : i32
    scf.for %parallel_loop3A_239 = %parallel_loop3A_186 to %parallel_loop3A_187 step %parallel_loop3A_188  : i32 {
      %parallel_loop3A_240 = arith.constant 8 : i32
      %parallel_loop3A_241 = arith.shrsi %parallel_loop3A_239, %parallel_loop3A_240 : i32
      %parallel_loop3A_242 = arith.constant 255 : i32
      %parallel_loop3A_243 = arith.andi %parallel_loop3A_239, %parallel_loop3A_242 : i32
      %parallel_loop3A_244 = arith.constant 16 : i32
      %parallel_loop3A_245 = arith.muli %parallel_loop3A_243, %parallel_loop3A_244 : i32
      %parallel_loop3A_246 = arith.index_cast %parallel_loop3A_241 : i32 to index
      %parallel_loop3A_247 = arith.index_cast %parallel_loop3A_245 : i32 to index
      %parallel_loop3A_248 = tpu.vector_load %arg5[%parallel_loop3A_246, %parallel_loop3A_247] {strides = array<i32>} : memref<8x4096xf32, #tpu.memory_space<vmem>>, vector<16xf32>,
      %parallel_loop3A_249 = arith.mulf %parallel_loop3A_248, %get3A_5 : vector<16xf32>
      %parallel_loop3A_250 = arith.addf %parallel_loop3A_249, %add3A_12 : vector<16xf32>
      %parallel_loop3A_251 = arith.fptosi %parallel_loop3A_250 : vector<16xf32> to vector<16xi32>
      tpu.vector_store_idx %arg7[%parallel_loop3A_251], %broadcast_in_dim3A_13 {add = true} : memref<32896xf32, #tpu.memory_space<vmem>>[vector<16xi32>], vector<16xf32>,
    } {sc.loop_unroll_factor = 8 : i64, sc.parallel_access}
    %dma_wait3A_189 = arith.constant 0 : i32
    %dma_wait3A_190 = tpu.memref_slice %arg2[%add3A_181, %dma_wait3A_189] : memref<4096x4096xf32, #tpu.memory_space<hbm>> -> memref<8x4096xf32, #tpu.memory_space<hbm>>
    %dma_wait3A_191 = arith.constant 0 : i32
    %dma_wait3A_192 = tpu.memref_slice %arg2[%add3A_181, %dma_wait3A_191] : memref<4096x4096xf32, #tpu.memory_space<hbm>> -> memref<8x4096xf32, #tpu.memory_space<hbm>>
    tpu.wait_dma2 semaphore(%arg11 : memref<!tpu.dma_semaphore, #tpu.memory_space<semaphore_mem>>) src(%dma_wait3A_192 : memref<8x4096xf32, #tpu.memory_space<hbm>>) dst(%arg6 : memref<8x4096xf32, #tpu.memory_space<vmem>>)
    %add3A_193 = arith.constant 112 : i32
    %add3A_194 = arith.addi %mul3A_2, %add3A_193 : i32
    %dma_start3A_195 = arith.constant 0 : i32
    %dma_start3A_196 = tpu.memref_slice %arg2[%add3A_194, %dma_start3A_195] : memref<4096x4096xf32, #tpu.memory_space<hbm>> -> memref<8x4096xf32, #tpu.memory_space<hbm>>
    %dma_start3A_197 = arith.constant 0 : i32
    %dma_start3A_198 = tpu.memref_slice %arg2[%add3A_194, %dma_start3A_197] : memref<4096x4096xf32, #tpu.memory_space<hbm>> -> memref<8x4096xf32, #tpu.memory_space<hbm>>
    tpu.enqueue_dma source(%dma_start3A_198 : memref<8x4096xf32, #tpu.memory_space<hbm>>) target(%arg5 : memref<8x4096xf32, #tpu.memory_space<vmem>>) target_semaphore(%arg10 : memref<!tpu.dma_semaphore, #tpu.memory_space<semaphore_mem>>)
    %parallel_loop3A_199 = arith.constant 0 : i32
    %parallel_loop3A_200 = arith.constant 2048 : i32
    %parallel_loop3A_201 = arith.constant 1 : i32
    scf.for %parallel_loop3A_239 = %parallel_loop3A_199 to %parallel_loop3A_200 step %parallel_loop3A_201  : i32 {
      %parallel_loop3A_240 = arith.constant 8 : i32
      %parallel_loop3A_241 = arith.shrsi %parallel_loop3A_239, %parallel_loop3A_240 : i32
      %parallel_loop3A_242 = arith.constant 255 : i32
      %parallel_loop3A_243 = arith.andi %parallel_loop3A_239, %parallel_loop3A_242 : i32
      %parallel_loop3A_244 = arith.constant 16 : i32
      %parallel_loop3A_245 = arith.muli %parallel_loop3A_243, %parallel_loop3A_244 : i32
      %parallel_loop3A_246 = arith.index_cast %parallel_loop3A_241 : i32 to index
      %parallel_loop3A_247 = arith.index_cast %parallel_loop3A_245 : i32 to index
      %parallel_loop3A_248 = tpu.vector_load %arg6[%parallel_loop3A_246, %parallel_loop3A_247] {strides = array<i32>} : memref<8x4096xf32, #tpu.memory_space<vmem>>, vector<16xf32>,
      %parallel_loop3A_249 = arith.mulf %parallel_loop3A_248, %get3A_5 : vector<16xf32>
      %parallel_loop3A_250 = arith.addf %parallel_loop3A_249, %add3A_12 : vector<16xf32>
      %parallel_loop3A_251 = arith.fptosi %parallel_loop3A_250 : vector<16xf32> to vector<16xi32>
      tpu.vector_store_idx %arg7[%parallel_loop3A_251], %broadcast_in_dim3A_13 {add = true} : memref<32896xf32, #tpu.memory_space<vmem>>[vector<16xi32>], vector<16xf32>,
    } {sc.loop_unroll_factor = 8 : i64, sc.parallel_access}
    %dma_wait3A_202 = arith.constant 0 : i32
    %dma_wait3A_203 = tpu.memref_slice %arg2[%add3A_194, %dma_wait3A_202] : memref<4096x4096xf32, #tpu.memory_space<hbm>> -> memref<8x4096xf32, #tpu.memory_space<hbm>>
    %dma_wait3A_204 = arith.constant 0 : i32
    %dma_wait3A_205 = tpu.memref_slice %arg2[%add3A_194, %dma_wait3A_204] : memref<4096x4096xf32, #tpu.memory_space<hbm>> -> memref<8x4096xf32, #tpu.memory_space<hbm>>
    tpu.wait_dma2 semaphore(%arg10 : memref<!tpu.dma_semaphore, #tpu.memory_space<semaphore_mem>>) src(%dma_wait3A_205 : memref<8x4096xf32, #tpu.memory_space<hbm>>) dst(%arg5 : memref<8x4096xf32, #tpu.memory_space<vmem>>)
    %add3A_206 = arith.constant 120 : i32
    %add3A_207 = arith.addi %mul3A_2, %add3A_206 : i32
    %dma_start3A_208 = arith.constant 0 : i32
    %dma_start3A_209 = tpu.memref_slice %arg2[%add3A_207, %dma_start3A_208] : memref<4096x4096xf32, #tpu.memory_space<hbm>> -> memref<8x4096xf32, #tpu.memory_space<hbm>>
    %dma_start3A_210 = arith.constant 0 : i32
    %dma_start3A_211 = tpu.memref_slice %arg2[%add3A_207, %dma_start3A_210] : memref<4096x4096xf32, #tpu.memory_space<hbm>> -> memref<8x4096xf32, #tpu.memory_space<hbm>>
    tpu.enqueue_dma source(%dma_start3A_211 : memref<8x4096xf32, #tpu.memory_space<hbm>>) target(%arg6 : memref<8x4096xf32, #tpu.memory_space<vmem>>) target_semaphore(%arg11 : memref<!tpu.dma_semaphore, #tpu.memory_space<semaphore_mem>>)
    %parallel_loop3A_212 = arith.constant 0 : i32
    %parallel_loop3A_213 = arith.constant 2048 : i32
    %parallel_loop3A_214 = arith.constant 1 : i32
    scf.for %parallel_loop3A_239 = %parallel_loop3A_212 to %parallel_loop3A_213 step %parallel_loop3A_214  : i32 {
      %parallel_loop3A_240 = arith.constant 8 : i32
      %parallel_loop3A_241 = arith.shrsi %parallel_loop3A_239, %parallel_loop3A_240 : i32
      %parallel_loop3A_242 = arith.constant 255 : i32
      %parallel_loop3A_243 = arith.andi %parallel_loop3A_239, %parallel_loop3A_242 : i32
      %parallel_loop3A_244 = arith.constant 16 : i32
      %parallel_loop3A_245 = arith.muli %parallel_loop3A_243, %parallel_loop3A_244 : i32
      %parallel_loop3A_246 = arith.index_cast %parallel_loop3A_241 : i32 to index
      %parallel_loop3A_247 = arith.index_cast %parallel_loop3A_245 : i32 to index
      %parallel_loop3A_248 = tpu.vector_load %arg5[%parallel_loop3A_246, %parallel_loop3A_247] {strides = array<i32>} : memref<8x4096xf32, #tpu.memory_space<vmem>>, vector<16xf32>,
      %parallel_loop3A_249 = arith.mulf %parallel_loop3A_248, %get3A_5 : vector<16xf32>
      %parallel_loop3A_250 = arith.addf %parallel_loop3A_249, %add3A_12 : vector<16xf32>
      %parallel_loop3A_251 = arith.fptosi %parallel_loop3A_250 : vector<16xf32> to vector<16xi32>
      tpu.vector_store_idx %arg7[%parallel_loop3A_251], %broadcast_in_dim3A_13 {add = true} : memref<32896xf32, #tpu.memory_space<vmem>>[vector<16xi32>], vector<16xf32>,
    } {sc.loop_unroll_factor = 8 : i64, sc.parallel_access}
    %dma_wait3A_215 = arith.constant 0 : i32
    %dma_wait3A_216 = tpu.memref_slice %arg2[%add3A_207, %dma_wait3A_215] : memref<4096x4096xf32, #tpu.memory_space<hbm>> -> memref<8x4096xf32, #tpu.memory_space<hbm>>
    %dma_wait3A_217 = arith.constant 0 : i32
    %dma_wait3A_218 = tpu.memref_slice %arg2[%add3A_207, %dma_wait3A_217] : memref<4096x4096xf32, #tpu.memory_space<hbm>> -> memref<8x4096xf32, #tpu.memory_space<hbm>>
    tpu.wait_dma2 semaphore(%arg11 : memref<!tpu.dma_semaphore, #tpu.memory_space<semaphore_mem>>) src(%dma_wait3A_218 : memref<8x4096xf32, #tpu.memory_space<hbm>>) dst(%arg6 : memref<8x4096xf32, #tpu.memory_space<vmem>>)
    %parallel_loop3A_219 = arith.constant 0 : i32
    %parallel_loop3A_220 = arith.constant 2048 : i32
    %parallel_loop3A_221 = arith.constant 1 : i32
    scf.for %parallel_loop3A_239 = %parallel_loop3A_219 to %parallel_loop3A_220 step %parallel_loop3A_221  : i32 {
      %parallel_loop3A_240 = arith.constant 8 : i32
      %parallel_loop3A_241 = arith.shrsi %parallel_loop3A_239, %parallel_loop3A_240 : i32
      %parallel_loop3A_242 = arith.constant 255 : i32
      %parallel_loop3A_243 = arith.andi %parallel_loop3A_239, %parallel_loop3A_242 : i32
      %parallel_loop3A_244 = arith.constant 16 : i32
      %parallel_loop3A_245 = arith.muli %parallel_loop3A_243, %parallel_loop3A_244 : i32
      %parallel_loop3A_246 = arith.index_cast %parallel_loop3A_241 : i32 to index
      %parallel_loop3A_247 = arith.index_cast %parallel_loop3A_245 : i32 to index
      %parallel_loop3A_248 = tpu.vector_load %arg6[%parallel_loop3A_246, %parallel_loop3A_247] {strides = array<i32>} : memref<8x4096xf32, #tpu.memory_space<vmem>>, vector<16xf32>,
      %parallel_loop3A_249 = arith.mulf %parallel_loop3A_248, %get3A_5 : vector<16xf32>
      %parallel_loop3A_250 = arith.addf %parallel_loop3A_249, %add3A_12 : vector<16xf32>
      %parallel_loop3A_251 = arith.fptosi %parallel_loop3A_250 : vector<16xf32> to vector<16xi32>
      tpu.vector_store_idx %arg7[%parallel_loop3A_251], %broadcast_in_dim3A_13 {add = true} : memref<32896xf32, #tpu.memory_space<vmem>>[vector<16xi32>], vector<16xf32>,
    } {sc.loop_unroll_factor = 8 : i64, sc.parallel_access}
    %parallel_loop3A_222 = arith.constant 0 : i32
    %parallel_loop3A_223 = arith.constant 128 : i32
    %parallel_loop3A_224 = arith.constant 1 : i32
    scf.for %parallel_loop3A_239 = %parallel_loop3A_222 to %parallel_loop3A_223 step %parallel_loop3A_224  : i32 {
      %parallel_loop3A_240 = arith.constant 16 : i32
      %parallel_loop3A_241 = arith.muli %parallel_loop3A_239, %parallel_loop3A_240 : i32
      %parallel_loop3A_242 = arith.index_cast %parallel_loop3A_241 : i32 to index
      %parallel_loop3A_243 = tpu.vector_load %arg7[%parallel_loop3A_242] {strides = array<i32>} : memref<32896xf32, #tpu.memory_space<vmem>>, vector<16xf32>,
      %parallel_loop3A_244 = arith.constant 2049 : i32
      %parallel_loop3A_245 = arith.addi %parallel_loop3A_244, %parallel_loop3A_241 : i32
      %parallel_loop3A_246 = vector.broadcast %parallel_loop3A_245 : i32 to vector<16xi32>
      %parallel_loop3A_247 = arith.addi %iota3A, %parallel_loop3A_246 : vector<16xi32>
      %parallel_loop3A_248 = tpu.vector_load_idx %arg7[%parallel_loop3A_247] : memref<32896xf32, #tpu.memory_space<vmem>>[vector<16xi32>], vector<16xf32>,
      %parallel_loop3A_249 = arith.addf %parallel_loop3A_243, %parallel_loop3A_248 : vector<16xf32>
      %parallel_loop3A_250 = arith.constant 4098 : i32
      %parallel_loop3A_251 = arith.addi %parallel_loop3A_250, %parallel_loop3A_241 : i32
      %parallel_loop3A_252 = vector.broadcast %parallel_loop3A_251 : i32 to vector<16xi32>
      %parallel_loop3A_253 = arith.addi %iota3A, %parallel_loop3A_252 : vector<16xi32>
      %parallel_loop3A_254 = tpu.vector_load_idx %arg7[%parallel_loop3A_253] : memref<32896xf32, #tpu.memory_space<vmem>>[vector<16xi32>], vector<16xf32>,
      %parallel_loop3A_255 = arith.addf %parallel_loop3A_249, %parallel_loop3A_254 : vector<16xf32>
      %parallel_loop3A_256 = arith.constant 6147 : i32
      %parallel_loop3A_257 = arith.addi %parallel_loop3A_256, %parallel_loop3A_241 : i32
      %parallel_loop3A_258 = vector.broadcast %parallel_loop3A_257 : i32 to vector<16xi32>
      %parallel_loop3A_259 = arith.addi %iota3A, %parallel_loop3A_258 : vector<16xi32>
      %parallel_loop3A_260 = tpu.vector_load_idx %arg7[%parallel_loop3A_259] : memref<32896xf32, #tpu.memory_space<vmem>>[vector<16xi32>], vector<16xf32>,
      %parallel_loop3A_261 = arith.addf %parallel_loop3A_255, %parallel_loop3A_260 : vector<16xf32>
      %parallel_loop3A_262 = arith.constant 8196 : i32
      %parallel_loop3A_263 = arith.addi %parallel_loop3A_262, %parallel_loop3A_241 : i32
      %parallel_loop3A_264 = vector.broadcast %parallel_loop3A_263 : i32 to vector<16xi32>
      %parallel_loop3A_265 = arith.addi %iota3A, %parallel_loop3A_264 : vector<16xi32>
      %parallel_loop3A_266 = tpu.vector_load_idx %arg7[%parallel_loop3A_265] : memref<32896xf32, #tpu.memory_space<vmem>>[vector<16xi32>], vector<16xf32>,
      %parallel_loop3A_267 = arith.addf %parallel_loop3A_261, %parallel_loop3A_266 : vector<16xf32>
      %parallel_loop3A_268 = arith.constant 10245 : i32
      %parallel_loop3A_269 = arith.addi %parallel_loop3A_268, %parallel_loop3A_241 : i32
      %parallel_loop3A_270 = vector.broadcast %parallel_loop3A_269 : i32 to vector<16xi32>
      %parallel_loop3A_271 = arith.addi %iota3A, %parallel_loop3A_270 : vector<16xi32>
      %parallel_loop3A_272 = tpu.vector_load_idx %arg7[%parallel_loop3A_271] : memref<32896xf32, #tpu.memory_space<vmem>>[vector<16xi32>], vector<16xf32>,
      %parallel_loop3A_273 = arith.addf %parallel_loop3A_267, %parallel_loop3A_272 : vector<16xf32>
      %parallel_loop3A_274 = arith.constant 12294 : i32
      %parallel_loop3A_275 = arith.addi %parallel_loop3A_274, %parallel_loop3A_241 : i32
      %parallel_loop3A_276 = vector.broadcast %parallel_loop3A_275 : i32 to vector<16xi32>
      %parallel_loop3A_277 = arith.addi %iota3A, %parallel_loop3A_276 : vector<16xi32>
      %parallel_loop3A_278 = tpu.vector_load_idx %arg7[%parallel_loop3A_277] : memref<32896xf32, #tpu.memory_space<vmem>>[vector<16xi32>], vector<16xf32>,
      %parallel_loop3A_279 = arith.addf %parallel_loop3A_273, %parallel_loop3A_278 : vector<16xf32>
      %parallel_loop3A_280 = arith.constant 14343 : i32
      %parallel_loop3A_281 = arith.addi %parallel_loop3A_280, %parallel_loop3A_241 : i32
      %parallel_loop3A_282 = vector.broadcast %parallel_loop3A_281 : i32 to vector<16xi32>
      %parallel_loop3A_283 = arith.addi %iota3A, %parallel_loop3A_282 : vector<16xi32>
      %parallel_loop3A_284 = tpu.vector_load_idx %arg7[%parallel_loop3A_283] : memref<32896xf32, #tpu.memory_space<vmem>>[vector<16xi32>], vector<16xf32>,
      %parallel_loop3A_285 = arith.addf %parallel_loop3A_279, %parallel_loop3A_284 : vector<16xf32>
      %parallel_loop3A_286 = arith.constant 16392 : i32
      %parallel_loop3A_287 = arith.addi %parallel_loop3A_286, %parallel_loop3A_241 : i32
      %parallel_loop3A_288 = vector.broadcast %parallel_loop3A_287 : i32 to vector<16xi32>
      %parallel_loop3A_289 = arith.addi %iota3A, %parallel_loop3A_288 : vector<16xi32>
      %parallel_loop3A_290 = tpu.vector_load_idx %arg7[%parallel_loop3A_289] : memref<32896xf32, #tpu.memory_space<vmem>>[vector<16xi32>], vector<16xf32>,
      %parallel_loop3A_291 = arith.addf %parallel_loop3A_285, %parallel_loop3A_290 : vector<16xf32>
      %parallel_loop3A_292 = arith.constant 18441 : i32
      %parallel_loop3A_293 = arith.addi %parallel_loop3A_292, %parallel_loop3A_241 : i32
      %parallel_loop3A_294 = vector.broadcast %parallel_loop3A_293 : i32 to vector<16xi32>
      %parallel_loop3A_295 = arith.addi %iota3A, %parallel_loop3A_294 : vector<16xi32>
      %parallel_loop3A_296 = tpu.vector_load_idx %arg7[%parallel_loop3A_295] : memref<32896xf32, #tpu.memory_space<vmem>>[vector<16xi32>], vector<16xf32>,
      %parallel_loop3A_297 = arith.addf %parallel_loop3A_291, %parallel_loop3A_296 : vector<16xf32>
      %parallel_loop3A_298 = arith.constant 20490 : i32
      %parallel_loop3A_299 = arith.addi %parallel_loop3A_298, %parallel_loop3A_241 : i32
      %parallel_loop3A_300 = vector.broadcast %parallel_loop3A_299 : i32 to vector<16xi32>
      %parallel_loop3A_301 = arith.addi %iota3A, %parallel_loop3A_300 : vector<16xi32>
      %parallel_loop3A_302 = tpu.vector_load_idx %arg7[%parallel_loop3A_301] : memref<32896xf32, #tpu.memory_space<vmem>>[vector<16xi32>], vector<16xf32>,
      %parallel_loop3A_303 = arith.addf %parallel_loop3A_297, %parallel_loop3A_302 : vector<16xf32>
      %parallel_loop3A_304 = arith.constant 22539 : i32
      %parallel_loop3A_305 = arith.addi %parallel_loop3A_304, %parallel_loop3A_241 : i32
      %parallel_loop3A_306 = vector.broadcast %parallel_loop3A_305 : i32 to vector<16xi32>
      %parallel_loop3A_307 = arith.addi %iota3A, %parallel_loop3A_306 : vector<16xi32>
      %parallel_loop3A_308 = tpu.vector_load_idx %arg7[%parallel_loop3A_307] : memref<32896xf32, #tpu.memory_space<vmem>>[vector<16xi32>], vector<16xf32>,
      %parallel_loop3A_309 = arith.addf %parallel_loop3A_303, %parallel_loop3A_308 : vector<16xf32>
      %parallel_loop3A_310 = arith.constant 24588 : i32
      %parallel_loop3A_311 = arith.addi %parallel_loop3A_310, %parallel_loop3A_241 : i32
      %parallel_loop3A_312 = vector.broadcast %parallel_loop3A_311 : i32 to vector<16xi32>
      %parallel_loop3A_313 = arith.addi %iota3A, %parallel_loop3A_312 : vector<16xi32>
      %parallel_loop3A_314 = tpu.vector_load_idx %arg7[%parallel_loop3A_313] : memref<32896xf32, #tpu.memory_space<vmem>>[vector<16xi32>], vector<16xf32>,
      %parallel_loop3A_315 = arith.addf %parallel_loop3A_309, %parallel_loop3A_314 : vector<16xf32>
      %parallel_loop3A_316 = arith.constant 26637 : i32
      %parallel_loop3A_317 = arith.addi %parallel_loop3A_316, %parallel_loop3A_241 : i32
      %parallel_loop3A_318 = vector.broadcast %parallel_loop3A_317 : i32 to vector<16xi32>
      %parallel_loop3A_319 = arith.addi %iota3A, %parallel_loop3A_318 : vector<16xi32>
      %parallel_loop3A_320 = tpu.vector_load_idx %arg7[%parallel_loop3A_319] : memref<32896xf32, #tpu.memory_space<vmem>>[vector<16xi32>], vector<16xf32>,
      %parallel_loop3A_321 = arith.addf %parallel_loop3A_315, %parallel_loop3A_320 : vector<16xf32>
      %parallel_loop3A_322 = arith.constant 28686 : i32
      %parallel_loop3A_323 = arith.addi %parallel_loop3A_322, %parallel_loop3A_241 : i32
      %parallel_loop3A_324 = vector.broadcast %parallel_loop3A_323 : i32 to vector<16xi32>
      %parallel_loop3A_325 = arith.addi %iota3A, %parallel_loop3A_324 : vector<16xi32>
      %parallel_loop3A_326 = tpu.vector_load_idx %arg7[%parallel_loop3A_325] : memref<32896xf32, #tpu.memory_space<vmem>>[vector<16xi32>], vector<16xf32>,
      %parallel_loop3A_327 = arith.addf %parallel_loop3A_321, %parallel_loop3A_326 : vector<16xf32>
      %parallel_loop3A_328 = arith.constant 30735 : i32
      %parallel_loop3A_329 = arith.addi %parallel_loop3A_328, %parallel_loop3A_241 : i32
      %parallel_loop3A_330 = vector.broadcast %parallel_loop3A_329 : i32 to vector<16xi32>
      %parallel_loop3A_331 = arith.addi %iota3A, %parallel_loop3A_330 : vector<16xi32>
      %parallel_loop3A_332 = tpu.vector_load_idx %arg7[%parallel_loop3A_331] : memref<32896xf32, #tpu.memory_space<vmem>>[vector<16xi32>], vector<16xf32>,
      %parallel_loop3A_333 = arith.addf %parallel_loop3A_327, %parallel_loop3A_332 : vector<16xf32>
      %parallel_loop3A_334 = arith.index_cast %parallel_loop3A_241 : i32 to index
      %parallel_loop3A_335 = tpu.vector_load %arg8[%parallel_loop3A_334] {strides = array<i32>} : memref<2048xf32, #tpu.memory_space<vmem>>, vector<16xf32>,
      tpu.vector_store %arg8[%parallel_loop3A_334], %parallel_loop3A_333 {strides = array<i32>} : memref<2048xf32, #tpu.memory_space<vmem>>, vector<16xf32>,
    } {sc.loop_unroll_factor = 2 : i64, sc.parallel_access}
    %add3A_225 = arith.constant 2048 : i32
    %add3A_226 = vector.broadcast %add3A_225 : i32 to vector<16xi32>
    %add3A_227 = arith.addi %mul3A_8, %add3A_226 : vector<16xi32>
    %gather3A = tpu.vector_load_idx %arg7[%add3A_227] : memref<32896xf32, #tpu.memory_space<vmem>>[vector<16xi32>], vector<16xf32>,
    %reduce_sum3A = arith.constant true
    %reduce_sum3A_228 = vector.broadcast %reduce_sum3A : i1 to vector<16xi1>
    %reduce_sum3A_229 = tpu.scan <sum>, %gather3A masked %reduce_sum3A_228 : vector<16xf32>, vector<16xi1> -> vector<16xf32>
    %reduce_sum3A_230 = vector.extract %reduce_sum3A_229[15] : f32 from vector<16xf32>
    %get3A_231 = arith.constant 2032 : index
    %get3A_232 = tpu.vector_load %arg8[%get3A_231] {strides = array<i32>} : memref<2048xf32, #tpu.memory_space<vmem>>, vector<16xf32>,
    %eq3A = arith.constant 15 : i32
    %eq3A_233 = vector.broadcast %eq3A : i32 to vector<16xi32>
    %eq3A_234 = arith.cmpi eq, %iota3A, %eq3A_233 : vector<16xi32>
    %jit3A = arith.constant 0.000000e+00 : f32
    %broadcast_in_dim3A_235 = vector.broadcast %reduce_sum3A_230 : f32 to vector<16xf32>
    %broadcast_in_dim3A_236 = vector.broadcast %jit3A : f32 to vector<16xf32>
    %select_n3A = arith.select %eq3A_234, %broadcast_in_dim3A_235, %broadcast_in_dim3A_236 : vector<16xi1>, vector<16xf32>
    %add3A_237 = arith.addf %get3A_232, %select_n3A : vector<16xf32>
    %swap3A = arith.constant 2032 : index
    %swap3A_238 = tpu.vector_load %arg8[%swap3A] {strides = array<i32>} : memref<2048xf32, #tpu.memory_space<vmem>>, vector<16xf32>,
    tpu.vector_store %arg8[%swap3A], %add3A_237 {strides = array<i32>} : memref<2048xf32, #tpu.memory_space<vmem>>, vector<16xf32>,
    "tpu.region"() ({
      %run_scoped3A = tpu.sem_alloc : memref<!tpu.dma_semaphore, #tpu.memory_space<semaphore_mem>>
      %dma_start3A_239 = arith.constant 0 : i32
      %dma_start3A_240 = tpu.memref_slice %arg4[%add3A, %dma_start3A_239] : memref<32x2048xf32, #tpu.memory_space<hbm>> -> memref<1x2048xf32, #tpu.memory_space<hbm>>
      %dma_start3A_241 = tpu.memref_squeeze %dma_start3A_240 : memref<1x2048xf32, #tpu.memory_space<hbm>> -> memref<2048xf32, #tpu.memory_space<hbm>>
      %dma_start3A_242 = arith.constant 0 : i32
      %dma_start3A_243 = tpu.memref_slice %arg4[%add3A, %dma_start3A_242] : memref<32x2048xf32, #tpu.memory_space<hbm>> -> memref<1x2048xf32, #tpu.memory_space<hbm>>
      %dma_start3A_244 = tpu.memref_squeeze %dma_start3A_243 : memref<1x2048xf32, #tpu.memory_space<hbm>> -> memref<2048xf32, #tpu.memory_space<hbm>>
      tpu.enqueue_dma source(%arg8 : memref<2048xf32, #tpu.memory_space<vmem>>) target(%dma_start3A_244 : memref<2048xf32, #tpu.memory_space<hbm>>) target_semaphore(%run_scoped3A : memref<!tpu.dma_semaphore, #tpu.memory_space<semaphore_mem>>)
      %dma_wait3A_245 = arith.constant 0 : i32
      %dma_wait3A_246 = tpu.memref_slice %arg4[%add3A, %dma_wait3A_245] : memref<32x2048xf32, #tpu.memory_space<hbm>> -> memref<1x2048xf32, #tpu.memory_space<hbm>>
      %dma_wait3A_247 = tpu.memref_squeeze %dma_wait3A_246 : memref<1x2048xf32, #tpu.memory_space<hbm>> -> memref<2048xf32, #tpu.memory_space<hbm>>
      %dma_wait3A_248 = arith.constant 0 : i32
      %dma_wait3A_249 = tpu.memref_slice %arg4[%add3A, %dma_wait3A_248] : memref<32x2048xf32, #tpu.memory_space<hbm>> -> memref<1x2048xf32, #tpu.memory_space<hbm>>
      %dma_wait3A_250 = tpu.memref_squeeze %dma_wait3A_249 : memref<1x2048xf32, #tpu.memory_space<hbm>> -> memref<2048xf32, #tpu.memory_space<hbm>>
      tpu.wait_dma2 semaphore(%run_scoped3A : memref<!tpu.dma_semaphore, #tpu.memory_space<semaphore_mem>>) src(%arg8 : memref<2048xf32, #tpu.memory_space<vmem>>) dst(%dma_wait3A_250 : memref<2048xf32, #tpu.memory_space<hbm>>)
      tpu.yield
    }) : () -> ()
    return
  }
}

module attributes {stable_mosaic.version = 14 : i64} {
  func.func @_mm_body(%arg0: i32, %arg1: memref<256x4096xf32, #tpu.memory_space<vmem>>, %arg2: memref<2x16xf32, #tpu.memory_space<vmem>>, %arg3: memref<1xf32, #tpu.memory_space<smem>>, %arg4: memref<1xi32, #tpu.memory_space<smem>>, %arg5: memref<1xf32, #tpu.memory_space<smem>>, %arg6: memref<1xf32, #tpu.memory_space<smem>>) attributes {dimension_semantics = [#tpu.dimension_semantics<arbitrary>], iteration_bounds = array<i64: 16>, scalar_prefetch = 0 : i64, scratch_operands = 2 : i64, tpu.core_type = #tpu.core_type<tc>, window_params = [{transform_indices = @transform_0, window_bounds = array<i64: 256, 4096>}, {pipeline_mode = #tpu.pipeline_mode<synchronous>, transform_indices = @transform_1, window_bounds = array<i64: 2, 16>}, {transform_indices = @transform_2, window_bounds = array<i64: 1>}, {transform_indices = @transform_3, window_bounds = array<i64: 1>}]} {
    %get3A = arith.constant 0 : index
    %get3A_0 = arith.constant 0 : index
    %get3A_1 = vector.load %arg1[%get3A, %get3A_0] : memref<256x4096xf32, #tpu.memory_space<vmem>>, vector<256x4096xf32>
    %reduce_min3A = vector.shape_cast %get3A_1 : vector<256x4096xf32> to vector<1x256x4096xf32>
    %reduce_min3A_2 = arith.constant dense<0x7F800000> : vector<1xf32>
    %reduce_min3A_3 = vector.multi_reduction <minimumf>, %reduce_min3A, %reduce_min3A_2 [1, 2] : vector<1x256x4096xf32> to vector<1xf32>
    %reduce_min3A_4 = vector.shape_cast %reduce_min3A_3 : vector<1xf32> to vector<1x1x1xf32>
    %reduce_min3A_5 = vector.extract %reduce_min3A_4[0, 0, 0] : f32 from vector<1x1x1xf32>
    %reduce_max3A = vector.shape_cast %get3A_1 : vector<256x4096xf32> to vector<1x256x4096xf32>
    %reduce_max3A_6 = arith.constant dense<0xFF800000> : vector<1xf32>
    %reduce_max3A_7 = vector.multi_reduction <maximumf>, %reduce_max3A, %reduce_max3A_6 [1, 2] : vector<1x256x4096xf32> to vector<1xf32>
    %reduce_max3A_8 = vector.shape_cast %reduce_max3A_7 : vector<1xf32> to vector<1x1x1xf32>
    %reduce_max3A_9 = vector.extract %reduce_max3A_8[0, 0, 0] : f32 from vector<1x1x1xf32>
    %eq3A = arith.constant 0 : i32
    %eq3A_10 = arith.cmpi eq, %arg0, %eq3A : i32
    %convert_element_type3A = arith.extui %eq3A_10 : i1 to i32
    %cond3A = arith.constant 0 : i32
    %cond3A_11 = arith.cmpi ne, %convert_element_type3A, %cond3A : i32
    scf.if %cond3A_11 {
      %swap3A = arith.constant 0 : index
      %swap3A_21 = memref.load %arg5[%swap3A] : memref<1xf32, #tpu.memory_space<smem>>
      memref.store %reduce_min3A_5, %arg5[%swap3A] : memref<1xf32, #tpu.memory_space<smem>>
      %swap3A_22 = arith.constant 0 : index
      %swap3A_23 = memref.load %arg6[%swap3A_22] : memref<1xf32, #tpu.memory_space<smem>>
      memref.store %reduce_max3A_9, %arg6[%swap3A_22] : memref<1xf32, #tpu.memory_space<smem>>
    } else {
    }
    %gt3A = arith.constant 0 : i32
    %gt3A_12 = arith.cmpi sgt, %arg0, %gt3A : i32
    %convert_element_type3A_13 = arith.extui %gt3A_12 : i1 to i32
    %cond3A_14 = arith.constant 0 : i32
    %cond3A_15 = arith.cmpi ne, %convert_element_type3A_13, %cond3A_14 : i32
    scf.if %cond3A_15 {
      %get3A_21 = arith.constant 0 : index
      %get3A_22 = memref.load %arg5[%get3A_21] : memref<1xf32, #tpu.memory_space<smem>>
      %min3A = arith.minimumf %get3A_22, %reduce_min3A_5 : f32
      %swap3A = arith.constant 0 : index
      %swap3A_23 = memref.load %arg5[%swap3A] : memref<1xf32, #tpu.memory_space<smem>>
      memref.store %min3A, %arg5[%swap3A] : memref<1xf32, #tpu.memory_space<smem>>
      %get3A_24 = arith.constant 0 : index
      %get3A_25 = memref.load %arg6[%get3A_24] : memref<1xf32, #tpu.memory_space<smem>>
      %max3A = arith.maximumf %get3A_25, %reduce_max3A_9 : f32
      %swap3A_26 = arith.constant 0 : index
      %swap3A_27 = memref.load %arg6[%swap3A_26] : memref<1xf32, #tpu.memory_space<smem>>
      memref.store %max3A, %arg6[%swap3A_26] : memref<1xf32, #tpu.memory_space<smem>>
    } else {
    }
    %eq3A_16 = arith.constant 15 : i32
    %eq3A_17 = arith.cmpi eq, %arg0, %eq3A_16 : i32
    %convert_element_type3A_18 = arith.extui %eq3A_17 : i1 to i32
    %cond3A_19 = arith.constant 0 : i32
    %cond3A_20 = arith.cmpi ne, %convert_element_type3A_18, %cond3A_19 : i32
    scf.if %cond3A_20 {
      %get3A_21 = arith.constant 0 : index
      %get3A_22 = memref.load %arg5[%get3A_21] : memref<1xf32, #tpu.memory_space<smem>>
      %get3A_23 = arith.constant 0 : index
      %get3A_24 = memref.load %arg6[%get3A_23] : memref<1xf32, #tpu.memory_space<smem>>
      %sub3A = arith.subf %get3A_24, %get3A_22 : f32
      %div3A = arith.constant 2.048000e+03 : f32
      %div3A_25 = arith.divf %sub3A, %div3A : f32
      %eq3A_26 = arith.constant 0.000000e+00 : f32
      %eq3A_27 = arith.cmpf oeq, %div3A_25, %eq3A_26 : f32
      %jit3A = arith.constant 1.000000e+00 : f32
      %select_n3A = arith.select %eq3A_27, %jit3A, %div3A_25 : f32
      %div3A_28 = arith.constant 1.000000e+00 : f32
      %div3A_29 = arith.divf %div3A_28, %select_n3A : f32
      %broadcast_in_dim3A = vector.broadcast %get3A_22 : f32 to vector<1x16xf32>
      %broadcast_in_dim3A_30 = vector.broadcast %div3A_29 : f32 to vector<1x16xf32>
      %concatenate3A = tpu.concatenate %broadcast_in_dim3A, %broadcast_in_dim3A_30 in 0 : vector<1x16xf32>, vector<1x16xf32> -> vector<2x16xf32>
      %swap3A = arith.constant 0 : index
      %swap3A_31 = arith.constant 0 : index
      %swap3A_32 = vector.load %arg2[%swap3A, %swap3A_31] : memref<2x16xf32, #tpu.memory_space<vmem>>, vector<2x16xf32>
      tpu.vector_store %arg2[%swap3A, %swap3A_31], %concatenate3A {strides = array<i32>} : memref<2x16xf32, #tpu.memory_space<vmem>>, vector<2x16xf32>,
      %max3A = arith.constant 0.000000e+00 : f32
      %max3A_33 = arith.maximumf %get3A_24, %max3A : f32
      %min3A = arith.constant 0.000000e+00 : f32
      %min3A_34 = arith.minimumf %get3A_22, %min3A : f32
      %sub3A_35 = arith.subf %max3A_33, %min3A_34 : f32
      %div3A_36 = arith.constant 2.560000e+02 : f32
      %div3A_37 = arith.divf %sub3A_35, %div3A_36 : f32
      %max3A_38 = arith.constant 9.99999974E-6 : f32
      %max3A_39 = arith.maximumf %div3A_37, %max3A_38 : f32
      %swap3A_40 = arith.constant 0 : index
      %swap3A_41 = memref.load %arg3[%swap3A_40] : memref<1xf32, #tpu.memory_space<smem>>
      memref.store %max3A_39, %arg3[%swap3A_40] : memref<1xf32, #tpu.memory_space<smem>>
      %div3A_42 = arith.divf %min3A_34, %div3A_37 : f32
      %round3A = math.roundeven %div3A_42 : f32
      %sub3A_43 = arith.constant -1.280000e+02 : f32
      %sub3A_44 = arith.subf %sub3A_43, %round3A : f32
      %jit3A_45 = arith.constant -1.280000e+02 : f32
      %jit3A_46 = arith.constant 1.280000e+02 : f32
      %max3A_47 = arith.maximumf %jit3A_45, %sub3A_44 : f32
      %min3A_48 = arith.minimumf %jit3A_46, %max3A_47 : f32
      %convert_element_type3A_49 = arith.fptosi %min3A_48 : f32 to i32
      %swap3A_50 = arith.constant 0 : index
      %swap3A_51 = memref.load %arg4[%swap3A_50] : memref<1xi32, #tpu.memory_space<smem>>
      memref.store %convert_element_type3A_49, %arg4[%swap3A_50] : memref<1xi32, #tpu.memory_space<smem>>
    } else {
    }
    return
  }
  func.func @transform_0(%arg0: i32) -> (i32, i32) {
    %c0_i32 = arith.constant 0 : i32
    %c0_i32_0 = arith.constant 0 : i32
    return %arg0, %c0_i32 : i32, i32
  }
  func.func @transform_1(%arg0: i32) -> (i32, i32) {
    %c0_i32 = arith.constant 0 : i32
    %c0_i32_0 = arith.constant 0 : i32
    %c0_i32_1 = arith.constant 0 : i32
    return %c0_i32, %c0_i32_0 : i32, i32
  }
  func.func @transform_2(%arg0: i32) -> i32 {
    %c0_i32 = arith.constant 0 : i32
    %c0_i32_0 = arith.constant 0 : i32
    return %c0_i32 : i32
  }
  func.func @transform_3(%arg0: i32) -> i32 {
    %c0_i32 = arith.constant 0 : i32
    %c0_i32_0 = arith.constant 0 : i32
    return %c0_i32 : i32
  }
}

module attributes {stable_mosaic.version = 14 : i64} {
  func.func @_comb_body(%arg0: memref<32x2048xf32, #tpu.memory_space<vmem>>, %arg1: memref<1x2048xf32, #tpu.memory_space<vmem>>) attributes {dimension_semantics = [], scalar_prefetch = 0 : i64, scratch_operands = 0 : i64, tpu.core_type = #tpu.core_type<tc>} {
    %get3A = arith.constant 0 : index
    %get3A_0 = arith.constant 0 : index
    %get3A_1 = vector.load %arg0[%get3A, %get3A_0] : memref<32x2048xf32, #tpu.memory_space<vmem>>, vector<32x2048xf32>
    %reduce_sum3A = arith.constant dense<0.000000e+00> : vector<2048xf32>
    %reduce_sum3A_2 = vector.multi_reduction <add>, %get3A_1, %reduce_sum3A [0] : vector<32x2048xf32> to vector<2048xf32>
    %broadcast_in_dim3A = vector.shape_cast %reduce_sum3A_2 : vector<2048xf32> to vector<1x2048xf32>
    %swap3A = arith.constant 0 : index
    %swap3A_3 = arith.constant 0 : index
    %swap3A_4 = vector.load %arg1[%swap3A, %swap3A_3] : memref<1x2048xf32, #tpu.memory_space<vmem>>, vector<1x2048xf32>
    tpu.vector_store %arg1[%swap3A, %swap3A_3], %broadcast_in_dim3A {strides = array<i32>} : memref<1x2048xf32, #tpu.memory_space<vmem>>, vector<1x2048xf32>,
    return
  }
}

module attributes {stable_mosaic.version = 14 : i64} {
  func.func @_copy_body(%arg0: i32, %arg1: memref<256x4096xf32, #tpu.memory_space<vmem>>, %arg2: memref<256x4096xf32, #tpu.memory_space<vmem>>) attributes {dimension_semantics = [#tpu.dimension_semantics<arbitrary>], iteration_bounds = array<i64: 16>, scalar_prefetch = 0 : i64, scratch_operands = 0 : i64, tpu.core_type = #tpu.core_type<tc>, window_params = [{transform_indices = @transform_0, window_bounds = array<i64: 256, 4096>}, {transform_indices = @transform_1, window_bounds = array<i64: 256, 4096>}]} {
    %get3A = arith.constant 0 : index
    %get3A_0 = arith.constant 0 : index
    %get3A_1 = vector.load %arg1[%get3A, %get3A_0] : memref<256x4096xf32, #tpu.memory_space<vmem>>, vector<256x4096xf32>
    %swap3A = arith.constant 0 : index
    %swap3A_2 = arith.constant 0 : index
    %swap3A_3 = vector.load %arg2[%swap3A, %swap3A_2] : memref<256x4096xf32, #tpu.memory_space<vmem>>, vector<256x4096xf32>
    tpu.vector_store %arg2[%swap3A, %swap3A_2], %get3A_1 {strides = array<i32>} : memref<256x4096xf32, #tpu.memory_space<vmem>>, vector<256x4096xf32>,
    return
  }
  func.func @transform_0(%arg0: i32) -> (i32, i32) {
    %c0_i32 = arith.constant 0 : i32
    %c0_i32_0 = arith.constant 0 : i32
    return %arg0, %c0_i32 : i32, i32
  }
  func.func @transform_1(%arg0: i32) -> (i32, i32) {
    %c0_i32 = arith.constant 0 : i32
    %c0_i32_0 = arith.constant 0 : i32
    return %arg0, %c0_i32 : i32, i32
  }
}

</mosaic_0001>

<sc_bundles>
// kernel: kernel.6.cloned.1.call-start
scs
__scs_entry_jumppad:
0x0: {  	(pc) =	sbr.rel $0x88, $3  }
0x1: {  	(tag) =	ssettag $0x0;
	lr =	simm.s32 $0x1  }
0x2: {  	[smem:$0x3FA0] =	sst lr;
	_ =	strace $0xD0000000  }
0x3: {  	_ = 	snop  }
0x4: {  	_ = 	snop  }
0x5: {  	_ = 	snop  }
0x6: {  	_ = 	snop  }
0x7: {  	_ = 	snop  }
__scs_overlays_trampoline_lowered:
0x8: {  	[smem:$0x3FAF] =	sst s0  }
0x9: {  	[smem:$0x3FB0] =	sst s1  }
0xa: {  	[smem:$0x3FB1] =	sst s2  }
0xb: {  	[smem:$0x3FB2] =	sst s3  }
0xc: {  	[smem:$0x3FB3] =	sst s4  }
0xd: {  	[smem:$0x3FB4] =	sst s5  }
0xe: {  	[smem:$0x3FB5] =	sst s6  }
0xf: {  	[smem:$0x3FB6] =	sst s7  }
0x10: {  	[smem:$0x3FB7] =	sst s8  }
0x11: {  	[smem:$0x3FB8] =	sst s9;
	s0 =	simm.s32 @!p0 $0x0  }
0x12: {  	s1 =	sld [smem:$0x3F9E];
	s0 =	simm.s32 @p0 $0x1  }
0x13: {  	[smem:$0x3FB9] =	sst s0;
	s0 =	simm.s32 @!p1 $0x0  }
0x14: {  	s2 =	sld [smem:$0x3F9D];
	s0 =	simm.s32 @p1 $0x1  }
0x15: {  	[smem:$0x3FBA] =	sst s0;
	s0 =	simm.s32 @!p2 $0x0  }
0x16: {  	s3 =	sld [smem:$0x3FDB];
	s0 =	simm.s32 @p2 $0x1  }
0x17: {  	s4 =	simm.s32 $0x1BF5;
	[smem:$0x3FBC] =	sst s0  }
0x18: {  	s0 =	sld [smem:$0x3F9F];
	_ =	swait.ge [sflag:s4], $0x0  }
0x19: {  	s7 =	sld [smem:$0x3FA0]  }
0x1a: {  	s8 =	sadd.s32 $0xFFFFE003, lr  }
0x1b: {  	s9 =	sadd.s32 $0xFFFFFEF7, lr;
	s5 =	simm.s32 $0xFFFFFFFF;
	p2 =	slt.u32 s8, $0xFFFFF086  }
0x1c: {  	p1 =	slt.u32 s9, $0xF7A;
	s5 =	simm.s32 @!p2 $0x0  }
0x1d: {  	s5 =	simm.s32 @p1 $0x1;
	p0 =	seq.s32 s7, s2  }
0x1e: {  	s7 =	smul.u32 @!p0 $0xF7A, s2;
	p2 =	seq.s32 @!p0 s5, $0x0  }
0x1f: {  	s9 =	smul.u32 $0xF7A, s1;
	s8 =	simm.s32 @!p0 $0x1BF5;
	p2 =	por !p2, p0  }
0x20: {  	[sflag:s8] =	ssyncset.s32 @!p0 $0xFFFFF086;
	s6 =	sadd.s32 @!p0 s3, s7;
	s7 =	simm.s32 @!p0 $0x108  }
0x21: {  	s3 =	sadd.s32 s3, s9;
	s6 =	sadd.s32 @!p0 $0x88, s6;
	s7 =	simm.s32 @p2 $0x1082  }
0x22: {  	[simem:s7], [sflag:s8] =	dma.local @!p0 [hbm:s6], $0xF7A  }
0x23: {  	s9 =	sor.u32 $0xD0000000, s2;
	s6 =	simm.s32 $0x108;
	_ =	swait.ge @!p0 [sflag:s8], $0x0  }
0x24: {  	s3 =	sadd.s32 $0x88, s3;
	s6 =	simm.s32 @!p1 $0x1082;
	[sflag:s4] =	ssyncset.s32 $0xFFFFF086  }
0x25: {  	[simem:s6], [sflag:s4] =	dma.local [hbm:s3], $0xF7A  }
0x26: {  	[smem:$0x3FA0] =	sst s1;
	(tag) =	ssettag s2;
	_ =	strace s9  }
0x27: {  	s1 =	sld [smem:$0x3FB0]  }
0x28: {  	s2 =	sld [smem:$0x3FB1]  }
0x29: {  	s4 =	sld [smem:$0x3FB3]  }
0x2a: {  	p0 =	seq.s32 s5, $0x0;
	s5 =	sld [smem:$0x3FB4]  }
0x2b: {  	s6 =	sld [smem:$0x3FB5]  }
0x2c: {  	s7 =	sld [smem:$0x3FB6]  }
0x2d: {  	s3 =	simm.s32 $0x108;
	s8 =	sld [smem:$0x3FB7]  }
0x2e: {  	s3 =	simm.s32 @!p0 $0x1082;
	s9 =	sld [smem:$0x3FB8]  }
0x2f: {  	lr =	sadd.s32 s0, s3;
	s0 =	sld [smem:$0x3FAF]  }
0x30: {  	s3 =	sld [smem:$0x3FB2]  }
0x31: {  	[smem:$0x3FBB] =	sst s10  }
0x32: {  	s10 =	sld [smem:$0x3FB9];
	_ =	sdelay $0x3  }
0x33: {  	p0 =	seq.s32 s10, $0x1;
	s10 =	sld [smem:$0x3FBB];
	_ =	sdelay $0x3  }
0x34: {  	[smem:$0x3FBB] =	sst s10  }
0x35: {  	s10 =	sld [smem:$0x3FBA];
	_ =	sdelay $0x3  }
0x36: {  	p1 =	seq.s32 s10, $0x1;
	s10 =	sld [smem:$0x3FBB];
	_ =	sdelay $0x3  }
0x37: {  	[smem:$0x3FBB] =	sst s10  }
0x38: {  	s10 =	sld [smem:$0x3FBC]  }
0x39: {  	_ = 	snop;
	(pc) =	sbr.ind lr, $3  }
0x3a: {  	_ = 	snop  }
0x3b: {  	_ = 	snop  }
0x3c: {  	p2 =	seq.s32 s10, $0x1;
	s10 =	sld [smem:$0x3FBB]  }
0x3d: {  	_ =	shalt  }
0x3e: {  	_ =	shalt  }
0x3f: {  	_ =	shalt  }
0x40: {  	_ =	shalt  }
0x41: {  	_ =	shalt  }
0x42: {  	_ =	shalt  }
0x43: {  	_ =	shalt  }
0x44: {  	_ =	shalt  }
0x45: {  	_ =	shalt  }
0x46: {  	_ =	shalt  }
0x47: {  	_ =	shalt  }
0x48: {  	_ =	shalt  }
0x49: {  	_ =	shalt  }
0x4a: {  	_ =	shalt  }
0x4b: {  	_ =	shalt  }
0x4c: {  	_ =	shalt  }
0x4d: {  	_ =	shalt  }
0x4e: {  	_ =	shalt  }
0x4f: {  	_ =	shalt  }
0x50: {  	_ =	shalt  }
0x51: {  	_ =	shalt  }
0x52: {  	_ =	shalt  }
0x53: {  	_ =	shalt  }
0x54: {  	_ =	shalt  }
0x55: {  	_ =	shalt  }
0x56: {  	_ =	shalt  }
0x57: {  	_ =	shalt  }
0x58: {  	_ =	shalt  }
0x59: {  	_ =	shalt  }
0x5a: {  	_ =	shalt  }
0x5b: {  	_ =	shalt  }
0x5c: {  	_ =	shalt  }
0x5d: {  	_ =	shalt  }
0x5e: {  	_ =	shalt  }
0x5f: {  	_ =	shalt  }
0x60: {  	_ =	shalt  }
0x61: {  	_ =	shalt  }
0x62: {  	_ =	shalt  }
0x63: {  	_ =	shalt  }
0x64: {  	_ =	shalt  }
0x65: {  	_ =	shalt  }
0x66: {  	_ =	shalt  }
0x67: {  	_ =	shalt  }
0x68: {  	_ =	shalt  }
0x69: {  	_ =	shalt  }
0x6a: {  	_ =	shalt  }
0x6b: {  	_ =	shalt  }
0x6c: {  	_ =	shalt  }
0x6d: {  	_ =	shalt  }
0x6e: {  	_ =	shalt  }
0x6f: {  	_ =	shalt  }
0x70: {  	_ =	shalt  }
0x71: {  	_ =	shalt  }
0x72: {  	_ =	shalt  }
0x73: {  	_ =	shalt  }
0x74: {  	_ =	shalt  }
0x75: {  	_ =	shalt  }
0x76: {  	_ =	shalt  }
0x77: {  	_ =	shalt  }
0x78: {  	_ =	shalt  }
0x79: {  	_ =	shalt  }
0x7a: {  	_ =	shalt  }
0x7b: {  	_ =	shalt  }
0x7c: {  	_ =	shalt  }
0x7d: {  	_ =	shalt  }
0x7e: {  	_ =	shalt  }
0x7f: {  	_ =	shalt  }
0x80: {  	_ =	shalt  }
0x81: {  	_ =	shalt  }
0x82: {  	_ =	shalt  }
0x83: {  	_ =	shalt  }
0x84: {  	_ =	shalt  }
0x85: {  	_ =	shalt  }
0x86: {  	_ =	shalt  }
0x87: {  	_ =	shalt  }
.Lfunc_end0:
.L_simem_size_0:
called_computation_lowered:
.L_overlay_start_0:
0x88: {  	s2 =	sld [smem:$0x3FD9]  }
0x89: {  	s3 =	sld [smem:$0x3FFE];
	_ =	sdelay $0x1  }
0x8a: {  	s1 =	srdreg.scid  }
0x8b: {  	s0 =	sand.u32 $0x1, s1  }
0x8c: {  	s14 =	sshll.u32 s0, $0xA;
	s2 =	sadd.s32 s3, s2  }
0x8d: {  	s2 =	sadd.s32 s2, s14  }
0x8e: {  	[smem:$0x3FC7] =	sst s2  }
0x8f: {  	_ = 	snop  }
0x90: {  	s2 =	sld [smem:$0x3FD0];
	_ =	sdelay $0x2  }
0x91: {  	s4 =	simm.s32 $0xA;
	s5 =	simm.s32 $0x10;
	s15 =	sld [smem:$0x3FC9]  }
0x92: {  	[smem:s5], [sflag:s4] =	dma.local [hbm:s2], $0x1  }
0x93: {  	_ =	swait.eq [sflag:s4], $0x1  }
0x94: {  	[sflag:s4] =	ssyncset.done $0x0  }
0x95: {  	[sflag:s4] =	ssyncadd.s32 $0xFFFFFFFF  }
0x96: {  	s16 =	sld [smem:$0x13];
	(tm) =	ssettm $0x1  }
0x97: {  	s17 =	sld [smem:$0x3FFB];
	_ =	sdelay $0x3  }
0x98: {  	_ =	strace s17  }
0x99: {  	s4 =	sld [smem:$0x3FFC];
	_ =	sdelay $0x3  }
0x9a: {  	_ =	strace s4  }
0x9b: {  	s4 =	sld [smem:$0x3FFD];
	_ =	sdelay $0x3  }
0x9c: {  	_ =	strace s4  }
0x9d: {  	_ =	strace $0x8FFFFFFF  }
0x9e: {  	s18 =	sld [smem:$0x3FDB];
	_ =	sdelay $0x1  }
0x9f: {  	s19 =	simm.s32 $_scs_section_size  }
0xa0: {  	s6 =	simm.s32 $_size__tile_overlayer_lowered;
	s7 =	simm.s32 $_tile_overlayer_lowered  }
0xa1: {  	s22 =	simm.s32 $0x1BFF;
	s21 =	sshll.u32 s7, $0x1;
	s4 =	sadd.s32 s19, s18  }
0xa2: {  	s8 =	simm.s32 $0x0;
	s20 =	sshll.u32 s6, $0x1;
	s6 =	sadd.s32 s21, s4  }
0xa3: {  	[timem:s8], [sflag:s22] =	dma.local [hbm:s6], s20  }
0xa4: {  	_ =	swait.ge [sflag:s22], s20  }
0xa5: {  	s5 =	ssub.s32 $0x0, s20;
	[sflag:s22] =	ssyncset.done $0x0  }
0xa6: {  	[sflag:s22] =	ssyncadd.s32 s5;
	_ =	sdelay $0x1  }
0xa7: {  	s23 =	simm.s32 $0x1B8B  }
0xa8: {  	_ =	swait.ge [sflag:s23], $0x1  }
0xa9: {  	[sflag:s23] =	ssyncset.done $0x0  }
0xaa: {  	s25 =	simm.s32 $0x1B8E;
	s24 =	sld [smem:$0x3FFE];
	[sflag:s23] =	ssyncadd.s32 $0xFFFFFFFF  }
0xab: {  	s26 =	simm.s32 $execute0_lowered;
	[smem:$0x3FD2] =	sst s25  }
0xac: {  	s6 =	sshll.u32 s26, $0x1;
	_ =	strace $0x80000046;
	[dreg:$0x1] =	wrdreg $0xFFFFFFFF  }
0xad: {  	s28 =	simm.s32 $_size_execute0_lowered;
	s4 =	sadd.s32 s4, s6;
	[dreg:$0x0] =	wrdreg $0x0  }
0xae: {  	s6 =	sshll.u32 s28, $0x1;
	[dreg:$0x2] =	wrdreg s4  }
0xaf: {  	[dreg:$0x3] =	wrdreg s6  }
0xb0: {  	[dreg:$0x4] =	wrdreg $0xC0  }
0xb1: {  	_ =	task [dreg:s8], $0x5FFFF  }
0xb2: {  	[dreg:$0x1] =	wrdreg $0xFFFFFFFF  }
0xb3: {  	[dreg:$0x0] =	wrdreg $0x60  }
0xb4: {  	[dreg:$0x2] =	wrdreg s15  }
0xb5: {  	[dreg:$0x3] =	wrdreg s16  }
0xb6: {  	[dreg:$0x4] =	wrdreg s24  }
0xb7: {  	[dreg:$0x5] =	wrdreg $0x9  }
0xb8: {  	_ =	task.clear_ibuf [dreg:s8], $0x6FFFF;
	_ =	strace $0x90000046  }
0xb9: {  	s29 =	simm.s32 $0x9;
	_ =	strace $0x80000048  }
0xba: {  	_ =	swait.ge [sflag:s29], $0x1  }
0xbb: {  	[sflag:s29] =	ssyncadd.s32 $0xFFFFFFFF  }
0xbc: {  	_ =	strace $0x90000048  }
0xbd: {  	_ =	sfence  }
0xbe: {  	s30 =	sld [smem:$0x0];
	_ =	sdelay $0x2  }
0xbf: {  	s31 =	sshll.u32 s1, $0xD;
	s1 =	sshrl.u32 s1, $0x2  }
0xc0: {  	s3 =	sand.u32 $0x4000, s31;
	s1 =	sadd.s32 s1, s30  }
0xc1: {  	s0 =	sor.u32 s3, s0;
	s1 =	sshll.u32 s1, $0x11  }
0xc2: {  	s0 =	sor.u32 s1, s0  }
0xc3: {  	s0 =	sadd.s32 $0x8F2B, s0  }
0xc4: {  	[sflag:s0] =	ssyncadd.remote.s32 $0x1  }
0xc5: {  	_ =	sfence.sel $0xFFFF  }
0xc6: {  	[dreg:$0x0] =	wrdreg $0xFFFFFFFF;
	(pc) =	sbr.abs _section_cstart, $3  }
0xc7: {  	[dreg:$0x1] =	wrdreg $0xFFFFFFFF  }
0xc8: {  	_ =	task.clear_ibuf [dreg:s8], $0x2FFFF;
	_ =	strace $0x9FFFFFFF  }
0xc9: {  	(tm) =	ssettm $0x7FFFFFFF  }
tec
execute0_lowered:
.L_overlay_start_1:
0x0: {  	(tag) =	ssettag $0x1  }
0x1: {  	v0 =	vimm.f32 $3.073500000e+04;
	vm0 =	vcmask $0x300  }
0x2: {  	s0 =	rddreg [dreg:$0x0];
	s3 =	stileid.u32;
	v0 =	vsel vm0, $0x0, v0;
	vm0 =	vcmask $0x704  }
0x3: {  	s1 =	srdreg.scid;
	s6 =	rddreg [dreg:$0x2];
	s5 =	simm.s32 $0x0;
	v0 =	vsel vm0, $0x45001000, v0;
	vm0 =	vcmask $0xB08  }
0x4: {  	s23 =	simm.s32 $0x3;
	s24 =	simm.s32 $0x1;
	s28 =	simm.s32 $0x2;
	v0 =	vsel vm0, $0x45801000, v0;
	vm0 =	vcmask $0xF0C  }
0x5: {  	s1 =	sand.u32 $0x1, s1;
	s2 =	sshll.u32 s3, $0x1;
	[smem:$0x7FF] =	sst s5;
	v0 =	vsel vm0, $0x45C01800, v0;
	vm0 =	vcmask $0x1310  }
0x6: {  	s25 =	sshll.u32 s3, $0x9;
	s2 =	sor.u32 s1, s2;
	_ =	strace $0x80000047;
	v0 =	vsel vm0, $0x46001000, v0;
	vm0 =	vcmask $0x1714  }
0x7: {  	s26 =	sand.u32 $0x1800, s25;
	s4 =	sshll.u32 s2, $0x10;
	s2 =	sshll.u32 s2, $0x4;
	v0 =	vsel vm0, $0x46201400, v0;
	vm0 =	vcmask $0x1B18  }
0x8: {  	s25 =	simm.s32 $0x8000;
	s4 =	sadd.s32 s0, s4;
	s2 =	sand.u32 $0x70, s2;
	v0 =	vsel vm0, $0x46401800, v0;
	vm0 =	vcmask $0x1F1C  }
0x9: {  	s0 =	sadd.s32 s26, s6;
	s26 =	simm.s32 $0x10000;
	s29 =	sadd.s32 $0x1000, s4;
	v0 =	vsel vm0, $0x46601C00, v0;
	vm0 =	vcmask $0x2320  }
0xa: {  	s30 =	sadd.s32 $0x2000, s4;
	s31 =	sadd.s32 $0x3000, s4;
	s8 =	sadd.s32 $0x4000, s4;
	v0 =	vsel vm0, $0x46801000, v0;
	vm0 =	vcmask $0x2724  }
0xb: {  	s1 =	ssub.s32 $0x2, s1;
	s9 =	sadd.s32 $0x5000, s4;
	s10 =	sadd.s32 $0x6000, s4;
	v0 =	vsel vm0, $0x46901200, v0;
	vm0 =	vcmask $0x2B28  }
0xc: {  	s17 =	sshrl.u32 s1, $0x1;
	s11 =	sadd.s32 $0x7000, s4;
	s12 =	sadd.s32 $0x8000, s4;
	v0 =	vsel vm0, $0x46A01400, v0;
	vm0 =	vcmask $0x2F2C  }
0xd: {  	s1 =	ssub.s32 s1, s17;
	s13 =	sadd.s32 $0x9000, s4;
	s14 =	sadd.s32 $0xA000, s4;
	v0 =	vsel vm0, $0x46B01600, v0;
	vm0 =	vcmask $0x3330  }
0xe: {  	s15 =	sadd.s32 $0xB000, s4;
	s16 =	sadd.s32 $0xC000, s4;
	s17 =	sadd.s32 $0xD000, s4;
	v1 =	vsel vm0, $0x46C01800, v0;
	v0 =	vlaneseq.u32  }
0xf: {  	v3 =	vimm.f32 $1.000000000e+00;
	s18 =	sadd.s32 $0xE000, s4;
	s19 =	sadd.s32 $0xF000, s4;
	[dreg:$0x4] =	wrdreg s29;
	vm0 =	vcmask $0x3734;
	v4 =	vmul.u32 $0x801, v0  }
0x10: {  	s0 =	sadd.s32 s2, s0;
	s21 =	smax.u32 s1, $0x1;
	[dreg:$0x5] =	wrdreg s30;
	v2 =	vsel vm0, $0x46D01A00, v1;
	vm0 =	vcmask $0x3B38;
	v1 =	vimm.f32 $0.0e+00  }
0x11: {  	s2 =	simm.s32 $0x0;
	[dreg:$0x6] =	wrdreg s31;
	s20 =	sadd.s32 $0x800, s0;
	v2 =	vsel vm0, $0x46E01C00, v2;
	vm0 =	vmmov $0x7fff;
	v4 =	vadd.s32 $0x800, v4  }
.LBB2_1:
0x12: {  	s0 =	rddreg [dreg:$0x1];
	s1 =	simm.s32 $0x0;
	s3 =	simm.s32 $0x18880  }
0x13: {  	[tilespmem:s3], [sflag:$0x3] =	stream.linear.gather [hbm4b:s0+s1], $0x80, $0x38;
	[tilespmem:$0x18900] =	vst v63  }
0x14: {  	_ =	swait.ge [sflag:s23], $0x80  }
0x15: {  	[sflag:s23] =	ssyncset.done $0x0  }
0x16: {  	[sflag:s23] =	ssyncadd.s32 $0xFFFFFF80  }
0x17: {  	s0 =	simm.s32 $0x10040;
	v6 =	vld [tilespmem:$0x18880]  }
0x18: {  	v5 =	vld [tilespmem:$0x18890];
	[tilespmem:s1], [sflag:$0x1] =	stream.linear.gather [hbm4b:s4+s1], $0x8000, $0x38  }
0x19: {  	[tilespmem:s0+$0xFFFFFFC0] =	vst v1  }
0x1a: {  	[tilespmem:s0+$0x30] =	vst v1  }
0x1b: {  	[tilespmem:s0+$0x20] =	vst v1  }
0x1c: {  	[tilespmem:s0+$0x10] =	vst v1  }
0x1d: {  	[tilespmem:s0+$0x0] =	vst v1  }
0x1e: {  	[tilespmem:s0+$0xFFFFFFF0] =	vst v1  }
0x1f: {  	s1 =	simm.s32 $0x0;
	[tilespmem:s0+$0xFFFFFFE0] =	vst v1  }
.LBB2_2:
0x20: {  	s1 =	sadd.s32 $0x8, s1;
	[tilespmem:s0+$0xFFFFFFD0] =	vst v1;
	s0 =	sadd.s32 $0x80, s0  }
0x21: {  	[tilespmem:s0+$0xFFFFFFC0] =	vst v1;
	p0 =	slt.u32 s1, $0x800  }
0x22: {  	[tilespmem:s0+$0x30] =	vst v1  }
.Ltmp0:
0x23: {  	[tilespmem:s0+$0x20] =	vst v1;
	(pc) =	sbr.rel @p0 .LBB2_2-.Ltmp0, $4  }
0x24: {  	[tilespmem:s0+$0x10] =	vst v1  }
0x25: {  	[tilespmem:s0+$0x0] =	vst v1  }
0x26: {  	[tilespmem:s0+$0xFFFFFFF0] =	vst v1  }
0x27: {  	[tilespmem:s0+$0xFFFFFFE0] =	vst v1  }
0x28: {  	[tilespmem:s0+$0xFFFFFFD0] =	vst v1  }
0x29: {  	s22 =	simm.s32 $0x0;
	_ =	swait.ge [sflag:s24], $0x8000  }
0x2a: {  	s29 =	sand.u32 $0x7C00, s22;
	s0 =	sand.u32 $0x380, s22;
	[sflag:s24] =	ssyncset.done $0x0  }
0x2b: {  	s1 =	rddreg [dreg:$0x4];
	s0 =	sor.u32 s0, s29;
	[sflag:s24] =	ssyncadd.s32 $0xFFFF8000  }
0x2c: {  	[tilespmem:s25], [sflag:$0x2] =	stream.linear.gather [hbm4b:s1+s22], $0x8000, $0x38;
	[tilespmem:$0x18900] =	vst v63  }
0x2d: {  	v7 =	vld [tilespmem:s0+$0x70]  }
0x2e: {  	v8 =	vld [tilespmem:s0+$0x0]  }
0x2f: {  	v6 =	vmul.f32 v5, v6;
	v9 =	vld [tilespmem:s0+$0x10]  }
0x30: {  	v10 =	vld [tilespmem:s0+$0x20]  }
0x31: {  	v6 =	vsub.f32 v2, v6;
	v11 =	vld [tilespmem:s0+$0x30]  }
0x32: {  	v12 =	vld [tilespmem:s0+$0x40]  }
0x33: {  	s30 =	simm.s32 $0x400;
	s31 =	simm.s32 $0x4;
	v6 =	vadd.f32 $3.906250000e-03, v6;
	v13 =	vld [tilespmem:s0+$0x50];
	v7 =	vmul.f32 v7, v5  }
0x34: {  	s1 =	sand.u32 $0x380, s31;
	v14 =	vld [tilespmem:s0+$0x60];
	s0 =	sand.u32 $0x7C00, s30  }
0x35: {  	s0 =	sor.u32 s1, s0;
	v7 =	vadd.f32 v7, v6  }
0x36: {  	v20 =	vld [tilespmem:s0+$0x40];
	v8 =	vmul.f32 v8, v5;
	v9 =	vmul.f32 v9, v5  }
0x37: {  	v10 =	vmul.f32 v10, v5;
	v7 =	vtrunc.f32 v7  }
0x38: {  	v11 =	vmul.f32 v11, v5;
	v7 =	vcvt.f32.s32 v7  }
0x39: {  	v12 =	vmul.f32 v12, v5;
	v13 =	vmul.f32 v13, v5  }
0x3a: {  	v14 =	vmul.f32 v14, v5;
	v8 =	vadd.f32 v8, v6;
	v9 =	vadd.f32 v9, v6  }
0x3b: {  	v15 =	vld [tilespmem:s0+$0x70];
	v10 =	vadd.f32 v10, v6;
	v12 =	vadd.f32 v12, v6;
	v20 =	vmul.f32 v20, v5  }
0x3c: {  	v17 =	vld [tilespmem:s0+$0x20];
	v11 =	vadd.f32 v11, v6;
	v8 =	vtrunc.f32 v8;
	v9 =	vtrunc.f32 v9  }
0x3d: {  	v16 =	vcvt.f32.s32 v8;
	v8 =	vtrunc.f32 v12;
	v12 =	vadd.f32 v14, v6;
	v14 =	vld [tilespmem:s0+$0x10]  }
0x3e: {  	v9 =	vcvt.f32.s32 v9;
	v21 =	vcvt.f32.s32 v8;
	[tilespmem:v7+s26+$0x0] =	vst.idx.add.f32.msk $0xffff, v3  }
0x3f: {  	v7 =	vtrunc.f32 v10;
	v10 =	vtrunc.f32 v11;
	v11 =	vadd.f32 v13, v6;
	v13 =	vld [tilespmem:s0+$0x0]  }
0x40: {  	v18 =	vcvt.f32.s32 v7;
	v7 =	vtrunc.f32 v12;
	v12 =	vld [tilespmem:s0+$0x30]  }
0x41: {  	v22 =	vld [tilespmem:s0+$0x50];
	v19 =	vcvt.f32.s32 v10;
	v10 =	vmul.f32 v15, v5  }
0x42: {  	v15 =	vmul.f32 v17, v5;
	v11 =	vtrunc.f32 v11  }
0x43: {  	v8 =	vcvt.f32.s32 v11;
	v11 =	vmul.f32 v14, v5;
	v14 =	vld [tilespmem:s0+$0x60];
	v10 =	vadd.f32 v10, v6  }
0x44: {  	[tilespmem:v16+s26+$0x0] =	vst.idx.add.f32.msk $0xffff, v3;
	v7 =	vcvt.f32.s32 v7;
	v13 =	vmul.f32 v13, v5  }
0x45: {  	[tilespmem:v9+s26+$0x0] =	vst.idx.add.f32.msk $0xffff, v3;
	v17 =	vadd.f32 v11, v6;
	v11 =	vtrunc.f32 v10;
	v12 =	vmul.f32 v12, v5  }
0x46: {  	v16 =	vmul.f32 v22, v5;
	[tilespmem:v21+s26+$0x0] =	vst.idx.add.f32.msk $0xffff, v3;
	v9 =	vcvt.f32.s32 v11;
	v13 =	vadd.f32 v13, v6  }
0x47: {  	v10 =	vadd.f32 v15, v6;
	[tilespmem:v18+s26+$0x0] =	vst.idx.add.f32.msk $0xffff, v3;
	v15 =	vadd.f32 v12, v6;
	v12 =	vtrunc.f32 v17  }
0x48: {  	s22 =	simm.s32 $0x8;
	s1 =	simm.s32 $0x800;
	s0 =	simm.s32 $0x8;
	[tilespmem:v19+s26+$0x0] =	vst.idx.add.f32.msk $0xffff, v3;
	v14 =	vmul.f32 v14, v5;
	v11 =	vtrunc.f32 v13;
	v13 =	vadd.f32 v20, v6  }
.LBB2_4:
0x49: {  	s29 =	sand.u32 $0x7C00, s1;
	s30 =	sand.u32 $0x380, s22;
	v10 =	vtrunc.f32 v10;
	v15 =	vtrunc.f32 v15;
	v16 =	vadd.f32 v16, v6;
	[tilespmem:v8+s26+$0x0] =	vst.idx.add.f32.msk $0xffff, v3  }
0x4a: {  	s0 =	sadd.s32 $0x8, s0;
	v11 =	vcvt.f32.s32 v11;
	s29 =	sor.u32 s30, s29;
	v8 =	vtrunc.f32 v13;
	v13 =	vadd.f32 v14, v6;
	[tilespmem:v7+s26+$0x0] =	vst.idx.add.f32.msk $0xffff, v3  }
0x4b: {  	v12 =	vcvt.f32.s32 v12;
	p0 =	slt.u32 s0, $0x7F8;
	v14 =	vld [tilespmem:s29+$0x70];
	v7 =	vtrunc.f32 v16  }
0x4c: {  	v16 =	vcvt.f32.s32 v10;
	v10 =	vtrunc.f32 v13;
	[tilespmem:v9+s26+$0x0] =	vst.idx.add.f32.msk $0xffff, v3  }
0x4d: {  	v17 =	vcvt.f32.s32 v8;
	v13 =	vcvt.f32.s32 v15;
	v9 =	vld [tilespmem:s29+$0x0]  }
0x4e: {  	v8 =	vcvt.f32.s32 v7;
	v7 =	vcvt.f32.s32 v10;
	v15 =	vld [tilespmem:s29+$0x10]  }
0x4f: {  	v10 =	vld [tilespmem:s29+$0x20]  }
0x50: {  	v18 =	vld [tilespmem:s29+$0x30]  }
0x51: {  	v14 =	vmul.f32 v14, v5;
	v19 =	vld [tilespmem:s29+$0x40]  }
0x52: {  	v9 =	vmul.f32 v9, v5;
	v20 =	vld [tilespmem:s29+$0x50]  }
0x53: {  	v14 =	vadd.f32 v14, v6;
	v15 =	vmul.f32 v15, v5;
	v21 =	vld [tilespmem:s29+$0x60]  }
.Ltmp1:
0x54: {  	v22 =	vadd.f32 v9, v6;
	v9 =	vmul.f32 v10, v5;
	[tilespmem:v11+s26+$0x0] =	vst.idx.add.f32.msk $0xffff, v3;
	(pc) =	sbr.rel @p0 .LBB2_4-.Ltmp1, $4  }
0x55: {  	v11 =	vtrunc.f32 v14;
	v23 =	vadd.f32 v15, v6;
	v15 =	vmul.f32 v18, v5;
	[tilespmem:v12+s26+$0x0] =	vst.idx.add.f32.msk $0xffff, v3  }
0x56: {  	v10 =	vadd.f32 v9, v6;
	v14 =	vmul.f32 v19, v5;
	v9 =	vcvt.f32.s32 v11;
	[tilespmem:v16+s26+$0x0] =	vst.idx.add.f32.msk $0xffff, v3  }
0x57: {  	v11 =	vtrunc.f32 v22;
	v15 =	vadd.f32 v15, v6;
	v16 =	vmul.f32 v20, v5;
	[tilespmem:v13+s26+$0x0] =	vst.idx.add.f32.msk $0xffff, v3  }
0x58: {  	s1 =	sadd.s32 $0x400, s1;
	s22 =	sadd.s32 $0x4, s22;
	v12 =	vtrunc.f32 v23;
	v13 =	vadd.f32 v14, v6;
	v14 =	vmul.f32 v21, v5;
	[tilespmem:v17+s26+$0x0] =	vst.idx.add.f32.msk $0xffff, v3  }
0x59: {  	_ = 	snop  }
0x5a: {  	v11 =	vcvt.f32.s32 v11  }
0x5b: {  	v10 =	vtrunc.f32 v10;
	v12 =	vcvt.f32.s32 v12  }
0x5c: {  	v15 =	vtrunc.f32 v15;
	v16 =	vadd.f32 v16, v6;
	v10 =	vcvt.f32.s32 v10  }
0x5d: {  	[tilespmem:v8+s26+$0x0] =	vst.idx.add.f32.msk $0xffff, v3;
	v8 =	vtrunc.f32 v13;
	v13 =	vadd.f32 v14, v6;
	v14 =	vcvt.f32.s32 v15  }
0x5e: {  	[tilespmem:v7+s26+$0x0] =	vst.idx.add.f32.msk $0xffff, v3;
	v7 =	vtrunc.f32 v16;
	v8 =	vcvt.f32.s32 v8  }
0x5f: {  	[tilespmem:v9+s26+$0x0] =	vst.idx.add.f32.msk $0xffff, v3;
	v13 =	vtrunc.f32 v13;
	v7 =	vcvt.f32.s32 v7  }
0x60: {  	v9 =	vcvt.f32.s32 v13;
	[tilespmem:v11+s26+$0x0] =	vst.idx.add.f32.msk $0xffff, v3  }
0x61: {  	[tilespmem:v12+s26+$0x0] =	vst.idx.add.f32.msk $0xffff, v3  }
0x62: {  	[tilespmem:v10+s26+$0x0] =	vst.idx.add.f32.msk $0xffff, v3  }
0x63: {  	[tilespmem:v14+s26+$0x0] =	vst.idx.add.f32.msk $0xffff, v3  }
0x64: {  	[tilespmem:v8+s26+$0x0] =	vst.idx.add.f32.msk $0xffff, v3  }
0x65: {  	[tilespmem:v7+s26+$0x0] =	vst.idx.add.f32.msk $0xffff, v3  }
0x66: {  	[tilespmem:v9+s26+$0x0] =	vst.idx.add.f32.msk $0xffff, v3  }
0x67: {  	_ =	swait.ge [sflag:s28], $0x8000  }
0x68: {  	[sflag:s28] =	ssyncset.done $0x0  }
0x69: {  	s0 =	simm.s32 $0x0;
	s1 =	rddreg [dreg:$0x5];
	[sflag:s28] =	ssyncadd.s32 $0xFFFF8000  }
0x6a: {  	[tilespmem:s0], [sflag:$0x1] =	stream.linear.gather [hbm4b:s1+s0], $0x8000, $0x38;
	[tilespmem:$0x18900] =	vst v63  }
0x6b: {  	s29 =	sand.u32 $0x7C00, s0;
	s0 =	sand.u32 $0x380, s0  }
0x6c: {  	s0 =	sor.u32 s0, s29  }
0x6d: {  	v7 =	vld [tilespmem:s0+$0x8070]  }
0x6e: {  	v8 =	vld [tilespmem:s0+$0x8000]  }
0x6f: {  	v9 =	vld [tilespmem:s0+$0x8010]  }
0x70: {  	v10 =	vld [tilespmem:s0+$0x8020]  }
0x71: {  	v11 =	vld [tilespmem:s0+$0x8030]  }
0x72: {  	v12 =	vld [tilespmem:s0+$0x8040]  }
0x73: {  	s30 =	simm.s32 $0x400;
	s31 =	simm.s32 $0x4;
	v13 =	vld [tilespmem:s0+$0x8050];
	v7 =	vmul.f32 v7, v5  }
0x74: {  	s1 =	sand.u32 $0x380, s31;
	v14 =	vld [tilespmem:s0+$0x8060];
	s0 =	sand.u32 $0x7C00, s30  }
0x75: {  	s0 =	sor.u32 s1, s0;
	v7 =	vadd.f32 v7, v6  }
0x76: {  	v20 =	vld [tilespmem:s0+$0x8040];
	v8 =	vmul.f32 v8, v5;
	v9 =	vmul.f32 v9, v5  }
0x77: {  	v10 =	vmul.f32 v10, v5;
	v7 =	vtrunc.f32 v7  }
0x78: {  	v11 =	vmul.f32 v11, v5;
	v7 =	vcvt.f32.s32 v7  }
0x79: {  	v12 =	vmul.f32 v12, v5;
	v13 =	vmul.f32 v13, v5  }
0x7a: {  	v14 =	vmul.f32 v14, v5;
	v8 =	vadd.f32 v8, v6;
	v9 =	vadd.f32 v9, v6  }
0x7b: {  	v15 =	vld [tilespmem:s0+$0x8070];
	v10 =	vadd.f32 v10, v6;
	v12 =	vadd.f32 v12, v6;
	v20 =	vmul.f32 v20, v5  }
0x7c: {  	v17 =	vld [tilespmem:s0+$0x8020];
	v11 =	vadd.f32 v11, v6;
	v8 =	vtrunc.f32 v8;
	v9 =	vtrunc.f32 v9  }
0x7d: {  	v16 =	vcvt.f32.s32 v8;
	v8 =	vtrunc.f32 v12;
	v12 =	vadd.f32 v14, v6;
	v14 =	vld [tilespmem:s0+$0x8010]  }
0x7e: {  	v9 =	vcvt.f32.s32 v9;
	v21 =	vcvt.f32.s32 v8;
	[tilespmem:v7+s26+$0x0] =	vst.idx.add.f32.msk $0xffff, v3  }
0x7f: {  	v7 =	vtrunc.f32 v10;
	v10 =	vtrunc.f32 v11;
	v11 =	vadd.f32 v13, v6;
	v13 =	vld [tilespmem:s0+$0x8000]  }
0x80: {  	v18 =	vcvt.f32.s32 v7;
	v7 =	vtrunc.f32 v12;
	v12 =	vld [tilespmem:s0+$0x8030]  }
0x81: {  	v22 =	vld [tilespmem:s0+$0x8050];
	v19 =	vcvt.f32.s32 v10;
	v10 =	vmul.f32 v15, v5  }
0x82: {  	v15 =	vmul.f32 v17, v5;
	v11 =	vtrunc.f32 v11  }
0x83: {  	v8 =	vcvt.f32.s32 v11;
	v11 =	vmul.f32 v14, v5;
	v14 =	vld [tilespmem:s0+$0x8060];
	v10 =	vadd.f32 v10, v6  }
0x84: {  	[tilespmem:v16+s26+$0x0] =	vst.idx.add.f32.msk $0xffff, v3;
	v7 =	vcvt.f32.s32 v7;
	v13 =	vmul.f32 v13, v5  }
0x85: {  	[tilespmem:v9+s26+$0x0] =	vst.idx.add.f32.msk $0xffff, v3;
	v17 =	vadd.f32 v11, v6;
	v11 =	vtrunc.f32 v10;
	v12 =	vmul.f32 v12, v5  }
0x86: {  	v16 =	vmul.f32 v22, v5;
	[tilespmem:v21+s26+$0x0] =	vst.idx.add.f32.msk $0xffff, v3;
	v9 =	vcvt.f32.s32 v11;
	v13 =	vadd.f32 v13, v6  }
0x87: {  	v10 =	vadd.f32 v15, v6;
	[tilespmem:v18+s26+$0x0] =	vst.idx.add.f32.msk $0xffff, v3;
	v15 =	vadd.f32 v12, v6;
	v12 =	vtrunc.f32 v17  }
0x88: {  	s22 =	simm.s32 $0x8;
	s1 =	simm.s32 $0x800;
	s0 =	simm.s32 $0x8;
	[tilespmem:v19+s26+$0x0] =	vst.idx.add.f32.msk $0xffff, v3;
	v14 =	vmul.f32 v14, v5;
	v11 =	vtrunc.f32 v13;
	v13 =	vadd.f32 v20, v6  }
.LBB2_6:
0x89: {  	s29 =	sand.u32 $0x7C00, s1;
	s30 =	sand.u32 $0x380, s22;
	v10 =	vtrunc.f32 v10;
	v15 =	vtrunc.f32 v15;
	v16 =	vadd.f32 v16, v6;
	[tilespmem:v8+s26+$0x0] =	vst.idx.add.f32.msk $0xffff, v3  }
0x8a: {  	s0 =	sadd.s32 $0x8, s0;
	v11 =	vcvt.f32.s32 v11;
	s29 =	sor.u32 s30, s29;
	v8 =	vtrunc.f32 v13;
	v13 =	vadd.f32 v14, v6;
	[tilespmem:v7+s26+$0x0] =	vst.idx.add.f32.msk $0xffff, v3  }
0x8b: {  	v12 =	vcvt.f32.s32 v12;
	p0 =	slt.u32 s0, $0x7F8;
	v14 =	vld [tilespmem:s29+$0x8070];
	v7 =	vtrunc.f32 v16  }
0x8c: {  	v16 =	vcvt.f32.s32 v10;
	v10 =	vtrunc.f32 v13;
	[tilespmem:v9+s26+$0x0] =	vst.idx.add.f32.msk $0xffff, v3  }
0x8d: {  	v17 =	vcvt.f32.s32 v8;
	v13 =	vcvt.f32.s32 v15;
	v9 =	vld [tilespmem:s29+$0x8000]  }
0x8e: {  	v8 =	vcvt.f32.s32 v7;
	v7 =	vcvt.f32.s32 v10;
	v15 =	vld [tilespmem:s29+$0x8010]  }
0x8f: {  	v10 =	vld [tilespmem:s29+$0x8020]  }
0x90: {  	v18 =	vld [tilespmem:s29+$0x8030]  }
0x91: {  	v14 =	vmul.f32 v14, v5;
	v19 =	vld [tilespmem:s29+$0x8040]  }
0x92: {  	v9 =	vmul.f32 v9, v5;
	v20 =	vld [tilespmem:s29+$0x8050]  }
0x93: {  	v14 =	vadd.f32 v14, v6;
	v15 =	vmul.f32 v15, v5;
	v21 =	vld [tilespmem:s29+$0x8060]  }
.Ltmp2:
0x94: {  	v22 =	vadd.f32 v9, v6;
	v9 =	vmul.f32 v10, v5;
	[tilespmem:v11+s26+$0x0] =	vst.idx.add.f32.msk $0xffff, v3;
	(pc) =	sbr.rel @p0 .LBB2_6-.Ltmp2, $4  }
0x95: {  	v11 =	vtrunc.f32 v14;
	v23 =	vadd.f32 v15, v6;
	v15 =	vmul.f32 v18, v5;
	[tilespmem:v12+s26+$0x0] =	vst.idx.add.f32.msk $0xffff, v3  }
0x96: {  	v10 =	vadd.f32 v9, v6;
	v14 =	vmul.f32 v19, v5;
	v9 =	vcvt.f32.s32 v11;
	[tilespmem:v16+s26+$0x0] =	vst.idx.add.f32.msk $0xffff, v3  }
0x97: {  	v11 =	vtrunc.f32 v22;
	v15 =	vadd.f32 v15, v6;
	v16 =	vmul.f32 v20, v5;
	[tilespmem:v13+s26+$0x0] =	vst.idx.add.f32.msk $0xffff, v3  }
0x98: {  	s1 =	sadd.s32 $0x400, s1;
	s22 =	sadd.s32 $0x4, s22;
	v12 =	vtrunc.f32 v23;
	v13 =	vadd.f32 v14, v6;
	v14 =	vmul.f32 v21, v5;
	[tilespmem:v17+s26+$0x0] =	vst.idx.add.f32.msk $0xffff, v3  }
0x99: {  	_ = 	snop  }
0x9a: {  	v11 =	vcvt.f32.s32 v11  }
0x9b: {  	v10 =	vtrunc.f32 v10;
	v12 =	vcvt.f32.s32 v12  }
0x9c: {  	v15 =	vtrunc.f32 v15;
	v16 =	vadd.f32 v16, v6;
	v10 =	vcvt.f32.s32 v10  }
0x9d: {  	[tilespmem:v8+s26+$0x0] =	vst.idx.add.f32.msk $0xffff, v3;
	v8 =	vtrunc.f32 v13;
	v13 =	vadd.f32 v14, v6;
	v14 =	vcvt.f32.s32 v15  }
0x9e: {  	[tilespmem:v7+s26+$0x0] =	vst.idx.add.f32.msk $0xffff, v3;
	v7 =	vtrunc.f32 v16;
	v8 =	vcvt.f32.s32 v8  }
0x9f: {  	[tilespmem:v9+s26+$0x0] =	vst.idx.add.f32.msk $0xffff, v3;
	v13 =	vtrunc.f32 v13;
	v7 =	vcvt.f32.s32 v7  }
0xa0: {  	v9 =	vcvt.f32.s32 v13;
	[tilespmem:v11+s26+$0x0] =	vst.idx.add.f32.msk $0xffff, v3  }
0xa1: {  	[tilespmem:v12+s26+$0x0] =	vst.idx.add.f32.msk $0xffff, v3  }
0xa2: {  	[tilespmem:v10+s26+$0x0] =	vst.idx.add.f32.msk $0xffff, v3  }
0xa3: {  	[tilespmem:v14+s26+$0x0] =	vst.idx.add.f32.msk $0xffff, v3  }
0xa4: {  	[tilespmem:v8+s26+$0x0] =	vst.idx.add.f32.msk $0xffff, v3  }
0xa5: {  	[tilespmem:v7+s26+$0x0] =	vst.idx.add.f32.msk $0xffff, v3  }
0xa6: {  	[tilespmem:v9+s26+$0x0] =	vst.idx.add.f32.msk $0xffff, v3  }
0xa7: {  	_ =	swait.ge [sflag:s24], $0x8000  }
0xa8: {  	[sflag:s24] =	ssyncset.done $0x0  }
0xa9: {  	s0 =	simm.s32 $0x0;
	s1 =	rddreg [dreg:$0x6];
	[sflag:s24] =	ssyncadd.s32 $0xFFFF8000  }
0xaa: {  	[tilespmem:s25], [sflag:$0x2] =	stream.linear.gather [hbm4b:s1+s0], $0x8000, $0x38;
	[tilespmem:$0x18900] =	vst v63  }
0xab: {  	s29 =	sand.u32 $0x7C00, s0;
	s0 =	sand.u32 $0x380, s0  }
0xac: {  	s0 =	sor.u32 s0, s29  }
0xad: {  	v7 =	vld [tilespmem:s0+$0x70]  }
0xae: {  	v8 =	vld [tilespmem:s0+$0x0]  }
0xaf: {  	v9 =	vld [tilespmem:s0+$0x10]  }
0xb0: {  	v10 =	vld [tilespmem:s0+$0x20]  }
0xb1: {  	v11 =	vld [tilespmem:s0+$0x30]  }
0xb2: {  	v12 =	vld [tilespmem:s0+$0x40]  }
0xb3: {  	s30 =	simm.s32 $0x400;
	s31 =	simm.s32 $0x4;
	v13 =	vld [tilespmem:s0+$0x50];
	v7 =	vmul.f32 v7, v5  }
0xb4: {  	s1 =	sand.u32 $0x380, s31;
	v14 =	vld [tilespmem:s0+$0x60];
	s0 =	sand.u32 $0x7C00, s30  }
0xb5: {  	s0 =	sor.u32 s1, s0;
	v7 =	vadd.f32 v7, v6  }
0xb6: {  	v20 =	vld [tilespmem:s0+$0x40];
	v8 =	vmul.f32 v8, v5;
	v9 =	vmul.f32 v9, v5  }
0xb7: {  	v10 =	vmul.f32 v10, v5;
	v7 =	vtrunc.f32 v7  }
0xb8: {  	v11 =	vmul.f32 v11, v5;
	v7 =	vcvt.f32.s32 v7  }
0xb9: {  	v12 =	vmul.f32 v12, v5;
	v13 =	vmul.f32 v13, v5  }
0xba: {  	v14 =	vmul.f32 v14, v5;
	v8 =	vadd.f32 v8, v6;
	v9 =	vadd.f32 v9, v6  }
0xbb: {  	v15 =	vld [tilespmem:s0+$0x70];
	v10 =	vadd.f32 v10, v6;
	v12 =	vadd.f32 v12, v6;
	v20 =	vmul.f32 v20, v5  }
0xbc: {  	v17 =	vld [tilespmem:s0+$0x20];
	v11 =	vadd.f32 v11, v6;
	v8 =	vtrunc.f32 v8;
	v9 =	vtrunc.f32 v9  }
0xbd: {  	v16 =	vcvt.f32.s32 v8;
	v8 =	vtrunc.f32 v12;
	v12 =	vadd.f32 v14, v6;
	v14 =	vld [tilespmem:s0+$0x10]  }
0xbe: {  	v9 =	vcvt.f32.s32 v9;
	v21 =	vcvt.f32.s32 v8;
	[tilespmem:v7+s26+$0x0] =	vst.idx.add.f32.msk $0xffff, v3  }
0xbf: {  	v7 =	vtrunc.f32 v10;
	v10 =	vtrunc.f32 v11;
	v11 =	vadd.f32 v13, v6;
	v13 =	vld [tilespmem:s0+$0x0]  }
0xc0: {  	v18 =	vcvt.f32.s32 v7;
	v7 =	vtrunc.f32 v12;
	v12 =	vld [tilespmem:s0+$0x30]  }
0xc1: {  	v22 =	vld [tilespmem:s0+$0x50];
	v19 =	vcvt.f32.s32 v10;
	v10 =	vmul.f32 v15, v5  }
0xc2: {  	v15 =	vmul.f32 v17, v5;
	v11 =	vtrunc.f32 v11  }
0xc3: {  	v8 =	vcvt.f32.s32 v11;
	v11 =	vmul.f32 v14, v5;
	v14 =	vld [tilespmem:s0+$0x60];
	v10 =	vadd.f32 v10, v6  }
0xc4: {  	[tilespmem:v16+s26+$0x0] =	vst.idx.add.f32.msk $0xffff, v3;
	v7 =	vcvt.f32.s32 v7;
	v13 =	vmul.f32 v13, v5  }
0xc5: {  	[tilespmem:v9+s26+$0x0] =	vst.idx.add.f32.msk $0xffff, v3;
	v17 =	vadd.f32 v11, v6;
	v11 =	vtrunc.f32 v10;
	v12 =	vmul.f32 v12, v5  }
0xc6: {  	v16 =	vmul.f32 v22, v5;
	[tilespmem:v21+s26+$0x0] =	vst.idx.add.f32.msk $0xffff, v3;
	v9 =	vcvt.f32.s32 v11;
	v13 =	vadd.f32 v13, v6  }
0xc7: {  	v10 =	vadd.f32 v15, v6;
	[tilespmem:v18+s26+$0x0] =	vst.idx.add.f32.msk $0xffff, v3;
	v15 =	vadd.f32 v12, v6;
	v12 =	vtrunc.f32 v17  }
0xc8: {  	s22 =	simm.s32 $0x8;
	s1 =	simm.s32 $0x800;
	s0 =	simm.s32 $0x8;
	[tilespmem:v19+s26+$0x0] =	vst.idx.add.f32.msk $0xffff, v3;
	v14 =	vmul.f32 v14, v5;
	v11 =	vtrunc.f32 v13;
	v13 =	vadd.f32 v20, v6  }
.LBB2_8:
0xc9: {  	s29 =	sand.u32 $0x7C00, s1;
	s30 =	sand.u32 $0x380, s22;
	v10 =	vtrunc.f32 v10;
	v15 =	vtrunc.f32 v15;
	v16 =	vadd.f32 v16, v6;
	[tilespmem:v8+s26+$0x0] =	vst.idx.add.f32.msk $0xffff, v3  }
0xca: {  	s0 =	sadd.s32 $0x8, s0;
	v11 =	vcvt.f32.s32 v11;
	s29 =	sor.u32 s30, s29;
	v8 =	vtrunc.f32 v13;
	v13 =	vadd.f32 v14, v6;
	[tilespmem:v7+s26+$0x0] =	vst.idx.add.f32.msk $0xffff, v3  }
0xcb: {  	v12 =	vcvt.f32.s32 v12;
	p0 =	slt.u32 s0, $0x7F8;
	v14 =	vld [tilespmem:s29+$0x70];
	v7 =	vtrunc.f32 v16  }
0xcc: {  	v16 =	vcvt.f32.s32 v10;
	v10 =	vtrunc.f32 v13;
	[tilespmem:v9+s26+$0x0] =	vst.idx.add.f32.msk $0xffff, v3  }
0xcd: {  	v17 =	vcvt.f32.s32 v8;
	v13 =	vcvt.f32.s32 v15;
	v9 =	vld [tilespmem:s29+$0x0]  }
0xce: {  	v8 =	vcvt.f32.s32 v7;
	v7 =	vcvt.f32.s32 v10;
	v15 =	vld [tilespmem:s29+$0x10]  }
0xcf: {  	v10 =	vld [tilespmem:s29+$0x20]  }
0xd0: {  	v18 =	vld [tilespmem:s29+$0x30]  }
0xd1: {  	v14 =	vmul.f32 v14, v5;
	v19 =	vld [tilespmem:s29+$0x40]  }
0xd2: {  	v9 =	vmul.f32 v9, v5;
	v20 =	vld [tilespmem:s29+$0x50]  }
0xd3: {  	v14 =	vadd.f32 v14, v6;
	v15 =	vmul.f32 v15, v5;
	v21 =	vld [tilespmem:s29+$0x60]  }
.Ltmp3:
0xd4: {  	v22 =	vadd.f32 v9, v6;
	v9 =	vmul.f32 v10, v5;
	[tilespmem:v11+s26+$0x0] =	vst.idx.add.f32.msk $0xffff, v3;
	(pc) =	sbr.rel @p0 .LBB2_8-.Ltmp3, $4  }
0xd5: {  	v11 =	vtrunc.f32 v14;
	v23 =	vadd.f32 v15, v6;
	v15 =	vmul.f32 v18, v5;
	[tilespmem:v12+s26+$0x0] =	vst.idx.add.f32.msk $0xffff, v3  }
0xd6: {  	v10 =	vadd.f32 v9, v6;
	v14 =	vmul.f32 v19, v5;
	v9 =	vcvt.f32.s32 v11;
	[tilespmem:v16+s26+$0x0] =	vst.idx.add.f32.msk $0xffff, v3  }
0xd7: {  	v11 =	vtrunc.f32 v22;
	v15 =	vadd.f32 v15, v6;
	v16 =	vmul.f32 v20, v5;
	[tilespmem:v13+s26+$0x0] =	vst.idx.add.f32.msk $0xffff, v3  }
0xd8: {  	s1 =	sadd.s32 $0x400, s1;
	s22 =	sadd.s32 $0x4, s22;
	v12 =	vtrunc.f32 v23;
	v13 =	vadd.f32 v14, v6;
	v14 =	vmul.f32 v21, v5;
	[tilespmem:v17+s26+$0x0] =	vst.idx.add.f32.msk $0xffff, v3  }
0xd9: {  	_ = 	snop  }
0xda: {  	v11 =	vcvt.f32.s32 v11  }
0xdb: {  	v10 =	vtrunc.f32 v10;
	v12 =	vcvt.f32.s32 v12  }
0xdc: {  	v15 =	vtrunc.f32 v15;
	v16 =	vadd.f32 v16, v6;
	v10 =	vcvt.f32.s32 v10  }
0xdd: {  	[tilespmem:v8+s26+$0x0] =	vst.idx.add.f32.msk $0xffff, v3;
	v8 =	vtrunc.f32 v13;
	v13 =	vadd.f32 v14, v6;
	v14 =	vcvt.f32.s32 v15  }
0xde: {  	[tilespmem:v7+s26+$0x0] =	vst.idx.add.f32.msk $0xffff, v3;
	v7 =	vtrunc.f32 v16;
	v8 =	vcvt.f32.s32 v8  }
0xdf: {  	[tilespmem:v9+s26+$0x0] =	vst.idx.add.f32.msk $0xffff, v3;
	v13 =	vtrunc.f32 v13;
	v7 =	vcvt.f32.s32 v7  }
0xe0: {  	v9 =	vcvt.f32.s32 v13;
	[tilespmem:v11+s26+$0x0] =	vst.idx.add.f32.msk $0xffff, v3  }
0xe1: {  	[tilespmem:v12+s26+$0x0] =	vst.idx.add.f32.msk $0xffff, v3  }
0xe2: {  	[tilespmem:v10+s26+$0x0] =	vst.idx.add.f32.msk $0xffff, v3  }
0xe3: {  	[tilespmem:v14+s26+$0x0] =	vst.idx.add.f32.msk $0xffff, v3  }
0xe4: {  	[tilespmem:v8+s26+$0x0] =	vst.idx.add.f32.msk $0xffff, v3  }
0xe5: {  	[tilespmem:v7+s26+$0x0] =	vst.idx.add.f32.msk $0xffff, v3  }
0xe6: {  	[tilespmem:v9+s26+$0x0] =	vst.idx.add.f32.msk $0xffff, v3  }
0xe7: {  	_ =	swait.ge [sflag:s28], $0x8000  }
0xe8: {  	[sflag:s28] =	ssyncset.done $0x0  }
0xe9: {  	s0 =	simm.s32 $0x0;
	[sflag:s28] =	ssyncadd.s32 $0xFFFF8000  }
0xea: {  	[tilespmem:s0], [sflag:$0x1] =	stream.linear.gather [hbm4b:s8+s0], $0x8000, $0x38;
	[tilespmem:$0x18900] =	vst v63  }
0xeb: {  	s1 =	sand.u32 $0x7C00, s0;
	s0 =	sand.u32 $0x380, s0  }
0xec: {  	s0 =	sor.u32 s0, s1  }
0xed: {  	v7 =	vld [tilespmem:s0+$0x8070]  }
0xee: {  	v8 =	vld [tilespmem:s0+$0x8000]  }
0xef: {  	v9 =	vld [tilespmem:s0+$0x8010]  }
0xf0: {  	v10 =	vld [tilespmem:s0+$0x8020]  }
0xf1: {  	v11 =	vld [tilespmem:s0+$0x8030]  }
0xf2: {  	v12 =	vld [tilespmem:s0+$0x8040]  }
0xf3: {  	s30 =	simm.s32 $0x400;
	s31 =	simm.s32 $0x4;
	v13 =	vld [tilespmem:s0+$0x8050];
	v7 =	vmul.f32 v7, v5  }
0xf4: {  	s1 =	sand.u32 $0x380, s31;
	v14 =	vld [tilespmem:s0+$0x8060];
	s0 =	sand.u32 $0x7C00, s30  }
0xf5: {  	s0 =	sor.u32 s1, s0;
	v7 =	vadd.f32 v7, v6  }
0xf6: {  	v20 =	vld [tilespmem:s0+$0x8040];
	v8 =	vmul.f32 v8, v5;
	v9 =	vmul.f32 v9, v5  }
0xf7: {  	v10 =	vmul.f32 v10, v5;
	v7 =	vtrunc.f32 v7  }
0xf8: {  	v11 =	vmul.f32 v11, v5;
	v7 =	vcvt.f32.s32 v7  }
0xf9: {  	v12 =	vmul.f32 v12, v5;
	v13 =	vmul.f32 v13, v5  }
0xfa: {  	v14 =	vmul.f32 v14, v5;
	v8 =	vadd.f32 v8, v6;
	v9 =	vadd.f32 v9, v6  }
0xfb: {  	v15 =	vld [tilespmem:s0+$0x8070];
	v10 =	vadd.f32 v10, v6;
	v12 =	vadd.f32 v12, v6;
	v20 =	vmul.f32 v20, v5  }
0xfc: {  	v17 =	vld [tilespmem:s0+$0x8020];
	v11 =	vadd.f32 v11, v6;
	v8 =	vtrunc.f32 v8;
	v9 =	vtrunc.f32 v9  }
0xfd: {  	v16 =	vcvt.f32.s32 v8;
	v8 =	vtrunc.f32 v12;
	v12 =	vadd.f32 v14, v6;
	v14 =	vld [tilespmem:s0+$0x8010]  }
0xfe: {  	v9 =	vcvt.f32.s32 v9;
	v21 =	vcvt.f32.s32 v8;
	[tilespmem:v7+s26+$0x0] =	vst.idx.add.f32.msk $0xffff, v3  }
0xff: {  	v7 =	vtrunc.f32 v10;
	v10 =	vtrunc.f32 v11;
	v11 =	vadd.f32 v13, v6;
	v13 =	vld [tilespmem:s0+$0x8000]  }
0x100: {  	v18 =	vcvt.f32.s32 v7;
	v7 =	vtrunc.f32 v12;
	v12 =	vld [tilespmem:s0+$0x8030]  }
0x101: {  	v22 =	vld [tilespmem:s0+$0x8050];
	v19 =	vcvt.f32.s32 v10;
	v10 =	vmul.f32 v15, v5  }
0x102: {  	v15 =	vmul.f32 v17, v5;
	v11 =	vtrunc.f32 v11  }
0x103: {  	v8 =	vcvt.f32.s32 v11;
	v11 =	vmul.f32 v14, v5;
	v14 =	vld [tilespmem:s0+$0x8060];
	v10 =	vadd.f32 v10, v6  }
0x104: {  	[tilespmem:v16+s26+$0x0] =	vst.idx.add.f32.msk $0xffff, v3;
	v7 =	vcvt.f32.s32 v7;
	v13 =	vmul.f32 v13, v5  }
0x105: {  	[tilespmem:v9+s26+$0x0] =	vst.idx.add.f32.msk $0xffff, v3;
	v17 =	vadd.f32 v11, v6;
	v11 =	vtrunc.f32 v10;
	v12 =	vmul.f32 v12, v5  }
0x106: {  	v16 =	vmul.f32 v22, v5;
	[tilespmem:v21+s26+$0x0] =	vst.idx.add.f32.msk $0xffff, v3;
	v9 =	vcvt.f32.s32 v11;
	v13 =	vadd.f32 v13, v6  }
0x107: {  	v10 =	vadd.f32 v15, v6;
	[tilespmem:v18+s26+$0x0] =	vst.idx.add.f32.msk $0xffff, v3;
	v15 =	vadd.f32 v12, v6;
	v12 =	vtrunc.f32 v17  }
0x108: {  	s22 =	simm.s32 $0x8;
	s1 =	simm.s32 $0x800;
	s0 =	simm.s32 $0x8;
	[tilespmem:v19+s26+$0x0] =	vst.idx.add.f32.msk $0xffff, v3;
	v14 =	vmul.f32 v14, v5;
	v11 =	vtrunc.f32 v13;
	v13 =	vadd.f32 v20, v6  }
.LBB2_10:
0x109: {  	s29 =	sand.u32 $0x7C00, s1;
	s30 =	sand.u32 $0x380, s22;
	v10 =	vtrunc.f32 v10;
	v15 =	vtrunc.f32 v15;
	v16 =	vadd.f32 v16, v6;
	[tilespmem:v8+s26+$0x0] =	vst.idx.add.f32.msk $0xffff, v3  }
0x10a: {  	s0 =	sadd.s32 $0x8, s0;
	v11 =	vcvt.f32.s32 v11;
	s29 =	sor.u32 s30, s29;
	v8 =	vtrunc.f32 v13;
	v13 =	vadd.f32 v14, v6;
	[tilespmem:v7+s26+$0x0] =	vst.idx.add.f32.msk $0xffff, v3  }
0x10b: {  	v12 =	vcvt.f32.s32 v12;
	p0 =	slt.u32 s0, $0x7F8;
	v14 =	vld [tilespmem:s29+$0x8070];
	v7 =	vtrunc.f32 v16  }
0x10c: {  	v16 =	vcvt.f32.s32 v10;
	v10 =	vtrunc.f32 v13;
	[tilespmem:v9+s26+$0x0] =	vst.idx.add.f32.msk $0xffff, v3  }
0x10d: {  	v17 =	vcvt.f32.s32 v8;
	v13 =	vcvt.f32.s32 v15;
	v9 =	vld [tilespmem:s29+$0x8000]  }
0x10e: {  	v8 =	vcvt.f32.s32 v7;
	v7 =	vcvt.f32.s32 v10;
	v15 =	vld [tilespmem:s29+$0x8010]  }
0x10f: {  	v10 =	vld [tilespmem:s29+$0x8020]  }
0x110: {  	v18 =	vld [tilespmem:s29+$0x8030]  }
0x111: {  	v14 =	vmul.f32 v14, v5;
	v19 =	vld [tilespmem:s29+$0x8040]  }
0x112: {  	v9 =	vmul.f32 v9, v5;
	v20 =	vld [tilespmem:s29+$0x8050]  }
0x113: {  	v14 =	vadd.f32 v14, v6;
	v15 =	vmul.f32 v15, v5;
	v21 =	vld [tilespmem:s29+$0x8060]  }
.Ltmp4:
0x114: {  	v22 =	vadd.f32 v9, v6;
	v9 =	vmul.f32 v10, v5;
	[tilespmem:v11+s26+$0x0] =	vst.idx.add.f32.msk $0xffff, v3;
	(pc) =	sbr.rel @p0 .LBB2_10-.Ltmp4, $4  }
0x115: {  	v11 =	vtrunc.f32 v14;
	v23 =	vadd.f32 v15, v6;
	v15 =	vmul.f32 v18, v5;
	[tilespmem:v12+s26+$0x0] =	vst.idx.add.f32.msk $0xffff, v3  }
0x116: {  	v10 =	vadd.f32 v9, v6;
	v14 =	vmul.f32 v19, v5;
	v9 =	vcvt.f32.s32 v11;
	[tilespmem:v16+s26+$0x0] =	vst.idx.add.f32.msk $0xffff, v3  }
0x117: {  	v11 =	vtrunc.f32 v22;
	v15 =	vadd.f32 v15, v6;
	v16 =	vmul.f32 v20, v5;
	[tilespmem:v13+s26+$0x0] =	vst.idx.add.f32.msk $0xffff, v3  }
0x118: {  	s1 =	sadd.s32 $0x400, s1;
	s22 =	sadd.s32 $0x4, s22;
	v12 =	vtrunc.f32 v23;
	v13 =	vadd.f32 v14, v6;
	v14 =	vmul.f32 v21, v5;
	[tilespmem:v17+s26+$0x0] =	vst.idx.add.f32.msk $0xffff, v3  }
0x119: {  	_ = 	snop  }
0x11a: {  	v11 =	vcvt.f32.s32 v11  }
0x11b: {  	v10 =	vtrunc.f32 v10;
	v12 =	vcvt.f32.s32 v12  }
0x11c: {  	v15 =	vtrunc.f32 v15;
	v16 =	vadd.f32 v16, v6;
	v10 =	vcvt.f32.s32 v10  }
0x11d: {  	[tilespmem:v8+s26+$0x0] =	vst.idx.add.f32.msk $0xffff, v3;
	v8 =	vtrunc.f32 v13;
	v13 =	vadd.f32 v14, v6;
	v14 =	vcvt.f32.s32 v15  }
0x11e: {  	[tilespmem:v7+s26+$0x0] =	vst.idx.add.f32.msk $0xffff, v3;
	v7 =	vtrunc.f32 v16;
	v8 =	vcvt.f32.s32 v8  }
0x11f: {  	[tilespmem:v9+s26+$0x0] =	vst.idx.add.f32.msk $0xffff, v3;
	v13 =	vtrunc.f32 v13;
	v7 =	vcvt.f32.s32 v7  }
0x120: {  	v9 =	vcvt.f32.s32 v13;
	[tilespmem:v11+s26+$0x0] =	vst.idx.add.f32.msk $0xffff, v3  }
0x121: {  	[tilespmem:v12+s26+$0x0] =	vst.idx.add.f32.msk $0xffff, v3  }
0x122: {  	[tilespmem:v10+s26+$0x0] =	vst.idx.add.f32.msk $0xffff, v3  }
0x123: {  	[tilespmem:v14+s26+$0x0] =	vst.idx.add.f32.msk $0xffff, v3  }
0x124: {  	[tilespmem:v8+s26+$0x0] =	vst.idx.add.f32.msk $0xffff, v3  }
0x125: {  	[tilespmem:v7+s26+$0x0] =	vst.idx.add.f32.msk $0xffff, v3  }
0x126: {  	[tilespmem:v9+s26+$0x0] =	vst.idx.add.f32.msk $0xffff, v3  }
0x127: {  	_ =	swait.ge [sflag:s24], $0x8000  }
0x128: {  	[sflag:s24] =	ssyncset.done $0x0  }
0x129: {  	s0 =	simm.s32 $0x0;
	[sflag:s24] =	ssyncadd.s32 $0xFFFF8000  }
0x12a: {  	[tilespmem:s25], [sflag:$0x2] =	stream.linear.gather [hbm4b:s9+s0], $0x8000, $0x38;
	[tilespmem:$0x18900] =	vst v63  }
0x12b: {  	s1 =	sand.u32 $0x7C00, s0;
	s0 =	sand.u32 $0x380, s0  }
0x12c: {  	s0 =	sor.u32 s0, s1  }
0x12d: {  	v7 =	vld [tilespmem:s0+$0x70]  }
0x12e: {  	v8 =	vld [tilespmem:s0+$0x0]  }
0x12f: {  	v9 =	vld [tilespmem:s0+$0x10]  }
0x130: {  	v10 =	vld [tilespmem:s0+$0x20]  }
0x131: {  	v11 =	vld [tilespmem:s0+$0x30]  }
0x132: {  	v12 =	vld [tilespmem:s0+$0x40]  }
0x133: {  	s30 =	simm.s32 $0x400;
	s31 =	simm.s32 $0x4;
	v13 =	vld [tilespmem:s0+$0x50];
	v7 =	vmul.f32 v7, v5  }
0x134: {  	s1 =	sand.u32 $0x380, s31;
	v14 =	vld [tilespmem:s0+$0x60];
	s0 =	sand.u32 $0x7C00, s30  }
0x135: {  	s0 =	sor.u32 s1, s0;
	v7 =	vadd.f32 v7, v6  }
0x136: {  	v20 =	vld [tilespmem:s0+$0x40];
	v8 =	vmul.f32 v8, v5;
	v9 =	vmul.f32 v9, v5  }
0x137: {  	v10 =	vmul.f32 v10, v5;
	v7 =	vtrunc.f32 v7  }
0x138: {  	v11 =	vmul.f32 v11, v5;
	v7 =	vcvt.f32.s32 v7  }
0x139: {  	v12 =	vmul.f32 v12, v5;
	v13 =	vmul.f32 v13, v5  }
0x13a: {  	v14 =	vmul.f32 v14, v5;
	v8 =	vadd.f32 v8, v6;
	v9 =	vadd.f32 v9, v6  }
0x13b: {  	v15 =	vld [tilespmem:s0+$0x70];
	v10 =	vadd.f32 v10, v6;
	v12 =	vadd.f32 v12, v6;
	v20 =	vmul.f32 v20, v5  }
0x13c: {  	v17 =	vld [tilespmem:s0+$0x20];
	v11 =	vadd.f32 v11, v6;
	v8 =	vtrunc.f32 v8;
	v9 =	vtrunc.f32 v9  }
0x13d: {  	v16 =	vcvt.f32.s32 v8;
	v8 =	vtrunc.f32 v12;
	v12 =	vadd.f32 v14, v6;
	v14 =	vld [tilespmem:s0+$0x10]  }
0x13e: {  	v9 =	vcvt.f32.s32 v9;
	v21 =	vcvt.f32.s32 v8;
	[tilespmem:v7+s26+$0x0] =	vst.idx.add.f32.msk $0xffff, v3  }
0x13f: {  	v7 =	vtrunc.f32 v10;
	v10 =	vtrunc.f32 v11;
	v11 =	vadd.f32 v13, v6;
	v13 =	vld [tilespmem:s0+$0x0]  }
0x140: {  	v18 =	vcvt.f32.s32 v7;
	v7 =	vtrunc.f32 v12;
	v12 =	vld [tilespmem:s0+$0x30]  }
0x141: {  	v22 =	vld [tilespmem:s0+$0x50];
	v19 =	vcvt.f32.s32 v10;
	v10 =	vmul.f32 v15, v5  }
0x142: {  	v15 =	vmul.f32 v17, v5;
	v11 =	vtrunc.f32 v11  }
0x143: {  	v8 =	vcvt.f32.s32 v11;
	v11 =	vmul.f32 v14, v5;
	v14 =	vld [tilespmem:s0+$0x60];
	v10 =	vadd.f32 v10, v6  }
0x144: {  	[tilespmem:v16+s26+$0x0] =	vst.idx.add.f32.msk $0xffff, v3;
	v7 =	vcvt.f32.s32 v7;
	v13 =	vmul.f32 v13, v5  }
0x145: {  	[tilespmem:v9+s26+$0x0] =	vst.idx.add.f32.msk $0xffff, v3;
	v17 =	vadd.f32 v11, v6;
	v11 =	vtrunc.f32 v10;
	v12 =	vmul.f32 v12, v5  }
0x146: {  	v16 =	vmul.f32 v22, v5;
	[tilespmem:v21+s26+$0x0] =	vst.idx.add.f32.msk $0xffff, v3;
	v9 =	vcvt.f32.s32 v11;
	v13 =	vadd.f32 v13, v6  }
0x147: {  	v10 =	vadd.f32 v15, v6;
	[tilespmem:v18+s26+$0x0] =	vst.idx.add.f32.msk $0xffff, v3;
	v15 =	vadd.f32 v12, v6;
	v12 =	vtrunc.f32 v17  }
0x148: {  	s22 =	simm.s32 $0x8;
	s1 =	simm.s32 $0x800;
	s0 =	simm.s32 $0x8;
	[tilespmem:v19+s26+$0x0] =	vst.idx.add.f32.msk $0xffff, v3;
	v14 =	vmul.f32 v14, v5;
	v11 =	vtrunc.f32 v13;
	v13 =	vadd.f32 v20, v6  }
.LBB2_12:
0x149: {  	s29 =	sand.u32 $0x7C00, s1;
	s30 =	sand.u32 $0x380, s22;
	v10 =	vtrunc.f32 v10;
	v15 =	vtrunc.f32 v15;
	v16 =	vadd.f32 v16, v6;
	[tilespmem:v8+s26+$0x0] =	vst.idx.add.f32.msk $0xffff, v3  }
0x14a: {  	s0 =	sadd.s32 $0x8, s0;
	v11 =	vcvt.f32.s32 v11;
	s29 =	sor.u32 s30, s29;
	v8 =	vtrunc.f32 v13;
	v13 =	vadd.f32 v14, v6;
	[tilespmem:v7+s26+$0x0] =	vst.idx.add.f32.msk $0xffff, v3  }
0x14b: {  	v12 =	vcvt.f32.s32 v12;
	p0 =	slt.u32 s0, $0x7F8;
	v14 =	vld [tilespmem:s29+$0x70];
	v7 =	vtrunc.f32 v16  }
0x14c: {  	v16 =	vcvt.f32.s32 v10;
	v10 =	vtrunc.f32 v13;
	[tilespmem:v9+s26+$0x0] =	vst.idx.add.f32.msk $0xffff, v3  }
0x14d: {  	v17 =	vcvt.f32.s32 v8;
	v13 =	vcvt.f32.s32 v15;
	v9 =	vld [tilespmem:s29+$0x0]  }
0x14e: {  	v8 =	vcvt.f32.s32 v7;
	v7 =	vcvt.f32.s32 v10;
	v15 =	vld [tilespmem:s29+$0x10]  }
0x14f: {  	v10 =	vld [tilespmem:s29+$0x20]  }
0x150: {  	v18 =	vld [tilespmem:s29+$0x30]  }
0x151: {  	v14 =	vmul.f32 v14, v5;
	v19 =	vld [tilespmem:s29+$0x40]  }
0x152: {  	v9 =	vmul.f32 v9, v5;
	v20 =	vld [tilespmem:s29+$0x50]  }
0x153: {  	v14 =	vadd.f32 v14, v6;
	v15 =	vmul.f32 v15, v5;
	v21 =	vld [tilespmem:s29+$0x60]  }
.Ltmp5:
0x154: {  	v22 =	vadd.f32 v9, v6;
	v9 =	vmul.f32 v10, v5;
	[tilespmem:v11+s26+$0x0] =	vst.idx.add.f32.msk $0xffff, v3;
	(pc) =	sbr.rel @p0 .LBB2_12-.Ltmp5, $4  }
0x155: {  	v11 =	vtrunc.f32 v14;
	v23 =	vadd.f32 v15, v6;
	v15 =	vmul.f32 v18, v5;
	[tilespmem:v12+s26+$0x0] =	vst.idx.add.f32.msk $0xffff, v3  }
0x156: {  	v10 =	vadd.f32 v9, v6;
	v14 =	vmul.f32 v19, v5;
	v9 =	vcvt.f32.s32 v11;
	[tilespmem:v16+s26+$0x0] =	vst.idx.add.f32.msk $0xffff, v3  }
0x157: {  	v11 =	vtrunc.f32 v22;
	v15 =	vadd.f32 v15, v6;
	v16 =	vmul.f32 v20, v5;
	[tilespmem:v13+s26+$0x0] =	vst.idx.add.f32.msk $0xffff, v3  }
0x158: {  	s1 =	sadd.s32 $0x400, s1;
	s22 =	sadd.s32 $0x4, s22;
	v12 =	vtrunc.f32 v23;
	v13 =	vadd.f32 v14, v6;
	v14 =	vmul.f32 v21, v5;
	[tilespmem:v17+s26+$0x0] =	vst.idx.add.f32.msk $0xffff, v3  }
0x159: {  	_ = 	snop  }
0x15a: {  	v11 =	vcvt.f32.s32 v11  }
0x15b: {  	v10 =	vtrunc.f32 v10;
	v12 =	vcvt.f32.s32 v12  }
0x15c: {  	v15 =	vtrunc.f32 v15;
	v16 =	vadd.f32 v16, v6;
	v10 =	vcvt.f32.s32 v10  }
0x15d: {  	[tilespmem:v8+s26+$0x0] =	vst.idx.add.f32.msk $0xffff, v3;
	v8 =	vtrunc.f32 v13;
	v13 =	vadd.f32 v14, v6;
	v14 =	vcvt.f32.s32 v15  }
0x15e: {  	[tilespmem:v7+s26+$0x0] =	vst.idx.add.f32.msk $0xffff, v3;
	v7 =	vtrunc.f32 v16;
	v8 =	vcvt.f32.s32 v8  }
0x15f: {  	[tilespmem:v9+s26+$0x0] =	vst.idx.add.f32.msk $0xffff, v3;
	v13 =	vtrunc.f32 v13;
	v7 =	vcvt.f32.s32 v7  }
0x160: {  	v9 =	vcvt.f32.s32 v13;
	[tilespmem:v11+s26+$0x0] =	vst.idx.add.f32.msk $0xffff, v3  }
0x161: {  	[tilespmem:v12+s26+$0x0] =	vst.idx.add.f32.msk $0xffff, v3  }
0x162: {  	[tilespmem:v10+s26+$0x0] =	vst.idx.add.f32.msk $0xffff, v3  }
0x163: {  	[tilespmem:v14+s26+$0x0] =	vst.idx.add.f32.msk $0xffff, v3  }
0x164: {  	[tilespmem:v8+s26+$0x0] =	vst.idx.add.f32.msk $0xffff, v3  }
0x165: {  	[tilespmem:v7+s26+$0x0] =	vst.idx.add.f32.msk $0xffff, v3  }
0x166: {  	[tilespmem:v9+s26+$0x0] =	vst.idx.add.f32.msk $0xffff, v3  }
0x167: {  	_ =	swait.ge [sflag:s28], $0x8000  }
0x168: {  	[sflag:s28] =	ssyncset.done $0x0  }
0x169: {  	s0 =	simm.s32 $0x0;
	[sflag:s28] =	ssyncadd.s32 $0xFFFF8000  }
0x16a: {  	[tilespmem:s0], [sflag:$0x1] =	stream.linear.gather [hbm4b:s10+s0], $0x8000, $0x38;
	[tilespmem:$0x18900] =	vst v63  }
0x16b: {  	s1 =	sand.u32 $0x7C00, s0;
	s0 =	sand.u32 $0x380, s0  }
0x16c: {  	s0 =	sor.u32 s0, s1  }
0x16d: {  	v7 =	vld [tilespmem:s0+$0x8070]  }
0x16e: {  	v8 =	vld [tilespmem:s0+$0x8000]  }
0x16f: {  	v9 =	vld [tilespmem:s0+$0x8010]  }
0x170: {  	v10 =	vld [tilespmem:s0+$0x8020]  }
0x171: {  	v11 =	vld [tilespmem:s0+$0x8030]  }
0x172: {  	v12 =	vld [tilespmem:s0+$0x8040]  }
0x173: {  	s30 =	simm.s32 $0x400;
	s31 =	simm.s32 $0x4;
	v13 =	vld [tilespmem:s0+$0x8050];
	v7 =	vmul.f32 v7, v5  }
0x174: {  	s1 =	sand.u32 $0x380, s31;
	v14 =	vld [tilespmem:s0+$0x8060];
	s0 =	sand.u32 $0x7C00, s30  }
0x175: {  	s0 =	sor.u32 s1, s0;
	v7 =	vadd.f32 v7, v6  }
0x176: {  	v20 =	vld [tilespmem:s0+$0x8040];
	v8 =	vmul.f32 v8, v5;
	v9 =	vmul.f32 v9, v5  }
0x177: {  	v10 =	vmul.f32 v10, v5;
	v7 =	vtrunc.f32 v7  }
0x178: {  	v11 =	vmul.f32 v11, v5;
	v7 =	vcvt.f32.s32 v7  }
0x179: {  	v12 =	vmul.f32 v12, v5;
	v13 =	vmul.f32 v13, v5  }
0x17a: {  	v14 =	vmul.f32 v14, v5;
	v8 =	vadd.f32 v8, v6;
	v9 =	vadd.f32 v9, v6  }
0x17b: {  	v15 =	vld [tilespmem:s0+$0x8070];
	v10 =	vadd.f32 v10, v6;
	v12 =	vadd.f32 v12, v6;
	v20 =	vmul.f32 v20, v5  }
0x17c: {  	v17 =	vld [tilespmem:s0+$0x8020];
	v11 =	vadd.f32 v11, v6;
	v8 =	vtrunc.f32 v8;
	v9 =	vtrunc.f32 v9  }
0x17d: {  	v16 =	vcvt.f32.s32 v8;
	v8 =	vtrunc.f32 v12;
	v12 =	vadd.f32 v14, v6;
	v14 =	vld [tilespmem:s0+$0x8010]  }
0x17e: {  	v9 =	vcvt.f32.s32 v9;
	v21 =	vcvt.f32.s32 v8;
	[tilespmem:v7+s26+$0x0] =	vst.idx.add.f32.msk $0xffff, v3  }
0x17f: {  	v7 =	vtrunc.f32 v10;
	v10 =	vtrunc.f32 v11;
	v11 =	vadd.f32 v13, v6;
	v13 =	vld [tilespmem:s0+$0x8000]  }
0x180: {  	v18 =	vcvt.f32.s32 v7;
	v7 =	vtrunc.f32 v12;
	v12 =	vld [tilespmem:s0+$0x8030]  }
0x181: {  	v22 =	vld [tilespmem:s0+$0x8050];
	v19 =	vcvt.f32.s32 v10;
	v10 =	vmul.f32 v15, v5  }
0x182: {  	v15 =	vmul.f32 v17, v5;
	v11 =	vtrunc.f32 v11  }
0x183: {  	v8 =	vcvt.f32.s32 v11;
	v11 =	vmul.f32 v14, v5;
	v14 =	vld [tilespmem:s0+$0x8060];
	v10 =	vadd.f32 v10, v6  }
0x184: {  	[tilespmem:v16+s26+$0x0] =	vst.idx.add.f32.msk $0xffff, v3;
	v7 =	vcvt.f32.s32 v7;
	v13 =	vmul.f32 v13, v5  }
0x185: {  	[tilespmem:v9+s26+$0x0] =	vst.idx.add.f32.msk $0xffff, v3;
	v17 =	vadd.f32 v11, v6;
	v11 =	vtrunc.f32 v10;
	v12 =	vmul.f32 v12, v5  }
0x186: {  	v16 =	vmul.f32 v22, v5;
	[tilespmem:v21+s26+$0x0] =	vst.idx.add.f32.msk $0xffff, v3;
	v9 =	vcvt.f32.s32 v11;
	v13 =	vadd.f32 v13, v6  }
0x187: {  	v10 =	vadd.f32 v15, v6;
	[tilespmem:v18+s26+$0x0] =	vst.idx.add.f32.msk $0xffff, v3;
	v15 =	vadd.f32 v12, v6;
	v12 =	vtrunc.f32 v17  }
0x188: {  	s22 =	simm.s32 $0x8;
	s1 =	simm.s32 $0x800;
	s0 =	simm.s32 $0x8;
	[tilespmem:v19+s26+$0x0] =	vst.idx.add.f32.msk $0xffff, v3;
	v14 =	vmul.f32 v14, v5;
	v11 =	vtrunc.f32 v13;
	v13 =	vadd.f32 v20, v6  }
.LBB2_14:
0x189: {  	s29 =	sand.u32 $0x7C00, s1;
	s30 =	sand.u32 $0x380, s22;
	v10 =	vtrunc.f32 v10;
	v15 =	vtrunc.f32 v15;
	v16 =	vadd.f32 v16, v6;
	[tilespmem:v8+s26+$0x0] =	vst.idx.add.f32.msk $0xffff, v3  }
0x18a: {  	s0 =	sadd.s32 $0x8, s0;
	v11 =	vcvt.f32.s32 v11;
	s29 =	sor.u32 s30, s29;
	v8 =	vtrunc.f32 v13;
	v13 =	vadd.f32 v14, v6;
	[tilespmem:v7+s26+$0x0] =	vst.idx.add.f32.msk $0xffff, v3  }
0x18b: {  	v12 =	vcvt.f32.s32 v12;
	p0 =	slt.u32 s0, $0x7F8;
	v14 =	vld [tilespmem:s29+$0x8070];
	v7 =	vtrunc.f32 v16  }
0x18c: {  	v16 =	vcvt.f32.s32 v10;
	v10 =	vtrunc.f32 v13;
	[tilespmem:v9+s26+$0x0] =	vst.idx.add.f32.msk $0xffff, v3  }
0x18d: {  	v17 =	vcvt.f32.s32 v8;
	v13 =	vcvt.f32.s32 v15;
	v9 =	vld [tilespmem:s29+$0x8000]  }
0x18e: {  	v8 =	vcvt.f32.s32 v7;
	v7 =	vcvt.f32.s32 v10;
	v15 =	vld [tilespmem:s29+$0x8010]  }
0x18f: {  	v10 =	vld [tilespmem:s29+$0x8020]  }
0x190: {  	v18 =	vld [tilespmem:s29+$0x8030]  }
0x191: {  	v14 =	vmul.f32 v14, v5;
	v19 =	vld [tilespmem:s29+$0x8040]  }
0x192: {  	v9 =	vmul.f32 v9, v5;
	v20 =	vld [tilespmem:s29+$0x8050]  }
0x193: {  	v14 =	vadd.f32 v14, v6;
	v15 =	vmul.f32 v15, v5;
	v21 =	vld [tilespmem:s29+$0x8060]  }
.Ltmp6:
0x194: {  	v22 =	vadd.f32 v9, v6;
	v9 =	vmul.f32 v10, v5;
	[tilespmem:v11+s26+$0x0] =	vst.idx.add.f32.msk $0xffff, v3;
	(pc) =	sbr.rel @p0 .LBB2_14-.Ltmp6, $4  }
0x195: {  	v11 =	vtrunc.f32 v14;
	v23 =	vadd.f32 v15, v6;
	v15 =	vmul.f32 v18, v5;
	[tilespmem:v12+s26+$0x0] =	vst.idx.add.f32.msk $0xffff, v3  }
0x196: {  	v10 =	vadd.f32 v9, v6;
	v14 =	vmul.f32 v19, v5;
	v9 =	vcvt.f32.s32 v11;
	[tilespmem:v16+s26+$0x0] =	vst.idx.add.f32.msk $0xffff, v3  }
0x197: {  	v11 =	vtrunc.f32 v22;
	v15 =	vadd.f32 v15, v6;
	v16 =	vmul.f32 v20, v5;
	[tilespmem:v13+s26+$0x0] =	vst.idx.add.f32.msk $0xffff, v3  }
0x198: {  	s1 =	sadd.s32 $0x400, s1;
	s22 =	sadd.s32 $0x4, s22;
	v12 =	vtrunc.f32 v23;
	v13 =	vadd.f32 v14, v6;
	v14 =	vmul.f32 v21, v5;
	[tilespmem:v17+s26+$0x0] =	vst.idx.add.f32.msk $0xffff, v3  }
0x199: {  	_ = 	snop  }
0x19a: {  	v11 =	vcvt.f32.s32 v11  }
0x19b: {  	v10 =	vtrunc.f32 v10;
	v12 =	vcvt.f32.s32 v12  }
0x19c: {  	v15 =	vtrunc.f32 v15;
	v16 =	vadd.f32 v16, v6;
	v10 =	vcvt.f32.s32 v10  }
0x19d: {  	[tilespmem:v8+s26+$0x0] =	vst.idx.add.f32.msk $0xffff, v3;
	v8 =	vtrunc.f32 v13;
	v13 =	vadd.f32 v14, v6;
	v14 =	vcvt.f32.s32 v15  }
0x19e: {  	[tilespmem:v7+s26+$0x0] =	vst.idx.add.f32.msk $0xffff, v3;
	v7 =	vtrunc.f32 v16;
	v8 =	vcvt.f32.s32 v8  }
0x19f: {  	[tilespmem:v9+s26+$0x0] =	vst.idx.add.f32.msk $0xffff, v3;
	v13 =	vtrunc.f32 v13;
	v7 =	vcvt.f32.s32 v7  }
0x1a0: {  	v9 =	vcvt.f32.s32 v13;
	[tilespmem:v11+s26+$0x0] =	vst.idx.add.f32.msk $0xffff, v3  }
0x1a1: {  	[tilespmem:v12+s26+$0x0] =	vst.idx.add.f32.msk $0xffff, v3  }
0x1a2: {  	[tilespmem:v10+s26+$0x0] =	vst.idx.add.f32.msk $0xffff, v3  }
0x1a3: {  	[tilespmem:v14+s26+$0x0] =	vst.idx.add.f32.msk $0xffff, v3  }
0x1a4: {  	[tilespmem:v8+s26+$0x0] =	vst.idx.add.f32.msk $0xffff, v3  }
0x1a5: {  	[tilespmem:v7+s26+$0x0] =	vst.idx.add.f32.msk $0xffff, v3  }
0x1a6: {  	[tilespmem:v9+s26+$0x0] =	vst.idx.add.f32.msk $0xffff, v3  }
0x1a7: {  	_ =	swait.ge [sflag:s24], $0x8000  }
0x1a8: {  	[sflag:s24] =	ssyncset.done $0x0  }
0x1a9: {  	s0 =	simm.s32 $0x0;
	[sflag:s24] =	ssyncadd.s32 $0xFFFF8000  }
0x1aa: {  	[tilespmem:s25], [sflag:$0x2] =	stream.linear.gather [hbm4b:s11+s0], $0x8000, $0x38;
	[tilespmem:$0x18900] =	vst v63  }
0x1ab: {  	s1 =	sand.u32 $0x7C00, s0;
	s0 =	sand.u32 $0x380, s0  }
0x1ac: {  	s0 =	sor.u32 s0, s1  }
0x1ad: {  	v7 =	vld [tilespmem:s0+$0x70]  }
0x1ae: {  	v8 =	vld [tilespmem:s0+$0x0]  }
0x1af: {  	v9 =	vld [tilespmem:s0+$0x10]  }
0x1b0: {  	v10 =	vld [tilespmem:s0+$0x20]  }
0x1b1: {  	v11 =	vld [tilespmem:s0+$0x30]  }
0x1b2: {  	v12 =	vld [tilespmem:s0+$0x40]  }
0x1b3: {  	s30 =	simm.s32 $0x400;
	s31 =	simm.s32 $0x4;
	v13 =	vld [tilespmem:s0+$0x50];
	v7 =	vmul.f32 v7, v5  }
0x1b4: {  	s1 =	sand.u32 $0x380, s31;
	v14 =	vld [tilespmem:s0+$0x60];
	s0 =	sand.u32 $0x7C00, s30  }
0x1b5: {  	s0 =	sor.u32 s1, s0;
	v7 =	vadd.f32 v7, v6  }
0x1b6: {  	v20 =	vld [tilespmem:s0+$0x40];
	v8 =	vmul.f32 v8, v5;
	v9 =	vmul.f32 v9, v5  }
0x1b7: {  	v10 =	vmul.f32 v10, v5;
	v7 =	vtrunc.f32 v7  }
0x1b8: {  	v11 =	vmul.f32 v11, v5;
	v7 =	vcvt.f32.s32 v7  }
0x1b9: {  	v12 =	vmul.f32 v12, v5;
	v13 =	vmul.f32 v13, v5  }
0x1ba: {  	v14 =	vmul.f32 v14, v5;
	v8 =	vadd.f32 v8, v6;
	v9 =	vadd.f32 v9, v6  }
0x1bb: {  	v15 =	vld [tilespmem:s0+$0x70];
	v10 =	vadd.f32 v10, v6;
	v12 =	vadd.f32 v12, v6;
	v20 =	vmul.f32 v20, v5  }
0x1bc: {  	v17 =	vld [tilespmem:s0+$0x20];
	v11 =	vadd.f32 v11, v6;
	v8 =	vtrunc.f32 v8;
	v9 =	vtrunc.f32 v9  }
0x1bd: {  	v16 =	vcvt.f32.s32 v8;
	v8 =	vtrunc.f32 v12;
	v12 =	vadd.f32 v14, v6;
	v14 =	vld [tilespmem:s0+$0x10]  }
0x1be: {  	v9 =	vcvt.f32.s32 v9;
	v21 =	vcvt.f32.s32 v8;
	[tilespmem:v7+s26+$0x0] =	vst.idx.add.f32.msk $0xffff, v3  }
0x1bf: {  	v7 =	vtrunc.f32 v10;
	v10 =	vtrunc.f32 v11;
	v11 =	vadd.f32 v13, v6;
	v13 =	vld [tilespmem:s0+$0x0]  }
0x1c0: {  	v18 =	vcvt.f32.s32 v7;
	v7 =	vtrunc.f32 v12;
	v12 =	vld [tilespmem:s0+$0x30]  }
0x1c1: {  	v22 =	vld [tilespmem:s0+$0x50];
	v19 =	vcvt.f32.s32 v10;
	v10 =	vmul.f32 v15, v5  }
0x1c2: {  	v15 =	vmul.f32 v17, v5;
	v11 =	vtrunc.f32 v11  }
0x1c3: {  	v8 =	vcvt.f32.s32 v11;
	v11 =	vmul.f32 v14, v5;
	v14 =	vld [tilespmem:s0+$0x60];
	v10 =	vadd.f32 v10, v6  }
0x1c4: {  	[tilespmem:v16+s26+$0x0] =	vst.idx.add.f32.msk $0xffff, v3;
	v7 =	vcvt.f32.s32 v7;
	v13 =	vmul.f32 v13, v5  }
0x1c5: {  	[tilespmem:v9+s26+$0x0] =	vst.idx.add.f32.msk $0xffff, v3;
	v17 =	vadd.f32 v11, v6;
	v11 =	vtrunc.f32 v10;
	v12 =	vmul.f32 v12, v5  }
0x1c6: {  	v16 =	vmul.f32 v22, v5;
	[tilespmem:v21+s26+$0x0] =	vst.idx.add.f32.msk $0xffff, v3;
	v9 =	vcvt.f32.s32 v11;
	v13 =	vadd.f32 v13, v6  }
0x1c7: {  	v10 =	vadd.f32 v15, v6;
	[tilespmem:v18+s26+$0x0] =	vst.idx.add.f32.msk $0xffff, v3;
	v15 =	vadd.f32 v12, v6;
	v12 =	vtrunc.f32 v17  }
0x1c8: {  	s22 =	simm.s32 $0x8;
	s1 =	simm.s32 $0x800;
	s0 =	simm.s32 $0x8;
	[tilespmem:v19+s26+$0x0] =	vst.idx.add.f32.msk $0xffff, v3;
	v14 =	vmul.f32 v14, v5;
	v11 =	vtrunc.f32 v13;
	v13 =	vadd.f32 v20, v6  }
.LBB2_16:
0x1c9: {  	s29 =	sand.u32 $0x7C00, s1;
	s30 =	sand.u32 $0x380, s22;
	v10 =	vtrunc.f32 v10;
	v15 =	vtrunc.f32 v15;
	v16 =	vadd.f32 v16, v6;
	[tilespmem:v8+s26+$0x0] =	vst.idx.add.f32.msk $0xffff, v3  }
0x1ca: {  	s0 =	sadd.s32 $0x8, s0;
	v11 =	vcvt.f32.s32 v11;
	s29 =	sor.u32 s30, s29;
	v8 =	vtrunc.f32 v13;
	v13 =	vadd.f32 v14, v6;
	[tilespmem:v7+s26+$0x0] =	vst.idx.add.f32.msk $0xffff, v3  }
0x1cb: {  	v12 =	vcvt.f32.s32 v12;
	p0 =	slt.u32 s0, $0x7F8;
	v14 =	vld [tilespmem:s29+$0x70];
	v7 =	vtrunc.f32 v16  }
0x1cc: {  	v16 =	vcvt.f32.s32 v10;
	v10 =	vtrunc.f32 v13;
	[tilespmem:v9+s26+$0x0] =	vst.idx.add.f32.msk $0xffff, v3  }
0x1cd: {  	v17 =	vcvt.f32.s32 v8;
	v13 =	vcvt.f32.s32 v15;
	v9 =	vld [tilespmem:s29+$0x0]  }
0x1ce: {  	v8 =	vcvt.f32.s32 v7;
	v7 =	vcvt.f32.s32 v10;
	v15 =	vld [tilespmem:s29+$0x10]  }
0x1cf: {  	v10 =	vld [tilespmem:s29+$0x20]  }
0x1d0: {  	v18 =	vld [tilespmem:s29+$0x30]  }
0x1d1: {  	v14 =	vmul.f32 v14, v5;
	v19 =	vld [tilespmem:s29+$0x40]  }
0x1d2: {  	v9 =	vmul.f32 v9, v5;
	v20 =	vld [tilespmem:s29+$0x50]  }
0x1d3: {  	v14 =	vadd.f32 v14, v6;
	v15 =	vmul.f32 v15, v5;
	v21 =	vld [tilespmem:s29+$0x60]  }
.Ltmp7:
0x1d4: {  	v22 =	vadd.f32 v9, v6;
	v9 =	vmul.f32 v10, v5;
	[tilespmem:v11+s26+$0x0] =	vst.idx.add.f32.msk $0xffff, v3;
	(pc) =	sbr.rel @p0 .LBB2_16-.Ltmp7, $4  }
0x1d5: {  	v11 =	vtrunc.f32 v14;
	v23 =	vadd.f32 v15, v6;
	v15 =	vmul.f32 v18, v5;
	[tilespmem:v12+s26+$0x0] =	vst.idx.add.f32.msk $0xffff, v3  }
0x1d6: {  	v10 =	vadd.f32 v9, v6;
	v14 =	vmul.f32 v19, v5;
	v9 =	vcvt.f32.s32 v11;
	[tilespmem:v16+s26+$0x0] =	vst.idx.add.f32.msk $0xffff, v3  }
0x1d7: {  	v11 =	vtrunc.f32 v22;
	v15 =	vadd.f32 v15, v6;
	v16 =	vmul.f32 v20, v5;
	[tilespmem:v13+s26+$0x0] =	vst.idx.add.f32.msk $0xffff, v3  }
0x1d8: {  	s1 =	sadd.s32 $0x400, s1;
	s22 =	sadd.s32 $0x4, s22;
	v12 =	vtrunc.f32 v23;
	v13 =	vadd.f32 v14, v6;
	v14 =	vmul.f32 v21, v5;
	[tilespmem:v17+s26+$0x0] =	vst.idx.add.f32.msk $0xffff, v3  }
0x1d9: {  	_ = 	snop  }
0x1da: {  	v11 =	vcvt.f32.s32 v11  }
0x1db: {  	v10 =	vtrunc.f32 v10;
	v12 =	vcvt.f32.s32 v12  }
0x1dc: {  	v15 =	vtrunc.f32 v15;
	v16 =	vadd.f32 v16, v6;
	v10 =	vcvt.f32.s32 v10  }
0x1dd: {  	[tilespmem:v8+s26+$0x0] =	vst.idx.add.f32.msk $0xffff, v3;
	v8 =	vtrunc.f32 v13;
	v13 =	vadd.f32 v14, v6;
	v14 =	vcvt.f32.s32 v15  }
0x1de: {  	[tilespmem:v7+s26+$0x0] =	vst.idx.add.f32.msk $0xffff, v3;
	v7 =	vtrunc.f32 v16;
	v8 =	vcvt.f32.s32 v8  }
0x1df: {  	[tilespmem:v9+s26+$0x0] =	vst.idx.add.f32.msk $0xffff, v3;
	v13 =	vtrunc.f32 v13;
	v7 =	vcvt.f32.s32 v7  }
0x1e0: {  	v9 =	vcvt.f32.s32 v13;
	[tilespmem:v11+s26+$0x0] =	vst.idx.add.f32.msk $0xffff, v3  }
0x1e1: {  	[tilespmem:v12+s26+$0x0] =	vst.idx.add.f32.msk $0xffff, v3  }
0x1e2: {  	[tilespmem:v10+s26+$0x0] =	vst.idx.add.f32.msk $0xffff, v3  }
0x1e3: {  	[tilespmem:v14+s26+$0x0] =	vst.idx.add.f32.msk $0xffff, v3  }
0x1e4: {  	[tilespmem:v8+s26+$0x0] =	vst.idx.add.f32.msk $0xffff, v3  }
0x1e5: {  	[tilespmem:v7+s26+$0x0] =	vst.idx.add.f32.msk $0xffff, v3  }
0x1e6: {  	[tilespmem:v9+s26+$0x0] =	vst.idx.add.f32.msk $0xffff, v3  }
0x1e7: {  	_ =	swait.ge [sflag:s28], $0x8000  }
0x1e8: {  	[sflag:s28] =	ssyncset.done $0x0  }
0x1e9: {  	s0 =	simm.s32 $0x0;
	[sflag:s28] =	ssyncadd.s32 $0xFFFF8000  }
0x1ea: {  	[tilespmem:s0], [sflag:$0x1] =	stream.linear.gather [hbm4b:s12+s0], $0x8000, $0x38;
	[tilespmem:$0x18900] =	vst v63  }
0x1eb: {  	s1 =	sand.u32 $0x7C00, s0;
	s0 =	sand.u32 $0x380, s0  }
0x1ec: {  	s0 =	sor.u32 s0, s1  }
0x1ed: {  	v7 =	vld [tilespmem:s0+$0x8070]  }
0x1ee: {  	v8 =	vld [tilespmem:s0+$0x8000]  }
0x1ef: {  	v9 =	vld [tilespmem:s0+$0x8010]  }
0x1f0: {  	v10 =	vld [tilespmem:s0+$0x8020]  }
0x1f1: {  	v11 =	vld [tilespmem:s0+$0x8030]  }
0x1f2: {  	v12 =	vld [tilespmem:s0+$0x8040]  }
0x1f3: {  	s30 =	simm.s32 $0x400;
	s31 =	simm.s32 $0x4;
	v13 =	vld [tilespmem:s0+$0x8050];
	v7 =	vmul.f32 v7, v5  }
0x1f4: {  	s1 =	sand.u32 $0x380, s31;
	v14 =	vld [tilespmem:s0+$0x8060];
	s0 =	sand.u32 $0x7C00, s30  }
0x1f5: {  	s0 =	sor.u32 s1, s0;
	v7 =	vadd.f32 v7, v6  }
0x1f6: {  	v20 =	vld [tilespmem:s0+$0x8040];
	v8 =	vmul.f32 v8, v5;
	v9 =	vmul.f32 v9, v5  }
0x1f7: {  	v10 =	vmul.f32 v10, v5;
	v7 =	vtrunc.f32 v7  }
0x1f8: {  	v11 =	vmul.f32 v11, v5;
	v7 =	vcvt.f32.s32 v7  }
0x1f9: {  	v12 =	vmul.f32 v12, v5;
	v13 =	vmul.f32 v13, v5  }
0x1fa: {  	v14 =	vmul.f32 v14, v5;
	v8 =	vadd.f32 v8, v6;
	v9 =	vadd.f32 v9, v6  }
0x1fb: {  	v15 =	vld [tilespmem:s0+$0x8070];
	v10 =	vadd.f32 v10, v6;
	v12 =	vadd.f32 v12, v6;
	v20 =	vmul.f32 v20, v5  }
0x1fc: {  	v17 =	vld [tilespmem:s0+$0x8020];
	v11 =	vadd.f32 v11, v6;
	v8 =	vtrunc.f32 v8;
	v9 =	vtrunc.f32 v9  }
0x1fd: {  	v16 =	vcvt.f32.s32 v8;
	v8 =	vtrunc.f32 v12;
	v12 =	vadd.f32 v14, v6;
	v14 =	vld [tilespmem:s0+$0x8010]  }
0x1fe: {  	v9 =	vcvt.f32.s32 v9;
	v21 =	vcvt.f32.s32 v8;
	[tilespmem:v7+s26+$0x0] =	vst.idx.add.f32.msk $0xffff, v3  }
0x1ff: {  	v7 =	vtrunc.f32 v10;
	v10 =	vtrunc.f32 v11;
	v11 =	vadd.f32 v13, v6;
	v13 =	vld [tilespmem:s0+$0x8000]  }
0x200: {  	v18 =	vcvt.f32.s32 v7;
	v7 =	vtrunc.f32 v12;
	v12 =	vld [tilespmem:s0+$0x8030]  }
0x201: {  	v22 =	vld [tilespmem:s0+$0x8050];
	v19 =	vcvt.f32.s32 v10;
	v10 =	vmul.f32 v15, v5  }
0x202: {  	v15 =	vmul.f32 v17, v5;
	v11 =	vtrunc.f32 v11  }
0x203: {  	v8 =	vcvt.f32.s32 v11;
	v11 =	vmul.f32 v14, v5;
	v14 =	vld [tilespmem:s0+$0x8060];
	v10 =	vadd.f32 v10, v6  }
0x204: {  	[tilespmem:v16+s26+$0x0] =	vst.idx.add.f32.msk $0xffff, v3;
	v7 =	vcvt.f32.s32 v7;
	v13 =	vmul.f32 v13, v5  }
0x205: {  	[tilespmem:v9+s26+$0x0] =	vst.idx.add.f32.msk $0xffff, v3;
	v17 =	vadd.f32 v11, v6;
	v11 =	vtrunc.f32 v10;
	v12 =	vmul.f32 v12, v5  }
0x206: {  	v16 =	vmul.f32 v22, v5;
	[tilespmem:v21+s26+$0x0] =	vst.idx.add.f32.msk $0xffff, v3;
	v9 =	vcvt.f32.s32 v11;
	v13 =	vadd.f32 v13, v6  }
0x207: {  	v10 =	vadd.f32 v15, v6;
	[tilespmem:v18+s26+$0x0] =	vst.idx.add.f32.msk $0xffff, v3;
	v15 =	vadd.f32 v12, v6;
	v12 =	vtrunc.f32 v17  }
0x208: {  	s22 =	simm.s32 $0x8;
	s1 =	simm.s32 $0x800;
	s0 =	simm.s32 $0x8;
	[tilespmem:v19+s26+$0x0] =	vst.idx.add.f32.msk $0xffff, v3;
	v14 =	vmul.f32 v14, v5;
	v11 =	vtrunc.f32 v13;
	v13 =	vadd.f32 v20, v6  }
.LBB2_18:
0x209: {  	s29 =	sand.u32 $0x7C00, s1;
	s30 =	sand.u32 $0x380, s22;
	v10 =	vtrunc.f32 v10;
	v15 =	vtrunc.f32 v15;
	v16 =	vadd.f32 v16, v6;
	[tilespmem:v8+s26+$0x0] =	vst.idx.add.f32.msk $0xffff, v3  }
0x20a: {  	s0 =	sadd.s32 $0x8, s0;
	v11 =	vcvt.f32.s32 v11;
	s29 =	sor.u32 s30, s29;
	v8 =	vtrunc.f32 v13;
	v13 =	vadd.f32 v14, v6;
	[tilespmem:v7+s26+$0x0] =	vst.idx.add.f32.msk $0xffff, v3  }
0x20b: {  	v12 =	vcvt.f32.s32 v12;
	p0 =	slt.u32 s0, $0x7F8;
	v14 =	vld [tilespmem:s29+$0x8070];
	v7 =	vtrunc.f32 v16  }
0x20c: {  	v16 =	vcvt.f32.s32 v10;
	v10 =	vtrunc.f32 v13;
	[tilespmem:v9+s26+$0x0] =	vst.idx.add.f32.msk $0xffff, v3  }
0x20d: {  	v17 =	vcvt.f32.s32 v8;
	v13 =	vcvt.f32.s32 v15;
	v9 =	vld [tilespmem:s29+$0x8000]  }
0x20e: {  	v8 =	vcvt.f32.s32 v7;
	v7 =	vcvt.f32.s32 v10;
	v15 =	vld [tilespmem:s29+$0x8010]  }
0x20f: {  	v10 =	vld [tilespmem:s29+$0x8020]  }
0x210: {  	v18 =	vld [tilespmem:s29+$0x8030]  }
0x211: {  	v14 =	vmul.f32 v14, v5;
	v19 =	vld [tilespmem:s29+$0x8040]  }
0x212: {  	v9 =	vmul.f32 v9, v5;
	v20 =	vld [tilespmem:s29+$0x8050]  }
0x213: {  	v14 =	vadd.f32 v14, v6;
	v15 =	vmul.f32 v15, v5;
	v21 =	vld [tilespmem:s29+$0x8060]  }
.Ltmp8:
0x214: {  	v22 =	vadd.f32 v9, v6;
	v9 =	vmul.f32 v10, v5;
	[tilespmem:v11+s26+$0x0] =	vst.idx.add.f32.msk $0xffff, v3;
	(pc) =	sbr.rel @p0 .LBB2_18-.Ltmp8, $4  }
0x215: {  	v11 =	vtrunc.f32 v14;
	v23 =	vadd.f32 v15, v6;
	v15 =	vmul.f32 v18, v5;
	[tilespmem:v12+s26+$0x0] =	vst.idx.add.f32.msk $0xffff, v3  }
0x216: {  	v10 =	vadd.f32 v9, v6;
	v14 =	vmul.f32 v19, v5;
	v9 =	vcvt.f32.s32 v11;
	[tilespmem:v16+s26+$0x0] =	vst.idx.add.f32.msk $0xffff, v3  }
0x217: {  	v11 =	vtrunc.f32 v22;
	v15 =	vadd.f32 v15, v6;
	v16 =	vmul.f32 v20, v5;
	[tilespmem:v13+s26+$0x0] =	vst.idx.add.f32.msk $0xffff, v3  }
0x218: {  	s1 =	sadd.s32 $0x400, s1;
	s22 =	sadd.s32 $0x4, s22;
	v12 =	vtrunc.f32 v23;
	v13 =	vadd.f32 v14, v6;
	v14 =	vmul.f32 v21, v5;
	[tilespmem:v17+s26+$0x0] =	vst.idx.add.f32.msk $0xffff, v3  }
0x219: {  	_ = 	snop  }
0x21a: {  	v11 =	vcvt.f32.s32 v11  }
0x21b: {  	v10 =	vtrunc.f32 v10;
	v12 =	vcvt.f32.s32 v12  }
0x21c: {  	v15 =	vtrunc.f32 v15;
	v16 =	vadd.f32 v16, v6;
	v10 =	vcvt.f32.s32 v10  }
0x21d: {  	[tilespmem:v8+s26+$0x0] =	vst.idx.add.f32.msk $0xffff, v3;
	v8 =	vtrunc.f32 v13;
	v13 =	vadd.f32 v14, v6;
	v14 =	vcvt.f32.s32 v15  }
0x21e: {  	[tilespmem:v7+s26+$0x0] =	vst.idx.add.f32.msk $0xffff, v3;
	v7 =	vtrunc.f32 v16;
	v8 =	vcvt.f32.s32 v8  }
0x21f: {  	[tilespmem:v9+s26+$0x0] =	vst.idx.add.f32.msk $0xffff, v3;
	v13 =	vtrunc.f32 v13;
	v7 =	vcvt.f32.s32 v7  }
0x220: {  	v9 =	vcvt.f32.s32 v13;
	[tilespmem:v11+s26+$0x0] =	vst.idx.add.f32.msk $0xffff, v3  }
0x221: {  	[tilespmem:v12+s26+$0x0] =	vst.idx.add.f32.msk $0xffff, v3  }
0x222: {  	[tilespmem:v10+s26+$0x0] =	vst.idx.add.f32.msk $0xffff, v3  }
0x223: {  	[tilespmem:v14+s26+$0x0] =	vst.idx.add.f32.msk $0xffff, v3  }
0x224: {  	[tilespmem:v8+s26+$0x0] =	vst.idx.add.f32.msk $0xffff, v3  }
0x225: {  	[tilespmem:v7+s26+$0x0] =	vst.idx.add.f32.msk $0xffff, v3  }
0x226: {  	[tilespmem:v9+s26+$0x0] =	vst.idx.add.f32.msk $0xffff, v3  }
0x227: {  	_ =	swait.ge [sflag:s24], $0x8000  }
0x228: {  	[sflag:s24] =	ssyncset.done $0x0  }
0x229: {  	s0 =	simm.s32 $0x0;
	[sflag:s24] =	ssyncadd.s32 $0xFFFF8000  }
0x22a: {  	[tilespmem:s25], [sflag:$0x2] =	stream.linear.gather [hbm4b:s13+s0], $0x8000, $0x38;
	[tilespmem:$0x18900] =	vst v63  }
0x22b: {  	s1 =	sand.u32 $0x7C00, s0;
	s0 =	sand.u32 $0x380, s0  }
0x22c: {  	s0 =	sor.u32 s0, s1  }
0x22d: {  	v7 =	vld [tilespmem:s0+$0x70]  }
0x22e: {  	v8 =	vld [tilespmem:s0+$0x0]  }
0x22f: {  	v9 =	vld [tilespmem:s0+$0x10]  }
0x230: {  	v10 =	vld [tilespmem:s0+$0x20]  }
0x231: {  	v11 =	vld [tilespmem:s0+$0x30]  }
0x232: {  	v12 =	vld [tilespmem:s0+$0x40]  }
0x233: {  	s30 =	simm.s32 $0x400;
	s31 =	simm.s32 $0x4;
	v13 =	vld [tilespmem:s0+$0x50];
	v7 =	vmul.f32 v7, v5  }
0x234: {  	s1 =	sand.u32 $0x380, s31;
	v14 =	vld [tilespmem:s0+$0x60];
	s0 =	sand.u32 $0x7C00, s30  }
0x235: {  	s0 =	sor.u32 s1, s0;
	v7 =	vadd.f32 v7, v6  }
0x236: {  	v20 =	vld [tilespmem:s0+$0x40];
	v8 =	vmul.f32 v8, v5;
	v9 =	vmul.f32 v9, v5  }
0x237: {  	v10 =	vmul.f32 v10, v5;
	v7 =	vtrunc.f32 v7  }
0x238: {  	v11 =	vmul.f32 v11, v5;
	v7 =	vcvt.f32.s32 v7  }
0x239: {  	v12 =	vmul.f32 v12, v5;
	v13 =	vmul.f32 v13, v5  }
0x23a: {  	v14 =	vmul.f32 v14, v5;
	v8 =	vadd.f32 v8, v6;
	v9 =	vadd.f32 v9, v6  }
0x23b: {  	v15 =	vld [tilespmem:s0+$0x70];
	v10 =	vadd.f32 v10, v6;
	v12 =	vadd.f32 v12, v6;
	v20 =	vmul.f32 v20, v5  }
0x23c: {  	v17 =	vld [tilespmem:s0+$0x20];
	v11 =	vadd.f32 v11, v6;
	v8 =	vtrunc.f32 v8;
	v9 =	vtrunc.f32 v9  }
0x23d: {  	v16 =	vcvt.f32.s32 v8;
	v8 =	vtrunc.f32 v12;
	v12 =	vadd.f32 v14, v6;
	v14 =	vld [tilespmem:s0+$0x10]  }
0x23e: {  	v9 =	vcvt.f32.s32 v9;
	v21 =	vcvt.f32.s32 v8;
	[tilespmem:v7+s26+$0x0] =	vst.idx.add.f32.msk $0xffff, v3  }
0x23f: {  	v7 =	vtrunc.f32 v10;
	v10 =	vtrunc.f32 v11;
	v11 =	vadd.f32 v13, v6;
	v13 =	vld [tilespmem:s0+$0x0]  }
0x240: {  	v18 =	vcvt.f32.s32 v7;
	v7 =	vtrunc.f32 v12;
	v12 =	vld [tilespmem:s0+$0x30]  }
0x241: {  	v22 =	vld [tilespmem:s0+$0x50];
	v19 =	vcvt.f32.s32 v10;
	v10 =	vmul.f32 v15, v5  }
0x242: {  	v15 =	vmul.f32 v17, v5;
	v11 =	vtrunc.f32 v11  }
0x243: {  	v8 =	vcvt.f32.s32 v11;
	v11 =	vmul.f32 v14, v5;
	v14 =	vld [tilespmem:s0+$0x60];
	v10 =	vadd.f32 v10, v6  }
0x244: {  	[tilespmem:v16+s26+$0x0] =	vst.idx.add.f32.msk $0xffff, v3;
	v7 =	vcvt.f32.s32 v7;
	v13 =	vmul.f32 v13, v5  }
0x245: {  	[tilespmem:v9+s26+$0x0] =	vst.idx.add.f32.msk $0xffff, v3;
	v17 =	vadd.f32 v11, v6;
	v11 =	vtrunc.f32 v10;
	v12 =	vmul.f32 v12, v5  }
0x246: {  	v16 =	vmul.f32 v22, v5;
	[tilespmem:v21+s26+$0x0] =	vst.idx.add.f32.msk $0xffff, v3;
	v9 =	vcvt.f32.s32 v11;
	v13 =	vadd.f32 v13, v6  }
0x247: {  	v10 =	vadd.f32 v15, v6;
	[tilespmem:v18+s26+$0x0] =	vst.idx.add.f32.msk $0xffff, v3;
	v15 =	vadd.f32 v12, v6;
	v12 =	vtrunc.f32 v17  }
0x248: {  	s22 =	simm.s32 $0x8;
	s1 =	simm.s32 $0x800;
	s0 =	simm.s32 $0x8;
	[tilespmem:v19+s26+$0x0] =	vst.idx.add.f32.msk $0xffff, v3;
	v14 =	vmul.f32 v14, v5;
	v11 =	vtrunc.f32 v13;
	v13 =	vadd.f32 v20, v6  }
.LBB2_20:
0x249: {  	s29 =	sand.u32 $0x7C00, s1;
	s30 =	sand.u32 $0x380, s22;
	v10 =	vtrunc.f32 v10;
	v15 =	vtrunc.f32 v15;
	v16 =	vadd.f32 v16, v6;
	[tilespmem:v8+s26+$0x0] =	vst.idx.add.f32.msk $0xffff, v3  }
0x24a: {  	s0 =	sadd.s32 $0x8, s0;
	v11 =	vcvt.f32.s32 v11;
	s29 =	sor.u32 s30, s29;
	v8 =	vtrunc.f32 v13;
	v13 =	vadd.f32 v14, v6;
	[tilespmem:v7+s26+$0x0] =	vst.idx.add.f32.msk $0xffff, v3  }
0x24b: {  	v12 =	vcvt.f32.s32 v12;
	p0 =	slt.u32 s0, $0x7F8;
	v14 =	vld [tilespmem:s29+$0x70];
	v7 =	vtrunc.f32 v16  }
0x24c: {  	v16 =	vcvt.f32.s32 v10;
	v10 =	vtrunc.f32 v13;
	[tilespmem:v9+s26+$0x0] =	vst.idx.add.f32.msk $0xffff, v3  }
0x24d: {  	v17 =	vcvt.f32.s32 v8;
	v13 =	vcvt.f32.s32 v15;
	v9 =	vld [tilespmem:s29+$0x0]  }
0x24e: {  	v8 =	vcvt.f32.s32 v7;
	v7 =	vcvt.f32.s32 v10;
	v15 =	vld [tilespmem:s29+$0x10]  }
0x24f: {  	v10 =	vld [tilespmem:s29+$0x20]  }
0x250: {  	v18 =	vld [tilespmem:s29+$0x30]  }
0x251: {  	v14 =	vmul.f32 v14, v5;
	v19 =	vld [tilespmem:s29+$0x40]  }
0x252: {  	v9 =	vmul.f32 v9, v5;
	v20 =	vld [tilespmem:s29+$0x50]  }
0x253: {  	v14 =	vadd.f32 v14, v6;
	v15 =	vmul.f32 v15, v5;
	v21 =	vld [tilespmem:s29+$0x60]  }
.Ltmp9:
0x254: {  	v22 =	vadd.f32 v9, v6;
	v9 =	vmul.f32 v10, v5;
	[tilespmem:v11+s26+$0x0] =	vst.idx.add.f32.msk $0xffff, v3;
	(pc) =	sbr.rel @p0 .LBB2_20-.Ltmp9, $4  }
0x255: {  	v11 =	vtrunc.f32 v14;
	v23 =	vadd.f32 v15, v6;
	v15 =	vmul.f32 v18, v5;
	[tilespmem:v12+s26+$0x0] =	vst.idx.add.f32.msk $0xffff, v3  }
0x256: {  	v10 =	vadd.f32 v9, v6;
	v14 =	vmul.f32 v19, v5;
	v9 =	vcvt.f32.s32 v11;
	[tilespmem:v16+s26+$0x0] =	vst.idx.add.f32.msk $0xffff, v3  }
0x257: {  	v11 =	vtrunc.f32 v22;
	v15 =	vadd.f32 v15, v6;
	v16 =	vmul.f32 v20, v5;
	[tilespmem:v13+s26+$0x0] =	vst.idx.add.f32.msk $0xffff, v3  }
0x258: {  	s1 =	sadd.s32 $0x400, s1;
	s22 =	sadd.s32 $0x4, s22;
	v12 =	vtrunc.f32 v23;
	v13 =	vadd.f32 v14, v6;
	v14 =	vmul.f32 v21, v5;
	[tilespmem:v17+s26+$0x0] =	vst.idx.add.f32.msk $0xffff, v3  }
0x259: {  	_ = 	snop  }
0x25a: {  	v11 =	vcvt.f32.s32 v11  }
0x25b: {  	v10 =	vtrunc.f32 v10;
	v12 =	vcvt.f32.s32 v12  }
0x25c: {  	v15 =	vtrunc.f32 v15;
	v16 =	vadd.f32 v16, v6;
	v10 =	vcvt.f32.s32 v10  }
0x25d: {  	[tilespmem:v8+s26+$0x0] =	vst.idx.add.f32.msk $0xffff, v3;
	v8 =	vtrunc.f32 v13;
	v13 =	vadd.f32 v14, v6;
	v14 =	vcvt.f32.s32 v15  }
0x25e: {  	[tilespmem:v7+s26+$0x0] =	vst.idx.add.f32.msk $0xffff, v3;
	v7 =	vtrunc.f32 v16;
	v8 =	vcvt.f32.s32 v8  }
0x25f: {  	[tilespmem:v9+s26+$0x0] =	vst.idx.add.f32.msk $0xffff, v3;
	v13 =	vtrunc.f32 v13;
	v7 =	vcvt.f32.s32 v7  }
0x260: {  	v9 =	vcvt.f32.s32 v13;
	[tilespmem:v11+s26+$0x0] =	vst.idx.add.f32.msk $0xffff, v3  }
0x261: {  	[tilespmem:v12+s26+$0x0] =	vst.idx.add.f32.msk $0xffff, v3  }
0x262: {  	[tilespmem:v10+s26+$0x0] =	vst.idx.add.f32.msk $0xffff, v3  }
0x263: {  	[tilespmem:v14+s26+$0x0] =	vst.idx.add.f32.msk $0xffff, v3  }
0x264: {  	[tilespmem:v8+s26+$0x0] =	vst.idx.add.f32.msk $0xffff, v3  }
0x265: {  	[tilespmem:v7+s26+$0x0] =	vst.idx.add.f32.msk $0xffff, v3  }
0x266: {  	[tilespmem:v9+s26+$0x0] =	vst.idx.add.f32.msk $0xffff, v3  }
0x267: {  	_ =	swait.ge [sflag:s28], $0x8000  }
0x268: {  	[sflag:s28] =	ssyncset.done $0x0  }
0x269: {  	s0 =	simm.s32 $0x0;
	[sflag:s28] =	ssyncadd.s32 $0xFFFF8000  }
0x26a: {  	[tilespmem:s0], [sflag:$0x1] =	stream.linear.gather [hbm4b:s14+s0], $0x8000, $0x38;
	[tilespmem:$0x18900] =	vst v63  }
0x26b: {  	s1 =	sand.u32 $0x7C00, s0;
	s0 =	sand.u32 $0x380, s0  }
0x26c: {  	s0 =	sor.u32 s0, s1  }
0x26d: {  	v7 =	vld [tilespmem:s0+$0x8070]  }
0x26e: {  	v8 =	vld [tilespmem:s0+$0x8000]  }
0x26f: {  	v9 =	vld [tilespmem:s0+$0x8010]  }
0x270: {  	v10 =	vld [tilespmem:s0+$0x8020]  }
0x271: {  	v11 =	vld [tilespmem:s0+$0x8030]  }
0x272: {  	v12 =	vld [tilespmem:s0+$0x8040]  }
0x273: {  	s30 =	simm.s32 $0x400;
	s31 =	simm.s32 $0x4;
	v13 =	vld [tilespmem:s0+$0x8050];
	v7 =	vmul.f32 v7, v5  }
0x274: {  	s1 =	sand.u32 $0x380, s31;
	v14 =	vld [tilespmem:s0+$0x8060];
	s0 =	sand.u32 $0x7C00, s30  }
0x275: {  	s0 =	sor.u32 s1, s0;
	v7 =	vadd.f32 v7, v6  }
0x276: {  	v20 =	vld [tilespmem:s0+$0x8040];
	v8 =	vmul.f32 v8, v5;
	v9 =	vmul.f32 v9, v5  }
0x277: {  	v10 =	vmul.f32 v10, v5;
	v7 =	vtrunc.f32 v7  }
0x278: {  	v11 =	vmul.f32 v11, v5;
	v7 =	vcvt.f32.s32 v7  }
0x279: {  	v12 =	vmul.f32 v12, v5;
	v13 =	vmul.f32 v13, v5  }
0x27a: {  	v14 =	vmul.f32 v14, v5;
	v8 =	vadd.f32 v8, v6;
	v9 =	vadd.f32 v9, v6  }
0x27b: {  	v15 =	vld [tilespmem:s0+$0x8070];
	v10 =	vadd.f32 v10, v6;
	v12 =	vadd.f32 v12, v6;
	v20 =	vmul.f32 v20, v5  }
0x27c: {  	v17 =	vld [tilespmem:s0+$0x8020];
	v11 =	vadd.f32 v11, v6;
	v8 =	vtrunc.f32 v8;
	v9 =	vtrunc.f32 v9  }
0x27d: {  	v16 =	vcvt.f32.s32 v8;
	v8 =	vtrunc.f32 v12;
	v12 =	vadd.f32 v14, v6;
	v14 =	vld [tilespmem:s0+$0x8010]  }
0x27e: {  	v9 =	vcvt.f32.s32 v9;
	v21 =	vcvt.f32.s32 v8;
	[tilespmem:v7+s26+$0x0] =	vst.idx.add.f32.msk $0xffff, v3  }
0x27f: {  	v7 =	vtrunc.f32 v10;
	v10 =	vtrunc.f32 v11;
	v11 =	vadd.f32 v13, v6;
	v13 =	vld [tilespmem:s0+$0x8000]  }
0x280: {  	v18 =	vcvt.f32.s32 v7;
	v7 =	vtrunc.f32 v12;
	v12 =	vld [tilespmem:s0+$0x8030]  }
0x281: {  	v22 =	vld [tilespmem:s0+$0x8050];
	v19 =	vcvt.f32.s32 v10;
	v10 =	vmul.f32 v15, v5  }
0x282: {  	v15 =	vmul.f32 v17, v5;
	v11 =	vtrunc.f32 v11  }
0x283: {  	v8 =	vcvt.f32.s32 v11;
	v11 =	vmul.f32 v14, v5;
	v14 =	vld [tilespmem:s0+$0x8060];
	v10 =	vadd.f32 v10, v6  }
0x284: {  	[tilespmem:v16+s26+$0x0] =	vst.idx.add.f32.msk $0xffff, v3;
	v7 =	vcvt.f32.s32 v7;
	v13 =	vmul.f32 v13, v5  }
0x285: {  	[tilespmem:v9+s26+$0x0] =	vst.idx.add.f32.msk $0xffff, v3;
	v17 =	vadd.f32 v11, v6;
	v11 =	vtrunc.f32 v10;
	v12 =	vmul.f32 v12, v5  }
0x286: {  	v16 =	vmul.f32 v22, v5;
	[tilespmem:v21+s26+$0x0] =	vst.idx.add.f32.msk $0xffff, v3;
	v9 =	vcvt.f32.s32 v11;
	v13 =	vadd.f32 v13, v6  }
0x287: {  	v10 =	vadd.f32 v15, v6;
	[tilespmem:v18+s26+$0x0] =	vst.idx.add.f32.msk $0xffff, v3;
	v15 =	vadd.f32 v12, v6;
	v12 =	vtrunc.f32 v17  }
0x288: {  	s22 =	simm.s32 $0x8;
	s1 =	simm.s32 $0x800;
	s0 =	simm.s32 $0x8;
	[tilespmem:v19+s26+$0x0] =	vst.idx.add.f32.msk $0xffff, v3;
	v14 =	vmul.f32 v14, v5;
	v11 =	vtrunc.f32 v13;
	v13 =	vadd.f32 v20, v6  }
.LBB2_22:
0x289: {  	s29 =	sand.u32 $0x7C00, s1;
	s30 =	sand.u32 $0x380, s22;
	v10 =	vtrunc.f32 v10;
	v15 =	vtrunc.f32 v15;
	v16 =	vadd.f32 v16, v6;
	[tilespmem:v8+s26+$0x0] =	vst.idx.add.f32.msk $0xffff, v3  }
0x28a: {  	s0 =	sadd.s32 $0x8, s0;
	v11 =	vcvt.f32.s32 v11;
	s29 =	sor.u32 s30, s29;
	v8 =	vtrunc.f32 v13;
	v13 =	vadd.f32 v14, v6;
	[tilespmem:v7+s26+$0x0] =	vst.idx.add.f32.msk $0xffff, v3  }
0x28b: {  	v12 =	vcvt.f32.s32 v12;
	p0 =	slt.u32 s0, $0x7F8;
	v14 =	vld [tilespmem:s29+$0x8070];
	v7 =	vtrunc.f32 v16  }
0x28c: {  	v16 =	vcvt.f32.s32 v10;
	v10 =	vtrunc.f32 v13;
	[tilespmem:v9+s26+$0x0] =	vst.idx.add.f32.msk $0xffff, v3  }
0x28d: {  	v17 =	vcvt.f32.s32 v8;
	v13 =	vcvt.f32.s32 v15;
	v9 =	vld [tilespmem:s29+$0x8000]  }
0x28e: {  	v8 =	vcvt.f32.s32 v7;
	v7 =	vcvt.f32.s32 v10;
	v15 =	vld [tilespmem:s29+$0x8010]  }
0x28f: {  	v10 =	vld [tilespmem:s29+$0x8020]  }
0x290: {  	v18 =	vld [tilespmem:s29+$0x8030]  }
0x291: {  	v14 =	vmul.f32 v14, v5;
	v19 =	vld [tilespmem:s29+$0x8040]  }
0x292: {  	v9 =	vmul.f32 v9, v5;
	v20 =	vld [tilespmem:s29+$0x8050]  }
0x293: {  	v14 =	vadd.f32 v14, v6;
	v15 =	vmul.f32 v15, v5;
	v21 =	vld [tilespmem:s29+$0x8060]  }
.Ltmp10:
0x294: {  	v22 =	vadd.f32 v9, v6;
	v9 =	vmul.f32 v10, v5;
	[tilespmem:v11+s26+$0x0] =	vst.idx.add.f32.msk $0xffff, v3;
	(pc) =	sbr.rel @p0 .LBB2_22-.Ltmp10, $4  }
0x295: {  	v11 =	vtrunc.f32 v14;
	v23 =	vadd.f32 v15, v6;
	v15 =	vmul.f32 v18, v5;
	[tilespmem:v12+s26+$0x0] =	vst.idx.add.f32.msk $0xffff, v3  }
0x296: {  	v10 =	vadd.f32 v9, v6;
	v14 =	vmul.f32 v19, v5;
	v9 =	vcvt.f32.s32 v11;
	[tilespmem:v16+s26+$0x0] =	vst.idx.add.f32.msk $0xffff, v3  }
0x297: {  	v11 =	vtrunc.f32 v22;
	v15 =	vadd.f32 v15, v6;
	v16 =	vmul.f32 v20, v5;
	[tilespmem:v13+s26+$0x0] =	vst.idx.add.f32.msk $0xffff, v3  }
0x298: {  	s1 =	sadd.s32 $0x400, s1;
	s22 =	sadd.s32 $0x4, s22;
	v12 =	vtrunc.f32 v23;
	v13 =	vadd.f32 v14, v6;
	v14 =	vmul.f32 v21, v5;
	[tilespmem:v17+s26+$0x0] =	vst.idx.add.f32.msk $0xffff, v3  }
0x299: {  	_ = 	snop  }
0x29a: {  	v11 =	vcvt.f32.s32 v11  }
0x29b: {  	v10 =	vtrunc.f32 v10;
	v12 =	vcvt.f32.s32 v12  }
0x29c: {  	v15 =	vtrunc.f32 v15;
	v16 =	vadd.f32 v16, v6;
	v10 =	vcvt.f32.s32 v10  }
0x29d: {  	[tilespmem:v8+s26+$0x0] =	vst.idx.add.f32.msk $0xffff, v3;
	v8 =	vtrunc.f32 v13;
	v13 =	vadd.f32 v14, v6;
	v14 =	vcvt.f32.s32 v15  }
0x29e: {  	[tilespmem:v7+s26+$0x0] =	vst.idx.add.f32.msk $0xffff, v3;
	v7 =	vtrunc.f32 v16;
	v8 =	vcvt.f32.s32 v8  }
0x29f: {  	[tilespmem:v9+s26+$0x0] =	vst.idx.add.f32.msk $0xffff, v3;
	v13 =	vtrunc.f32 v13;
	v7 =	vcvt.f32.s32 v7  }
0x2a0: {  	v9 =	vcvt.f32.s32 v13;
	[tilespmem:v11+s26+$0x0] =	vst.idx.add.f32.msk $0xffff, v3  }
0x2a1: {  	[tilespmem:v12+s26+$0x0] =	vst.idx.add.f32.msk $0xffff, v3  }
0x2a2: {  	[tilespmem:v10+s26+$0x0] =	vst.idx.add.f32.msk $0xffff, v3  }
0x2a3: {  	[tilespmem:v14+s26+$0x0] =	vst.idx.add.f32.msk $0xffff, v3  }
0x2a4: {  	[tilespmem:v8+s26+$0x0] =	vst.idx.add.f32.msk $0xffff, v3  }
0x2a5: {  	[tilespmem:v7+s26+$0x0] =	vst.idx.add.f32.msk $0xffff, v3  }
0x2a6: {  	[tilespmem:v9+s26+$0x0] =	vst.idx.add.f32.msk $0xffff, v3  }
0x2a7: {  	_ =	swait.ge [sflag:s24], $0x8000  }
0x2a8: {  	[sflag:s24] =	ssyncset.done $0x0  }
0x2a9: {  	s0 =	simm.s32 $0x0;
	[sflag:s24] =	ssyncadd.s32 $0xFFFF8000  }
0x2aa: {  	[tilespmem:s25], [sflag:$0x2] =	stream.linear.gather [hbm4b:s15+s0], $0x8000, $0x38;
	[tilespmem:$0x18900] =	vst v63  }
0x2ab: {  	s1 =	sand.u32 $0x7C00, s0;
	s0 =	sand.u32 $0x380, s0  }
0x2ac: {  	s0 =	sor.u32 s0, s1  }
0x2ad: {  	v7 =	vld [tilespmem:s0+$0x70]  }
0x2ae: {  	v8 =	vld [tilespmem:s0+$0x0]  }
0x2af: {  	v9 =	vld [tilespmem:s0+$0x10]  }
0x2b0: {  	v10 =	vld [tilespmem:s0+$0x20]  }
0x2b1: {  	v11 =	vld [tilespmem:s0+$0x30]  }
0x2b2: {  	v12 =	vld [tilespmem:s0+$0x40]  }
0x2b3: {  	s30 =	simm.s32 $0x400;
	s31 =	simm.s32 $0x4;
	v13 =	vld [tilespmem:s0+$0x50];
	v7 =	vmul.f32 v7, v5  }
0x2b4: {  	s1 =	sand.u32 $0x380, s31;
	v14 =	vld [tilespmem:s0+$0x60];
	s0 =	sand.u32 $0x7C00, s30  }
0x2b5: {  	s0 =	sor.u32 s1, s0;
	v7 =	vadd.f32 v7, v6  }
0x2b6: {  	v20 =	vld [tilespmem:s0+$0x40];
	v8 =	vmul.f32 v8, v5;
	v9 =	vmul.f32 v9, v5  }
0x2b7: {  	v10 =	vmul.f32 v10, v5;
	v7 =	vtrunc.f32 v7  }
0x2b8: {  	v11 =	vmul.f32 v11, v5;
	v7 =	vcvt.f32.s32 v7  }
0x2b9: {  	v12 =	vmul.f32 v12, v5;
	v13 =	vmul.f32 v13, v5  }
0x2ba: {  	v14 =	vmul.f32 v14, v5;
	v8 =	vadd.f32 v8, v6;
	v9 =	vadd.f32 v9, v6  }
0x2bb: {  	v15 =	vld [tilespmem:s0+$0x70];
	v10 =	vadd.f32 v10, v6;
	v12 =	vadd.f32 v12, v6;
	v20 =	vmul.f32 v20, v5  }
0x2bc: {  	v17 =	vld [tilespmem:s0+$0x20];
	v11 =	vadd.f32 v11, v6;
	v8 =	vtrunc.f32 v8;
	v9 =	vtrunc.f32 v9  }
0x2bd: {  	v16 =	vcvt.f32.s32 v8;
	v8 =	vtrunc.f32 v12;
	v12 =	vadd.f32 v14, v6;
	v14 =	vld [tilespmem:s0+$0x10]  }
0x2be: {  	v9 =	vcvt.f32.s32 v9;
	v21 =	vcvt.f32.s32 v8;
	[tilespmem:v7+s26+$0x0] =	vst.idx.add.f32.msk $0xffff, v3  }
0x2bf: {  	v7 =	vtrunc.f32 v10;
	v10 =	vtrunc.f32 v11;
	v11 =	vadd.f32 v13, v6;
	v13 =	vld [tilespmem:s0+$0x0]  }
0x2c0: {  	v18 =	vcvt.f32.s32 v7;
	v7 =	vtrunc.f32 v12;
	v12 =	vld [tilespmem:s0+$0x30]  }
0x2c1: {  	v22 =	vld [tilespmem:s0+$0x50];
	v19 =	vcvt.f32.s32 v10;
	v10 =	vmul.f32 v15, v5  }
0x2c2: {  	v15 =	vmul.f32 v17, v5;
	v11 =	vtrunc.f32 v11  }
0x2c3: {  	v8 =	vcvt.f32.s32 v11;
	v11 =	vmul.f32 v14, v5;
	v14 =	vld [tilespmem:s0+$0x60];
	v10 =	vadd.f32 v10, v6  }
0x2c4: {  	[tilespmem:v16+s26+$0x0] =	vst.idx.add.f32.msk $0xffff, v3;
	v7 =	vcvt.f32.s32 v7;
	v13 =	vmul.f32 v13, v5  }
0x2c5: {  	[tilespmem:v9+s26+$0x0] =	vst.idx.add.f32.msk $0xffff, v3;
	v17 =	vadd.f32 v11, v6;
	v11 =	vtrunc.f32 v10;
	v12 =	vmul.f32 v12, v5  }
0x2c6: {  	v16 =	vmul.f32 v22, v5;
	[tilespmem:v21+s26+$0x0] =	vst.idx.add.f32.msk $0xffff, v3;
	v9 =	vcvt.f32.s32 v11;
	v13 =	vadd.f32 v13, v6  }
0x2c7: {  	v10 =	vadd.f32 v15, v6;
	[tilespmem:v18+s26+$0x0] =	vst.idx.add.f32.msk $0xffff, v3;
	v15 =	vadd.f32 v12, v6;
	v12 =	vtrunc.f32 v17  }
0x2c8: {  	s22 =	simm.s32 $0x8;
	s1 =	simm.s32 $0x800;
	s0 =	simm.s32 $0x8;
	[tilespmem:v19+s26+$0x0] =	vst.idx.add.f32.msk $0xffff, v3;
	v14 =	vmul.f32 v14, v5;
	v11 =	vtrunc.f32 v13;
	v13 =	vadd.f32 v20, v6  }
.LBB2_24:
0x2c9: {  	s29 =	sand.u32 $0x7C00, s1;
	s30 =	sand.u32 $0x380, s22;
	v10 =	vtrunc.f32 v10;
	v15 =	vtrunc.f32 v15;
	v16 =	vadd.f32 v16, v6;
	[tilespmem:v8+s26+$0x0] =	vst.idx.add.f32.msk $0xffff, v3  }
0x2ca: {  	s0 =	sadd.s32 $0x8, s0;
	v11 =	vcvt.f32.s32 v11;
	s29 =	sor.u32 s30, s29;
	v8 =	vtrunc.f32 v13;
	v13 =	vadd.f32 v14, v6;
	[tilespmem:v7+s26+$0x0] =	vst.idx.add.f32.msk $0xffff, v3  }
0x2cb: {  	v12 =	vcvt.f32.s32 v12;
	p0 =	slt.u32 s0, $0x7F8;
	v14 =	vld [tilespmem:s29+$0x70];
	v7 =	vtrunc.f32 v16  }
0x2cc: {  	v16 =	vcvt.f32.s32 v10;
	v10 =	vtrunc.f32 v13;
	[tilespmem:v9+s26+$0x0] =	vst.idx.add.f32.msk $0xffff, v3  }
0x2cd: {  	v17 =	vcvt.f32.s32 v8;
	v13 =	vcvt.f32.s32 v15;
	v9 =	vld [tilespmem:s29+$0x0]  }
0x2ce: {  	v8 =	vcvt.f32.s32 v7;
	v7 =	vcvt.f32.s32 v10;
	v15 =	vld [tilespmem:s29+$0x10]  }
0x2cf: {  	v10 =	vld [tilespmem:s29+$0x20]  }
0x2d0: {  	v18 =	vld [tilespmem:s29+$0x30]  }
0x2d1: {  	v14 =	vmul.f32 v14, v5;
	v19 =	vld [tilespmem:s29+$0x40]  }
0x2d2: {  	v9 =	vmul.f32 v9, v5;
	v20 =	vld [tilespmem:s29+$0x50]  }
0x2d3: {  	v14 =	vadd.f32 v14, v6;
	v15 =	vmul.f32 v15, v5;
	v21 =	vld [tilespmem:s29+$0x60]  }
.Ltmp11:
0x2d4: {  	v22 =	vadd.f32 v9, v6;
	v9 =	vmul.f32 v10, v5;
	[tilespmem:v11+s26+$0x0] =	vst.idx.add.f32.msk $0xffff, v3;
	(pc) =	sbr.rel @p0 .LBB2_24-.Ltmp11, $4  }
0x2d5: {  	v11 =	vtrunc.f32 v14;
	v23 =	vadd.f32 v15, v6;
	v15 =	vmul.f32 v18, v5;
	[tilespmem:v12+s26+$0x0] =	vst.idx.add.f32.msk $0xffff, v3  }
0x2d6: {  	v10 =	vadd.f32 v9, v6;
	v14 =	vmul.f32 v19, v5;
	v9 =	vcvt.f32.s32 v11;
	[tilespmem:v16+s26+$0x0] =	vst.idx.add.f32.msk $0xffff, v3  }
0x2d7: {  	v11 =	vtrunc.f32 v22;
	v15 =	vadd.f32 v15, v6;
	v16 =	vmul.f32 v20, v5;
	[tilespmem:v13+s26+$0x0] =	vst.idx.add.f32.msk $0xffff, v3  }
0x2d8: {  	s1 =	sadd.s32 $0x400, s1;
	s22 =	sadd.s32 $0x4, s22;
	v12 =	vtrunc.f32 v23;
	v13 =	vadd.f32 v14, v6;
	v14 =	vmul.f32 v21, v5;
	[tilespmem:v17+s26+$0x0] =	vst.idx.add.f32.msk $0xffff, v3  }
0x2d9: {  	_ = 	snop  }
0x2da: {  	v11 =	vcvt.f32.s32 v11  }
0x2db: {  	v10 =	vtrunc.f32 v10;
	v12 =	vcvt.f32.s32 v12  }
0x2dc: {  	v15 =	vtrunc.f32 v15;
	v16 =	vadd.f32 v16, v6;
	v10 =	vcvt.f32.s32 v10  }
0x2dd: {  	[tilespmem:v8+s26+$0x0] =	vst.idx.add.f32.msk $0xffff, v3;
	v8 =	vtrunc.f32 v13;
	v13 =	vadd.f32 v14, v6;
	v14 =	vcvt.f32.s32 v15  }
0x2de: {  	[tilespmem:v7+s26+$0x0] =	vst.idx.add.f32.msk $0xffff, v3;
	v7 =	vtrunc.f32 v16;
	v8 =	vcvt.f32.s32 v8  }
0x2df: {  	[tilespmem:v9+s26+$0x0] =	vst.idx.add.f32.msk $0xffff, v3;
	v13 =	vtrunc.f32 v13;
	v7 =	vcvt.f32.s32 v7  }
0x2e0: {  	v9 =	vcvt.f32.s32 v13;
	[tilespmem:v11+s26+$0x0] =	vst.idx.add.f32.msk $0xffff, v3  }
0x2e1: {  	[tilespmem:v12+s26+$0x0] =	vst.idx.add.f32.msk $0xffff, v3  }
0x2e2: {  	[tilespmem:v10+s26+$0x0] =	vst.idx.add.f32.msk $0xffff, v3  }
0x2e3: {  	[tilespmem:v14+s26+$0x0] =	vst.idx.add.f32.msk $0xffff, v3  }
0x2e4: {  	[tilespmem:v8+s26+$0x0] =	vst.idx.add.f32.msk $0xffff, v3  }
0x2e5: {  	[tilespmem:v7+s26+$0x0] =	vst.idx.add.f32.msk $0xffff, v3  }
0x2e6: {  	[tilespmem:v9+s26+$0x0] =	vst.idx.add.f32.msk $0xffff, v3  }
0x2e7: {  	_ =	swait.ge [sflag:s28], $0x8000  }
0x2e8: {  	[sflag:s28] =	ssyncset.done $0x0  }
0x2e9: {  	s0 =	simm.s32 $0x0;
	[sflag:s28] =	ssyncadd.s32 $0xFFFF8000  }
0x2ea: {  	[tilespmem:s0], [sflag:$0x1] =	stream.linear.gather [hbm4b:s16+s0], $0x8000, $0x38;
	[tilespmem:$0x18900] =	vst v63  }
0x2eb: {  	s1 =	sand.u32 $0x7C00, s0;
	s0 =	sand.u32 $0x380, s0  }
0x2ec: {  	s0 =	sor.u32 s0, s1  }
0x2ed: {  	v7 =	vld [tilespmem:s0+$0x8070]  }
0x2ee: {  	v8 =	vld [tilespmem:s0+$0x8000]  }
0x2ef: {  	v9 =	vld [tilespmem:s0+$0x8010]  }
0x2f0: {  	v10 =	vld [tilespmem:s0+$0x8020]  }
0x2f1: {  	v11 =	vld [tilespmem:s0+$0x8030]  }
0x2f2: {  	v12 =	vld [tilespmem:s0+$0x8040]  }
0x2f3: {  	s30 =	simm.s32 $0x400;
	s31 =	simm.s32 $0x4;
	v13 =	vld [tilespmem:s0+$0x8050];
	v7 =	vmul.f32 v7, v5  }
0x2f4: {  	s1 =	sand.u32 $0x380, s31;
	v14 =	vld [tilespmem:s0+$0x8060];
	s0 =	sand.u32 $0x7C00, s30  }
0x2f5: {  	s0 =	sor.u32 s1, s0;
	v7 =	vadd.f32 v7, v6  }
0x2f6: {  	v20 =	vld [tilespmem:s0+$0x8040];
	v8 =	vmul.f32 v8, v5;
	v9 =	vmul.f32 v9, v5  }
0x2f7: {  	v10 =	vmul.f32 v10, v5;
	v7 =	vtrunc.f32 v7  }
0x2f8: {  	v11 =	vmul.f32 v11, v5;
	v7 =	vcvt.f32.s32 v7  }
0x2f9: {  	v12 =	vmul.f32 v12, v5;
	v13 =	vmul.f32 v13, v5  }
0x2fa: {  	v14 =	vmul.f32 v14, v5;
	v8 =	vadd.f32 v8, v6;
	v9 =	vadd.f32 v9, v6  }
0x2fb: {  	v15 =	vld [tilespmem:s0+$0x8070];
	v10 =	vadd.f32 v10, v6;
	v12 =	vadd.f32 v12, v6;
	v20 =	vmul.f32 v20, v5  }
0x2fc: {  	v17 =	vld [tilespmem:s0+$0x8020];
	v11 =	vadd.f32 v11, v6;
	v8 =	vtrunc.f32 v8;
	v9 =	vtrunc.f32 v9  }
0x2fd: {  	v16 =	vcvt.f32.s32 v8;
	v8 =	vtrunc.f32 v12;
	v12 =	vadd.f32 v14, v6;
	v14 =	vld [tilespmem:s0+$0x8010]  }
0x2fe: {  	v9 =	vcvt.f32.s32 v9;
	v21 =	vcvt.f32.s32 v8;
	[tilespmem:v7+s26+$0x0] =	vst.idx.add.f32.msk $0xffff, v3  }
0x2ff: {  	v7 =	vtrunc.f32 v10;
	v10 =	vtrunc.f32 v11;
	v11 =	vadd.f32 v13, v6;
	v13 =	vld [tilespmem:s0+$0x8000]  }
0x300: {  	v18 =	vcvt.f32.s32 v7;
	v7 =	vtrunc.f32 v12;
	v12 =	vld [tilespmem:s0+$0x8030]  }
0x301: {  	v22 =	vld [tilespmem:s0+$0x8050];
	v19 =	vcvt.f32.s32 v10;
	v10 =	vmul.f32 v15, v5  }
0x302: {  	v15 =	vmul.f32 v17, v5;
	v11 =	vtrunc.f32 v11  }
0x303: {  	v8 =	vcvt.f32.s32 v11;
	v11 =	vmul.f32 v14, v5;
	v14 =	vld [tilespmem:s0+$0x8060];
	v10 =	vadd.f32 v10, v6  }
0x304: {  	[tilespmem:v16+s26+$0x0] =	vst.idx.add.f32.msk $0xffff, v3;
	v7 =	vcvt.f32.s32 v7;
	v13 =	vmul.f32 v13, v5  }
0x305: {  	[tilespmem:v9+s26+$0x0] =	vst.idx.add.f32.msk $0xffff, v3;
	v17 =	vadd.f32 v11, v6;
	v11 =	vtrunc.f32 v10;
	v12 =	vmul.f32 v12, v5  }
0x306: {  	v16 =	vmul.f32 v22, v5;
	[tilespmem:v21+s26+$0x0] =	vst.idx.add.f32.msk $0xffff, v3;
	v9 =	vcvt.f32.s32 v11;
	v13 =	vadd.f32 v13, v6  }
0x307: {  	v10 =	vadd.f32 v15, v6;
	[tilespmem:v18+s26+$0x0] =	vst.idx.add.f32.msk $0xffff, v3;
	v15 =	vadd.f32 v12, v6;
	v12 =	vtrunc.f32 v17  }
0x308: {  	s22 =	simm.s32 $0x8;
	s1 =	simm.s32 $0x800;
	s0 =	simm.s32 $0x8;
	[tilespmem:v19+s26+$0x0] =	vst.idx.add.f32.msk $0xffff, v3;
	v14 =	vmul.f32 v14, v5;
	v11 =	vtrunc.f32 v13;
	v13 =	vadd.f32 v20, v6  }
.LBB2_26:
0x309: {  	s29 =	sand.u32 $0x7C00, s1;
	s30 =	sand.u32 $0x380, s22;
	v10 =	vtrunc.f32 v10;
	v15 =	vtrunc.f32 v15;
	v16 =	vadd.f32 v16, v6;
	[tilespmem:v8+s26+$0x0] =	vst.idx.add.f32.msk $0xffff, v3  }
0x30a: {  	s0 =	sadd.s32 $0x8, s0;
	v11 =	vcvt.f32.s32 v11;
	s29 =	sor.u32 s30, s29;
	v8 =	vtrunc.f32 v13;
	v13 =	vadd.f32 v14, v6;
	[tilespmem:v7+s26+$0x0] =	vst.idx.add.f32.msk $0xffff, v3  }
0x30b: {  	v12 =	vcvt.f32.s32 v12;
	p0 =	slt.u32 s0, $0x7F8;
	v14 =	vld [tilespmem:s29+$0x8070];
	v7 =	vtrunc.f32 v16  }
0x30c: {  	v16 =	vcvt.f32.s32 v10;
	v10 =	vtrunc.f32 v13;
	[tilespmem:v9+s26+$0x0] =	vst.idx.add.f32.msk $0xffff, v3  }
0x30d: {  	v17 =	vcvt.f32.s32 v8;
	v13 =	vcvt.f32.s32 v15;
	v9 =	vld [tilespmem:s29+$0x8000]  }
0x30e: {  	v8 =	vcvt.f32.s32 v7;
	v7 =	vcvt.f32.s32 v10;
	v15 =	vld [tilespmem:s29+$0x8010]  }
0x30f: {  	v10 =	vld [tilespmem:s29+$0x8020]  }
0x310: {  	v18 =	vld [tilespmem:s29+$0x8030]  }
0x311: {  	v14 =	vmul.f32 v14, v5;
	v19 =	vld [tilespmem:s29+$0x8040]  }
0x312: {  	v9 =	vmul.f32 v9, v5;
	v20 =	vld [tilespmem:s29+$0x8050]  }
0x313: {  	v14 =	vadd.f32 v14, v6;
	v15 =	vmul.f32 v15, v5;
	v21 =	vld [tilespmem:s29+$0x8060]  }
.Ltmp12:
0x314: {  	v22 =	vadd.f32 v9, v6;
	v9 =	vmul.f32 v10, v5;
	[tilespmem:v11+s26+$0x0] =	vst.idx.add.f32.msk $0xffff, v3;
	(pc) =	sbr.rel @p0 .LBB2_26-.Ltmp12, $4  }
0x315: {  	v11 =	vtrunc.f32 v14;
	v23 =	vadd.f32 v15, v6;
	v15 =	vmul.f32 v18, v5;
	[tilespmem:v12+s26+$0x0] =	vst.idx.add.f32.msk $0xffff, v3  }
0x316: {  	v10 =	vadd.f32 v9, v6;
	v14 =	vmul.f32 v19, v5;
	v9 =	vcvt.f32.s32 v11;
	[tilespmem:v16+s26+$0x0] =	vst.idx.add.f32.msk $0xffff, v3  }
0x317: {  	v11 =	vtrunc.f32 v22;
	v15 =	vadd.f32 v15, v6;
	v16 =	vmul.f32 v20, v5;
	[tilespmem:v13+s26+$0x0] =	vst.idx.add.f32.msk $0xffff, v3  }
0x318: {  	s1 =	sadd.s32 $0x400, s1;
	s22 =	sadd.s32 $0x4, s22;
	v12 =	vtrunc.f32 v23;
	v13 =	vadd.f32 v14, v6;
	v14 =	vmul.f32 v21, v5;
	[tilespmem:v17+s26+$0x0] =	vst.idx.add.f32.msk $0xffff, v3  }
0x319: {  	_ = 	snop  }
0x31a: {  	v11 =	vcvt.f32.s32 v11  }
0x31b: {  	v10 =	vtrunc.f32 v10;
	v12 =	vcvt.f32.s32 v12  }
0x31c: {  	v15 =	vtrunc.f32 v15;
	v16 =	vadd.f32 v16, v6;
	v10 =	vcvt.f32.s32 v10  }
0x31d: {  	[tilespmem:v8+s26+$0x0] =	vst.idx.add.f32.msk $0xffff, v3;
	v8 =	vtrunc.f32 v13;
	v13 =	vadd.f32 v14, v6;
	v14 =	vcvt.f32.s32 v15  }
0x31e: {  	[tilespmem:v7+s26+$0x0] =	vst.idx.add.f32.msk $0xffff, v3;
	v7 =	vtrunc.f32 v16;
	v8 =	vcvt.f32.s32 v8  }
0x31f: {  	[tilespmem:v9+s26+$0x0] =	vst.idx.add.f32.msk $0xffff, v3;
	v13 =	vtrunc.f32 v13;
	v7 =	vcvt.f32.s32 v7  }
0x320: {  	v9 =	vcvt.f32.s32 v13;
	[tilespmem:v11+s26+$0x0] =	vst.idx.add.f32.msk $0xffff, v3  }
0x321: {  	[tilespmem:v12+s26+$0x0] =	vst.idx.add.f32.msk $0xffff, v3  }
0x322: {  	[tilespmem:v10+s26+$0x0] =	vst.idx.add.f32.msk $0xffff, v3  }
0x323: {  	[tilespmem:v14+s26+$0x0] =	vst.idx.add.f32.msk $0xffff, v3  }
0x324: {  	[tilespmem:v8+s26+$0x0] =	vst.idx.add.f32.msk $0xffff, v3  }
0x325: {  	[tilespmem:v7+s26+$0x0] =	vst.idx.add.f32.msk $0xffff, v3  }
0x326: {  	[tilespmem:v9+s26+$0x0] =	vst.idx.add.f32.msk $0xffff, v3  }
0x327: {  	_ =	swait.ge [sflag:s24], $0x8000  }
0x328: {  	[sflag:s24] =	ssyncset.done $0x0  }
0x329: {  	s0 =	simm.s32 $0x0;
	[sflag:s24] =	ssyncadd.s32 $0xFFFF8000  }
0x32a: {  	[tilespmem:s25], [sflag:$0x2] =	stream.linear.gather [hbm4b:s17+s0], $0x8000, $0x38;
	[tilespmem:$0x18900] =	vst v63  }
0x32b: {  	s1 =	sand.u32 $0x7C00, s0;
	s0 =	sand.u32 $0x380, s0  }
0x32c: {  	s0 =	sor.u32 s0, s1  }
0x32d: {  	v7 =	vld [tilespmem:s0+$0x70]  }
0x32e: {  	v8 =	vld [tilespmem:s0+$0x0]  }
0x32f: {  	v9 =	vld [tilespmem:s0+$0x10]  }
0x330: {  	v10 =	vld [tilespmem:s0+$0x20]  }
0x331: {  	v11 =	vld [tilespmem:s0+$0x30]  }
0x332: {  	v12 =	vld [tilespmem:s0+$0x40]  }
0x333: {  	s30 =	simm.s32 $0x400;
	s31 =	simm.s32 $0x4;
	v13 =	vld [tilespmem:s0+$0x50];
	v7 =	vmul.f32 v7, v5  }
0x334: {  	s1 =	sand.u32 $0x380, s31;
	v14 =	vld [tilespmem:s0+$0x60];
	s0 =	sand.u32 $0x7C00, s30  }
0x335: {  	s0 =	sor.u32 s1, s0;
	v7 =	vadd.f32 v7, v6  }
0x336: {  	v20 =	vld [tilespmem:s0+$0x40];
	v8 =	vmul.f32 v8, v5;
	v9 =	vmul.f32 v9, v5  }
0x337: {  	v10 =	vmul.f32 v10, v5;
	v7 =	vtrunc.f32 v7  }
0x338: {  	v11 =	vmul.f32 v11, v5;
	v7 =	vcvt.f32.s32 v7  }
0x339: {  	v12 =	vmul.f32 v12, v5;
	v13 =	vmul.f32 v13, v5  }
0x33a: {  	v14 =	vmul.f32 v14, v5;
	v8 =	vadd.f32 v8, v6;
	v9 =	vadd.f32 v9, v6  }
0x33b: {  	v15 =	vld [tilespmem:s0+$0x70];
	v10 =	vadd.f32 v10, v6;
	v12 =	vadd.f32 v12, v6;
	v20 =	vmul.f32 v20, v5  }
0x33c: {  	v17 =	vld [tilespmem:s0+$0x20];
	v11 =	vadd.f32 v11, v6;
	v8 =	vtrunc.f32 v8;
	v9 =	vtrunc.f32 v9  }
0x33d: {  	v16 =	vcvt.f32.s32 v8;
	v8 =	vtrunc.f32 v12;
	v12 =	vadd.f32 v14, v6;
	v14 =	vld [tilespmem:s0+$0x10]  }
0x33e: {  	v9 =	vcvt.f32.s32 v9;
	v21 =	vcvt.f32.s32 v8;
	[tilespmem:v7+s26+$0x0] =	vst.idx.add.f32.msk $0xffff, v3  }
0x33f: {  	v7 =	vtrunc.f32 v10;
	v10 =	vtrunc.f32 v11;
	v11 =	vadd.f32 v13, v6;
	v13 =	vld [tilespmem:s0+$0x0]  }
0x340: {  	v18 =	vcvt.f32.s32 v7;
	v7 =	vtrunc.f32 v12;
	v12 =	vld [tilespmem:s0+$0x30]  }
0x341: {  	v22 =	vld [tilespmem:s0+$0x50];
	v19 =	vcvt.f32.s32 v10;
	v10 =	vmul.f32 v15, v5  }
0x342: {  	v15 =	vmul.f32 v17, v5;
	v11 =	vtrunc.f32 v11  }
0x343: {  	v8 =	vcvt.f32.s32 v11;
	v11 =	vmul.f32 v14, v5;
	v14 =	vld [tilespmem:s0+$0x60];
	v10 =	vadd.f32 v10, v6  }
0x344: {  	[tilespmem:v16+s26+$0x0] =	vst.idx.add.f32.msk $0xffff, v3;
	v7 =	vcvt.f32.s32 v7;
	v13 =	vmul.f32 v13, v5  }
0x345: {  	[tilespmem:v9+s26+$0x0] =	vst.idx.add.f32.msk $0xffff, v3;
	v17 =	vadd.f32 v11, v6;
	v11 =	vtrunc.f32 v10;
	v12 =	vmul.f32 v12, v5  }
0x346: {  	v16 =	vmul.f32 v22, v5;
	[tilespmem:v21+s26+$0x0] =	vst.idx.add.f32.msk $0xffff, v3;
	v9 =	vcvt.f32.s32 v11;
	v13 =	vadd.f32 v13, v6  }
0x347: {  	v10 =	vadd.f32 v15, v6;
	[tilespmem:v18+s26+$0x0] =	vst.idx.add.f32.msk $0xffff, v3;
	v15 =	vadd.f32 v12, v6;
	v12 =	vtrunc.f32 v17  }
0x348: {  	s22 =	simm.s32 $0x8;
	s1 =	simm.s32 $0x800;
	s0 =	simm.s32 $0x8;
	[tilespmem:v19+s26+$0x0] =	vst.idx.add.f32.msk $0xffff, v3;
	v14 =	vmul.f32 v14, v5;
	v11 =	vtrunc.f32 v13;
	v13 =	vadd.f32 v20, v6  }
.LBB2_28:
0x349: {  	s29 =	sand.u32 $0x7C00, s1;
	s30 =	sand.u32 $0x380, s22;
	v10 =	vtrunc.f32 v10;
	v15 =	vtrunc.f32 v15;
	v16 =	vadd.f32 v16, v6;
	[tilespmem:v8+s26+$0x0] =	vst.idx.add.f32.msk $0xffff, v3  }
0x34a: {  	s0 =	sadd.s32 $0x8, s0;
	v11 =	vcvt.f32.s32 v11;
	s29 =	sor.u32 s30, s29;
	v8 =	vtrunc.f32 v13;
	v13 =	vadd.f32 v14, v6;
	[tilespmem:v7+s26+$0x0] =	vst.idx.add.f32.msk $0xffff, v3  }
0x34b: {  	v12 =	vcvt.f32.s32 v12;
	p0 =	slt.u32 s0, $0x7F8;
	v14 =	vld [tilespmem:s29+$0x70];
	v7 =	vtrunc.f32 v16  }
0x34c: {  	v16 =	vcvt.f32.s32 v10;
	v10 =	vtrunc.f32 v13;
	[tilespmem:v9+s26+$0x0] =	vst.idx.add.f32.msk $0xffff, v3  }
0x34d: {  	v17 =	vcvt.f32.s32 v8;
	v13 =	vcvt.f32.s32 v15;
	v9 =	vld [tilespmem:s29+$0x0]  }
0x34e: {  	v8 =	vcvt.f32.s32 v7;
	v7 =	vcvt.f32.s32 v10;
	v15 =	vld [tilespmem:s29+$0x10]  }
0x34f: {  	v10 =	vld [tilespmem:s29+$0x20]  }
0x350: {  	v18 =	vld [tilespmem:s29+$0x30]  }
0x351: {  	v14 =	vmul.f32 v14, v5;
	v19 =	vld [tilespmem:s29+$0x40]  }
0x352: {  	v9 =	vmul.f32 v9, v5;
	v20 =	vld [tilespmem:s29+$0x50]  }
0x353: {  	v14 =	vadd.f32 v14, v6;
	v15 =	vmul.f32 v15, v5;
	v21 =	vld [tilespmem:s29+$0x60]  }
.Ltmp13:
0x354: {  	v22 =	vadd.f32 v9, v6;
	v9 =	vmul.f32 v10, v5;
	[tilespmem:v11+s26+$0x0] =	vst.idx.add.f32.msk $0xffff, v3;
	(pc) =	sbr.rel @p0 .LBB2_28-.Ltmp13, $4  }
0x355: {  	v11 =	vtrunc.f32 v14;
	v23 =	vadd.f32 v15, v6;
	v15 =	vmul.f32 v18, v5;
	[tilespmem:v12+s26+$0x0] =	vst.idx.add.f32.msk $0xffff, v3  }
0x356: {  	v10 =	vadd.f32 v9, v6;
	v14 =	vmul.f32 v19, v5;
	v9 =	vcvt.f32.s32 v11;
	[tilespmem:v16+s26+$0x0] =	vst.idx.add.f32.msk $0xffff, v3  }
0x357: {  	v11 =	vtrunc.f32 v22;
	v15 =	vadd.f32 v15, v6;
	v16 =	vmul.f32 v20, v5;
	[tilespmem:v13+s26+$0x0] =	vst.idx.add.f32.msk $0xffff, v3  }
0x358: {  	s1 =	sadd.s32 $0x400, s1;
	s22 =	sadd.s32 $0x4, s22;
	v12 =	vtrunc.f32 v23;
	v13 =	vadd.f32 v14, v6;
	v14 =	vmul.f32 v21, v5;
	[tilespmem:v17+s26+$0x0] =	vst.idx.add.f32.msk $0xffff, v3  }
0x359: {  	_ = 	snop  }
0x35a: {  	v11 =	vcvt.f32.s32 v11  }
0x35b: {  	v10 =	vtrunc.f32 v10;
	v12 =	vcvt.f32.s32 v12  }
0x35c: {  	v15 =	vtrunc.f32 v15;
	v16 =	vadd.f32 v16, v6;
	v10 =	vcvt.f32.s32 v10  }
0x35d: {  	[tilespmem:v8+s26+$0x0] =	vst.idx.add.f32.msk $0xffff, v3;
	v8 =	vtrunc.f32 v13;
	v13 =	vadd.f32 v14, v6;
	v14 =	vcvt.f32.s32 v15  }
0x35e: {  	[tilespmem:v7+s26+$0x0] =	vst.idx.add.f32.msk $0xffff, v3;
	v7 =	vtrunc.f32 v16;
	v8 =	vcvt.f32.s32 v8  }
0x35f: {  	[tilespmem:v9+s26+$0x0] =	vst.idx.add.f32.msk $0xffff, v3;
	v13 =	vtrunc.f32 v13;
	v7 =	vcvt.f32.s32 v7  }
0x360: {  	v9 =	vcvt.f32.s32 v13;
	[tilespmem:v11+s26+$0x0] =	vst.idx.add.f32.msk $0xffff, v3  }
0x361: {  	[tilespmem:v12+s26+$0x0] =	vst.idx.add.f32.msk $0xffff, v3  }
0x362: {  	[tilespmem:v10+s26+$0x0] =	vst.idx.add.f32.msk $0xffff, v3  }
0x363: {  	[tilespmem:v14+s26+$0x0] =	vst.idx.add.f32.msk $0xffff, v3  }
0x364: {  	[tilespmem:v8+s26+$0x0] =	vst.idx.add.f32.msk $0xffff, v3  }
0x365: {  	[tilespmem:v7+s26+$0x0] =	vst.idx.add.f32.msk $0xffff, v3  }
0x366: {  	[tilespmem:v9+s26+$0x0] =	vst.idx.add.f32.msk $0xffff, v3  }
0x367: {  	_ =	swait.ge [sflag:s28], $0x8000  }
0x368: {  	[sflag:s28] =	ssyncset.done $0x0  }
0x369: {  	s0 =	simm.s32 $0x0;
	[sflag:s28] =	ssyncadd.s32 $0xFFFF8000  }
0x36a: {  	[tilespmem:s0], [sflag:$0x1] =	stream.linear.gather [hbm4b:s18+s0], $0x8000, $0x38;
	[tilespmem:$0x18900] =	vst v63  }
0x36b: {  	s1 =	sand.u32 $0x7C00, s0;
	s0 =	sand.u32 $0x380, s0  }
0x36c: {  	s0 =	sor.u32 s0, s1  }
0x36d: {  	v7 =	vld [tilespmem:s0+$0x8070]  }
0x36e: {  	v8 =	vld [tilespmem:s0+$0x8000]  }
0x36f: {  	v9 =	vld [tilespmem:s0+$0x8010]  }
0x370: {  	v10 =	vld [tilespmem:s0+$0x8020]  }
0x371: {  	v11 =	vld [tilespmem:s0+$0x8030]  }
0x372: {  	v12 =	vld [tilespmem:s0+$0x8040]  }
0x373: {  	s30 =	simm.s32 $0x400;
	s31 =	simm.s32 $0x4;
	v13 =	vld [tilespmem:s0+$0x8050];
	v7 =	vmul.f32 v7, v5  }
0x374: {  	s1 =	sand.u32 $0x380, s31;
	v14 =	vld [tilespmem:s0+$0x8060];
	s0 =	sand.u32 $0x7C00, s30  }
0x375: {  	s0 =	sor.u32 s1, s0;
	v7 =	vadd.f32 v7, v6  }
0x376: {  	v20 =	vld [tilespmem:s0+$0x8040];
	v8 =	vmul.f32 v8, v5;
	v9 =	vmul.f32 v9, v5  }
0x377: {  	v10 =	vmul.f32 v10, v5;
	v7 =	vtrunc.f32 v7  }
0x378: {  	v11 =	vmul.f32 v11, v5;
	v7 =	vcvt.f32.s32 v7  }
0x379: {  	v12 =	vmul.f32 v12, v5;
	v13 =	vmul.f32 v13, v5  }
0x37a: {  	v14 =	vmul.f32 v14, v5;
	v8 =	vadd.f32 v8, v6;
	v9 =	vadd.f32 v9, v6  }
0x37b: {  	v15 =	vld [tilespmem:s0+$0x8070];
	v10 =	vadd.f32 v10, v6;
	v12 =	vadd.f32 v12, v6;
	v20 =	vmul.f32 v20, v5  }
0x37c: {  	v17 =	vld [tilespmem:s0+$0x8020];
	v11 =	vadd.f32 v11, v6;
	v8 =	vtrunc.f32 v8;
	v9 =	vtrunc.f32 v9  }
0x37d: {  	v16 =	vcvt.f32.s32 v8;
	v8 =	vtrunc.f32 v12;
	v12 =	vadd.f32 v14, v6;
	v14 =	vld [tilespmem:s0+$0x8010]  }
0x37e: {  	v9 =	vcvt.f32.s32 v9;
	v21 =	vcvt.f32.s32 v8;
	[tilespmem:v7+s26+$0x0] =	vst.idx.add.f32.msk $0xffff, v3  }
0x37f: {  	v7 =	vtrunc.f32 v10;
	v10 =	vtrunc.f32 v11;
	v11 =	vadd.f32 v13, v6;
	v13 =	vld [tilespmem:s0+$0x8000]  }
0x380: {  	v18 =	vcvt.f32.s32 v7;
	v7 =	vtrunc.f32 v12;
	v12 =	vld [tilespmem:s0+$0x8030]  }
0x381: {  	v22 =	vld [tilespmem:s0+$0x8050];
	v19 =	vcvt.f32.s32 v10;
	v10 =	vmul.f32 v15, v5  }
0x382: {  	v15 =	vmul.f32 v17, v5;
	v11 =	vtrunc.f32 v11  }
0x383: {  	v8 =	vcvt.f32.s32 v11;
	v11 =	vmul.f32 v14, v5;
	v14 =	vld [tilespmem:s0+$0x8060];
	v10 =	vadd.f32 v10, v6  }
0x384: {  	[tilespmem:v16+s26+$0x0] =	vst.idx.add.f32.msk $0xffff, v3;
	v7 =	vcvt.f32.s32 v7;
	v13 =	vmul.f32 v13, v5  }
0x385: {  	[tilespmem:v9+s26+$0x0] =	vst.idx.add.f32.msk $0xffff, v3;
	v17 =	vadd.f32 v11, v6;
	v11 =	vtrunc.f32 v10;
	v12 =	vmul.f32 v12, v5  }
0x386: {  	v16 =	vmul.f32 v22, v5;
	[tilespmem:v21+s26+$0x0] =	vst.idx.add.f32.msk $0xffff, v3;
	v9 =	vcvt.f32.s32 v11;
	v13 =	vadd.f32 v13, v6  }
0x387: {  	v10 =	vadd.f32 v15, v6;
	[tilespmem:v18+s26+$0x0] =	vst.idx.add.f32.msk $0xffff, v3;
	v15 =	vadd.f32 v12, v6;
	v12 =	vtrunc.f32 v17  }
0x388: {  	s22 =	simm.s32 $0x8;
	s1 =	simm.s32 $0x800;
	s0 =	simm.s32 $0x8;
	[tilespmem:v19+s26+$0x0] =	vst.idx.add.f32.msk $0xffff, v3;
	v14 =	vmul.f32 v14, v5;
	v11 =	vtrunc.f32 v13;
	v13 =	vadd.f32 v20, v6  }
.LBB2_30:
0x389: {  	s29 =	sand.u32 $0x7C00, s1;
	s30 =	sand.u32 $0x380, s22;
	v10 =	vtrunc.f32 v10;
	v15 =	vtrunc.f32 v15;
	v16 =	vadd.f32 v16, v6;
	[tilespmem:v8+s26+$0x0] =	vst.idx.add.f32.msk $0xffff, v3  }
0x38a: {  	s0 =	sadd.s32 $0x8, s0;
	v11 =	vcvt.f32.s32 v11;
	s29 =	sor.u32 s30, s29;
	v8 =	vtrunc.f32 v13;
	v13 =	vadd.f32 v14, v6;
	[tilespmem:v7+s26+$0x0] =	vst.idx.add.f32.msk $0xffff, v3  }
0x38b: {  	v12 =	vcvt.f32.s32 v12;
	p0 =	slt.u32 s0, $0x7F8;
	v14 =	vld [tilespmem:s29+$0x8070];
	v7 =	vtrunc.f32 v16  }
0x38c: {  	v16 =	vcvt.f32.s32 v10;
	v10 =	vtrunc.f32 v13;
	[tilespmem:v9+s26+$0x0] =	vst.idx.add.f32.msk $0xffff, v3  }
0x38d: {  	v17 =	vcvt.f32.s32 v8;
	v13 =	vcvt.f32.s32 v15;
	v9 =	vld [tilespmem:s29+$0x8000]  }
0x38e: {  	v8 =	vcvt.f32.s32 v7;
	v7 =	vcvt.f32.s32 v10;
	v15 =	vld [tilespmem:s29+$0x8010]  }
0x38f: {  	v10 =	vld [tilespmem:s29+$0x8020]  }
0x390: {  	v18 =	vld [tilespmem:s29+$0x8030]  }
0x391: {  	v14 =	vmul.f32 v14, v5;
	v19 =	vld [tilespmem:s29+$0x8040]  }
0x392: {  	v9 =	vmul.f32 v9, v5;
	v20 =	vld [tilespmem:s29+$0x8050]  }
0x393: {  	v14 =	vadd.f32 v14, v6;
	v15 =	vmul.f32 v15, v5;
	v21 =	vld [tilespmem:s29+$0x8060]  }
.Ltmp14:
0x394: {  	v22 =	vadd.f32 v9, v6;
	v9 =	vmul.f32 v10, v5;
	[tilespmem:v11+s26+$0x0] =	vst.idx.add.f32.msk $0xffff, v3;
	(pc) =	sbr.rel @p0 .LBB2_30-.Ltmp14, $4  }
0x395: {  	v11 =	vtrunc.f32 v14;
	v23 =	vadd.f32 v15, v6;
	v15 =	vmul.f32 v18, v5;
	[tilespmem:v12+s26+$0x0] =	vst.idx.add.f32.msk $0xffff, v3  }
0x396: {  	v10 =	vadd.f32 v9, v6;
	v14 =	vmul.f32 v19, v5;
	v9 =	vcvt.f32.s32 v11;
	[tilespmem:v16+s26+$0x0] =	vst.idx.add.f32.msk $0xffff, v3  }
0x397: {  	v11 =	vtrunc.f32 v22;
	v15 =	vadd.f32 v15, v6;
	v16 =	vmul.f32 v20, v5;
	[tilespmem:v13+s26+$0x0] =	vst.idx.add.f32.msk $0xffff, v3  }
0x398: {  	s1 =	sadd.s32 $0x400, s1;
	s22 =	sadd.s32 $0x4, s22;
	v12 =	vtrunc.f32 v23;
	v13 =	vadd.f32 v14, v6;
	v14 =	vmul.f32 v21, v5;
	[tilespmem:v17+s26+$0x0] =	vst.idx.add.f32.msk $0xffff, v3  }
0x399: {  	_ = 	snop  }
0x39a: {  	v11 =	vcvt.f32.s32 v11  }
0x39b: {  	v10 =	vtrunc.f32 v10;
	v12 =	vcvt.f32.s32 v12  }
0x39c: {  	v15 =	vtrunc.f32 v15;
	v16 =	vadd.f32 v16, v6;
	v10 =	vcvt.f32.s32 v10  }
0x39d: {  	[tilespmem:v8+s26+$0x0] =	vst.idx.add.f32.msk $0xffff, v3;
	v8 =	vtrunc.f32 v13;
	v13 =	vadd.f32 v14, v6;
	v14 =	vcvt.f32.s32 v15  }
0x39e: {  	[tilespmem:v7+s26+$0x0] =	vst.idx.add.f32.msk $0xffff, v3;
	v7 =	vtrunc.f32 v16;
	v8 =	vcvt.f32.s32 v8  }
0x39f: {  	[tilespmem:v9+s26+$0x0] =	vst.idx.add.f32.msk $0xffff, v3;
	v13 =	vtrunc.f32 v13;
	v7 =	vcvt.f32.s32 v7  }
0x3a0: {  	v9 =	vcvt.f32.s32 v13;
	[tilespmem:v11+s26+$0x0] =	vst.idx.add.f32.msk $0xffff, v3  }
0x3a1: {  	[tilespmem:v12+s26+$0x0] =	vst.idx.add.f32.msk $0xffff, v3  }
0x3a2: {  	[tilespmem:v10+s26+$0x0] =	vst.idx.add.f32.msk $0xffff, v3  }
0x3a3: {  	[tilespmem:v14+s26+$0x0] =	vst.idx.add.f32.msk $0xffff, v3  }
0x3a4: {  	[tilespmem:v8+s26+$0x0] =	vst.idx.add.f32.msk $0xffff, v3  }
0x3a5: {  	[tilespmem:v7+s26+$0x0] =	vst.idx.add.f32.msk $0xffff, v3  }
0x3a6: {  	[tilespmem:v9+s26+$0x0] =	vst.idx.add.f32.msk $0xffff, v3  }
0x3a7: {  	_ =	swait.ge [sflag:s24], $0x8000  }
0x3a8: {  	[sflag:s24] =	ssyncset.done $0x0  }
0x3a9: {  	s0 =	simm.s32 $0x0;
	[sflag:s24] =	ssyncadd.s32 $0xFFFF8000  }
0x3aa: {  	[tilespmem:s25], [sflag:$0x2] =	stream.linear.gather [hbm4b:s19+s0], $0x8000, $0x38;
	[tilespmem:$0x18900] =	vst v63  }
0x3ab: {  	s1 =	sand.u32 $0x7C00, s0;
	s0 =	sand.u32 $0x380, s0  }
0x3ac: {  	s0 =	sor.u32 s0, s1  }
0x3ad: {  	v7 =	vld [tilespmem:s0+$0x70]  }
0x3ae: {  	v8 =	vld [tilespmem:s0+$0x0]  }
0x3af: {  	v9 =	vld [tilespmem:s0+$0x10]  }
0x3b0: {  	v10 =	vld [tilespmem:s0+$0x20]  }
0x3b1: {  	v11 =	vld [tilespmem:s0+$0x30]  }
0x3b2: {  	v12 =	vld [tilespmem:s0+$0x40]  }
0x3b3: {  	s30 =	simm.s32 $0x400;
	s31 =	simm.s32 $0x4;
	v13 =	vld [tilespmem:s0+$0x50];
	v7 =	vmul.f32 v7, v5  }
0x3b4: {  	s1 =	sand.u32 $0x380, s31;
	v14 =	vld [tilespmem:s0+$0x60];
	s0 =	sand.u32 $0x7C00, s30  }
0x3b5: {  	s0 =	sor.u32 s1, s0;
	v7 =	vadd.f32 v7, v6  }
0x3b6: {  	v20 =	vld [tilespmem:s0+$0x40];
	v8 =	vmul.f32 v8, v5;
	v9 =	vmul.f32 v9, v5  }
0x3b7: {  	v10 =	vmul.f32 v10, v5;
	v7 =	vtrunc.f32 v7  }
0x3b8: {  	v11 =	vmul.f32 v11, v5;
	v7 =	vcvt.f32.s32 v7  }
0x3b9: {  	v12 =	vmul.f32 v12, v5;
	v13 =	vmul.f32 v13, v5  }
0x3ba: {  	v14 =	vmul.f32 v14, v5;
	v8 =	vadd.f32 v8, v6;
	v9 =	vadd.f32 v9, v6  }
0x3bb: {  	v15 =	vld [tilespmem:s0+$0x70];
	v10 =	vadd.f32 v10, v6;
	v12 =	vadd.f32 v12, v6;
	v20 =	vmul.f32 v20, v5  }
0x3bc: {  	v17 =	vld [tilespmem:s0+$0x20];
	v11 =	vadd.f32 v11, v6;
	v8 =	vtrunc.f32 v8;
	v9 =	vtrunc.f32 v9  }
0x3bd: {  	v16 =	vcvt.f32.s32 v8;
	v8 =	vtrunc.f32 v12;
	v12 =	vadd.f32 v14, v6;
	v14 =	vld [tilespmem:s0+$0x10]  }
0x3be: {  	v9 =	vcvt.f32.s32 v9;
	v21 =	vcvt.f32.s32 v8;
	[tilespmem:v7+s26+$0x0] =	vst.idx.add.f32.msk $0xffff, v3  }
0x3bf: {  	v7 =	vtrunc.f32 v10;
	v10 =	vtrunc.f32 v11;
	v11 =	vadd.f32 v13, v6;
	v13 =	vld [tilespmem:s0+$0x0]  }
0x3c0: {  	v18 =	vcvt.f32.s32 v7;
	v7 =	vtrunc.f32 v12;
	v12 =	vld [tilespmem:s0+$0x30]  }
0x3c1: {  	v22 =	vld [tilespmem:s0+$0x50];
	v19 =	vcvt.f32.s32 v10;
	v10 =	vmul.f32 v15, v5  }
0x3c2: {  	v15 =	vmul.f32 v17, v5;
	v11 =	vtrunc.f32 v11  }
0x3c3: {  	v8 =	vcvt.f32.s32 v11;
	v11 =	vmul.f32 v14, v5;
	v14 =	vld [tilespmem:s0+$0x60];
	v10 =	vadd.f32 v10, v6  }
0x3c4: {  	[tilespmem:v16+s26+$0x0] =	vst.idx.add.f32.msk $0xffff, v3;
	v7 =	vcvt.f32.s32 v7;
	v13 =	vmul.f32 v13, v5  }
0x3c5: {  	[tilespmem:v9+s26+$0x0] =	vst.idx.add.f32.msk $0xffff, v3;
	v17 =	vadd.f32 v11, v6;
	v11 =	vtrunc.f32 v10;
	v12 =	vmul.f32 v12, v5  }
0x3c6: {  	v16 =	vmul.f32 v22, v5;
	[tilespmem:v21+s26+$0x0] =	vst.idx.add.f32.msk $0xffff, v3;
	v9 =	vcvt.f32.s32 v11;
	v13 =	vadd.f32 v13, v6  }
0x3c7: {  	v10 =	vadd.f32 v15, v6;
	[tilespmem:v18+s26+$0x0] =	vst.idx.add.f32.msk $0xffff, v3;
	v15 =	vadd.f32 v12, v6;
	v12 =	vtrunc.f32 v17  }
0x3c8: {  	s22 =	simm.s32 $0x8;
	s1 =	simm.s32 $0x800;
	s0 =	simm.s32 $0x8;
	[tilespmem:v19+s26+$0x0] =	vst.idx.add.f32.msk $0xffff, v3;
	v14 =	vmul.f32 v14, v5;
	v11 =	vtrunc.f32 v13;
	v13 =	vadd.f32 v20, v6  }
.LBB2_32:
0x3c9: {  	s29 =	sand.u32 $0x7C00, s1;
	s30 =	sand.u32 $0x380, s22;
	v10 =	vtrunc.f32 v10;
	v15 =	vtrunc.f32 v15;
	v16 =	vadd.f32 v16, v6;
	[tilespmem:v8+s26+$0x0] =	vst.idx.add.f32.msk $0xffff, v3  }
0x3ca: {  	s0 =	sadd.s32 $0x8, s0;
	v11 =	vcvt.f32.s32 v11;
	s29 =	sor.u32 s30, s29;
	v8 =	vtrunc.f32 v13;
	v13 =	vadd.f32 v14, v6;
	[tilespmem:v7+s26+$0x0] =	vst.idx.add.f32.msk $0xffff, v3  }
0x3cb: {  	v12 =	vcvt.f32.s32 v12;
	p0 =	slt.u32 s0, $0x7F8;
	v14 =	vld [tilespmem:s29+$0x70];
	v7 =	vtrunc.f32 v16  }
0x3cc: {  	v16 =	vcvt.f32.s32 v10;
	v10 =	vtrunc.f32 v13;
	[tilespmem:v9+s26+$0x0] =	vst.idx.add.f32.msk $0xffff, v3  }
0x3cd: {  	v17 =	vcvt.f32.s32 v8;
	v13 =	vcvt.f32.s32 v15;
	v9 =	vld [tilespmem:s29+$0x0]  }
0x3ce: {  	v8 =	vcvt.f32.s32 v7;
	v7 =	vcvt.f32.s32 v10;
	v15 =	vld [tilespmem:s29+$0x10]  }
0x3cf: {  	v10 =	vld [tilespmem:s29+$0x20]  }
0x3d0: {  	v18 =	vld [tilespmem:s29+$0x30]  }
0x3d1: {  	v14 =	vmul.f32 v14, v5;
	v19 =	vld [tilespmem:s29+$0x40]  }
0x3d2: {  	v9 =	vmul.f32 v9, v5;
	v20 =	vld [tilespmem:s29+$0x50]  }
0x3d3: {  	v14 =	vadd.f32 v14, v6;
	v15 =	vmul.f32 v15, v5;
	v21 =	vld [tilespmem:s29+$0x60]  }
.Ltmp15:
0x3d4: {  	v22 =	vadd.f32 v9, v6;
	v9 =	vmul.f32 v10, v5;
	[tilespmem:v11+s26+$0x0] =	vst.idx.add.f32.msk $0xffff, v3;
	(pc) =	sbr.rel @p0 .LBB2_32-.Ltmp15, $4  }
0x3d5: {  	v11 =	vtrunc.f32 v14;
	v23 =	vadd.f32 v15, v6;
	v15 =	vmul.f32 v18, v5;
	[tilespmem:v12+s26+$0x0] =	vst.idx.add.f32.msk $0xffff, v3  }
0x3d6: {  	v10 =	vadd.f32 v9, v6;
	v14 =	vmul.f32 v19, v5;
	v9 =	vcvt.f32.s32 v11;
	[tilespmem:v16+s26+$0x0] =	vst.idx.add.f32.msk $0xffff, v3  }
0x3d7: {  	v11 =	vtrunc.f32 v22;
	v15 =	vadd.f32 v15, v6;
	v16 =	vmul.f32 v20, v5;
	[tilespmem:v13+s26+$0x0] =	vst.idx.add.f32.msk $0xffff, v3  }
0x3d8: {  	s1 =	sadd.s32 $0x400, s1;
	s22 =	sadd.s32 $0x4, s22;
	v12 =	vtrunc.f32 v23;
	v13 =	vadd.f32 v14, v6;
	v14 =	vmul.f32 v21, v5;
	[tilespmem:v17+s26+$0x0] =	vst.idx.add.f32.msk $0xffff, v3  }
0x3d9: {  	_ = 	snop  }
0x3da: {  	v11 =	vcvt.f32.s32 v11  }
0x3db: {  	v10 =	vtrunc.f32 v10;
	v12 =	vcvt.f32.s32 v12  }
0x3dc: {  	v15 =	vtrunc.f32 v15;
	v16 =	vadd.f32 v16, v6;
	v10 =	vcvt.f32.s32 v10  }
0x3dd: {  	[tilespmem:v8+s26+$0x0] =	vst.idx.add.f32.msk $0xffff, v3;
	v8 =	vtrunc.f32 v13;
	v13 =	vadd.f32 v14, v6;
	v14 =	vcvt.f32.s32 v15  }
0x3de: {  	[tilespmem:v7+s26+$0x0] =	vst.idx.add.f32.msk $0xffff, v3;
	v7 =	vtrunc.f32 v16;
	v8 =	vcvt.f32.s32 v8  }
0x3df: {  	[tilespmem:v9+s26+$0x0] =	vst.idx.add.f32.msk $0xffff, v3;
	v13 =	vtrunc.f32 v13;
	v7 =	vcvt.f32.s32 v7  }
0x3e0: {  	v9 =	vcvt.f32.s32 v13;
	[tilespmem:v11+s26+$0x0] =	vst.idx.add.f32.msk $0xffff, v3  }
0x3e1: {  	[tilespmem:v12+s26+$0x0] =	vst.idx.add.f32.msk $0xffff, v3  }
0x3e2: {  	[tilespmem:v10+s26+$0x0] =	vst.idx.add.f32.msk $0xffff, v3  }
0x3e3: {  	[tilespmem:v14+s26+$0x0] =	vst.idx.add.f32.msk $0xffff, v3  }
0x3e4: {  	[tilespmem:v8+s26+$0x0] =	vst.idx.add.f32.msk $0xffff, v3  }
0x3e5: {  	[tilespmem:v7+s26+$0x0] =	vst.idx.add.f32.msk $0xffff, v3  }
0x3e6: {  	[tilespmem:v9+s26+$0x0] =	vst.idx.add.f32.msk $0xffff, v3  }
0x3e7: {  	s0 =	simm.s32 $0x0;
	_ =	swait.ge [sflag:s28], $0x8000  }
0x3e8: {  	s1 =	sand.u32 $0x7C00, s0;
	s0 =	sand.u32 $0x380, s0;
	[sflag:s28] =	ssyncset.done $0x0  }
0x3e9: {  	s0 =	sor.u32 s0, s1;
	[sflag:s28] =	ssyncadd.s32 $0xFFFF8000  }
0x3ea: {  	v7 =	vld [tilespmem:s0+$0x8070]  }
0x3eb: {  	v8 =	vld [tilespmem:s0+$0x8000]  }
0x3ec: {  	v9 =	vld [tilespmem:s0+$0x8010]  }
0x3ed: {  	v10 =	vld [tilespmem:s0+$0x8020]  }
0x3ee: {  	v11 =	vld [tilespmem:s0+$0x8030]  }
0x3ef: {  	v12 =	vld [tilespmem:s0+$0x8040]  }
0x3f0: {  	s30 =	simm.s32 $0x400;
	s31 =	simm.s32 $0x4;
	v13 =	vld [tilespmem:s0+$0x8050];
	v7 =	vmul.f32 v7, v5  }
0x3f1: {  	s1 =	sand.u32 $0x380, s31;
	v14 =	vld [tilespmem:s0+$0x8060];
	s0 =	sand.u32 $0x7C00, s30  }
0x3f2: {  	s0 =	sor.u32 s1, s0;
	v7 =	vadd.f32 v7, v6  }
0x3f3: {  	v20 =	vld [tilespmem:s0+$0x8040];
	v8 =	vmul.f32 v8, v5;
	v9 =	vmul.f32 v9, v5  }
0x3f4: {  	v10 =	vmul.f32 v10, v5;
	v7 =	vtrunc.f32 v7  }
0x3f5: {  	v11 =	vmul.f32 v11, v5;
	v7 =	vcvt.f32.s32 v7  }
0x3f6: {  	v12 =	vmul.f32 v12, v5;
	v13 =	vmul.f32 v13, v5  }
0x3f7: {  	v14 =	vmul.f32 v14, v5;
	v8 =	vadd.f32 v8, v6;
	v9 =	vadd.f32 v9, v6  }
0x3f8: {  	v15 =	vld [tilespmem:s0+$0x8070];
	v10 =	vadd.f32 v10, v6;
	v12 =	vadd.f32 v12, v6;
	v20 =	vmul.f32 v20, v5  }
0x3f9: {  	v17 =	vld [tilespmem:s0+$0x8020];
	v11 =	vadd.f32 v11, v6;
	v8 =	vtrunc.f32 v8;
	v9 =	vtrunc.f32 v9  }
0x3fa: {  	v16 =	vcvt.f32.s32 v8;
	v8 =	vtrunc.f32 v12;
	v12 =	vadd.f32 v14, v6;
	v14 =	vld [tilespmem:s0+$0x8010]  }
0x3fb: {  	v9 =	vcvt.f32.s32 v9;
	v21 =	vcvt.f32.s32 v8;
	[tilespmem:v7+s26+$0x0] =	vst.idx.add.f32.msk $0xffff, v3  }
0x3fc: {  	v7 =	vtrunc.f32 v10;
	v10 =	vtrunc.f32 v11;
	v11 =	vadd.f32 v13, v6;
	v13 =	vld [tilespmem:s0+$0x8000]  }
0x3fd: {  	v18 =	vcvt.f32.s32 v7;
	v7 =	vtrunc.f32 v12;
	v12 =	vld [tilespmem:s0+$0x8030]  }
0x3fe: {  	v22 =	vld [tilespmem:s0+$0x8050];
	v19 =	vcvt.f32.s32 v10;
	v10 =	vmul.f32 v15, v5  }
0x3ff: {  	v15 =	vmul.f32 v17, v5;
	v11 =	vtrunc.f32 v11  }
0x400: {  	v8 =	vcvt.f32.s32 v11;
	v11 =	vmul.f32 v14, v5;
	v14 =	vld [tilespmem:s0+$0x8060];
	v10 =	vadd.f32 v10, v6  }
0x401: {  	[tilespmem:v16+s26+$0x0] =	vst.idx.add.f32.msk $0xffff, v3;
	v7 =	vcvt.f32.s32 v7;
	v13 =	vmul.f32 v13, v5  }
0x402: {  	[tilespmem:v9+s26+$0x0] =	vst.idx.add.f32.msk $0xffff, v3;
	v17 =	vadd.f32 v11, v6;
	v11 =	vtrunc.f32 v10;
	v12 =	vmul.f32 v12, v5  }
0x403: {  	v16 =	vmul.f32 v22, v5;
	[tilespmem:v21+s26+$0x0] =	vst.idx.add.f32.msk $0xffff, v3;
	v9 =	vcvt.f32.s32 v11;
	v13 =	vadd.f32 v13, v6  }
0x404: {  	v10 =	vadd.f32 v15, v6;
	[tilespmem:v18+s26+$0x0] =	vst.idx.add.f32.msk $0xffff, v3;
	v15 =	vadd.f32 v12, v6;
	v12 =	vtrunc.f32 v17  }
0x405: {  	s22 =	simm.s32 $0x8;
	s1 =	simm.s32 $0x800;
	s0 =	simm.s32 $0x8;
	[tilespmem:v19+s26+$0x0] =	vst.idx.add.f32.msk $0xffff, v3;
	v14 =	vmul.f32 v14, v5;
	v11 =	vtrunc.f32 v13;
	v13 =	vadd.f32 v20, v6  }
.LBB2_34:
0x406: {  	s29 =	sand.u32 $0x7C00, s1;
	s30 =	sand.u32 $0x380, s22;
	v10 =	vtrunc.f32 v10;
	v15 =	vtrunc.f32 v15;
	v16 =	vadd.f32 v16, v6;
	[tilespmem:v8+s26+$0x0] =	vst.idx.add.f32.msk $0xffff, v3  }
0x407: {  	s0 =	sadd.s32 $0x8, s0;
	v11 =	vcvt.f32.s32 v11;
	s29 =	sor.u32 s30, s29;
	v8 =	vtrunc.f32 v13;
	v13 =	vadd.f32 v14, v6;
	[tilespmem:v7+s26+$0x0] =	vst.idx.add.f32.msk $0xffff, v3  }
0x408: {  	v12 =	vcvt.f32.s32 v12;
	p0 =	slt.u32 s0, $0x7F8;
	v14 =	vld [tilespmem:s29+$0x8070];
	v7 =	vtrunc.f32 v16  }
0x409: {  	v16 =	vcvt.f32.s32 v10;
	v10 =	vtrunc.f32 v13;
	[tilespmem:v9+s26+$0x0] =	vst.idx.add.f32.msk $0xffff, v3  }
0x40a: {  	v17 =	vcvt.f32.s32 v8;
	v13 =	vcvt.f32.s32 v15;
	v9 =	vld [tilespmem:s29+$0x8000]  }
0x40b: {  	v8 =	vcvt.f32.s32 v7;
	v7 =	vcvt.f32.s32 v10;
	v15 =	vld [tilespmem:s29+$0x8010]  }
0x40c: {  	v10 =	vld [tilespmem:s29+$0x8020]  }
0x40d: {  	v18 =	vld [tilespmem:s29+$0x8030]  }
0x40e: {  	v14 =	vmul.f32 v14, v5;
	v19 =	vld [tilespmem:s29+$0x8040]  }
0x40f: {  	v9 =	vmul.f32 v9, v5;
	v20 =	vld [tilespmem:s29+$0x8050]  }
0x410: {  	v14 =	vadd.f32 v14, v6;
	v15 =	vmul.f32 v15, v5;
	v21 =	vld [tilespmem:s29+$0x8060]  }
.Ltmp16:
0x411: {  	v22 =	vadd.f32 v9, v6;
	v9 =	vmul.f32 v10, v5;
	[tilespmem:v11+s26+$0x0] =	vst.idx.add.f32.msk $0xffff, v3;
	(pc) =	sbr.rel @p0 .LBB2_34-.Ltmp16, $4  }
0x412: {  	v11 =	vtrunc.f32 v14;
	v23 =	vadd.f32 v15, v6;
	v15 =	vmul.f32 v18, v5;
	[tilespmem:v12+s26+$0x0] =	vst.idx.add.f32.msk $0xffff, v3  }
0x413: {  	v10 =	vadd.f32 v9, v6;
	v14 =	vmul.f32 v19, v5;
	v9 =	vcvt.f32.s32 v11;
	[tilespmem:v16+s26+$0x0] =	vst.idx.add.f32.msk $0xffff, v3  }
0x414: {  	v11 =	vtrunc.f32 v22;
	v15 =	vadd.f32 v15, v6;
	v16 =	vmul.f32 v20, v5;
	[tilespmem:v13+s26+$0x0] =	vst.idx.add.f32.msk $0xffff, v3  }
0x415: {  	s1 =	sadd.s32 $0x400, s1;
	s22 =	sadd.s32 $0x4, s22;
	v12 =	vtrunc.f32 v23;
	v13 =	vadd.f32 v14, v6;
	v14 =	vmul.f32 v21, v5;
	[tilespmem:v17+s26+$0x0] =	vst.idx.add.f32.msk $0xffff, v3  }
0x416: {  	_ = 	snop  }
0x417: {  	v5 =	vcvt.f32.s32 v11  }
0x418: {  	v10 =	vtrunc.f32 v10;
	v11 =	vcvt.f32.s32 v12  }
0x419: {  	v12 =	vtrunc.f32 v15;
	v15 =	vadd.f32 v16, v6;
	v10 =	vcvt.f32.s32 v10  }
0x41a: {  	[tilespmem:v8+s26+$0x0] =	vst.idx.add.f32.msk $0xffff, v3;
	v8 =	vtrunc.f32 v13;
	v6 =	vadd.f32 v14, v6;
	v12 =	vcvt.f32.s32 v12  }
0x41b: {  	[tilespmem:v7+s26+$0x0] =	vst.idx.add.f32.msk $0xffff, v3;
	v7 =	vtrunc.f32 v15;
	v8 =	vcvt.f32.s32 v8  }
0x41c: {  	[tilespmem:v9+s26+$0x0] =	vst.idx.add.f32.msk $0xffff, v3;
	v6 =	vtrunc.f32 v6;
	v7 =	vcvt.f32.s32 v7  }
0x41d: {  	v6 =	vcvt.f32.s32 v6;
	[tilespmem:v5+s26+$0x0] =	vst.idx.add.f32.msk $0xffff, v3  }
0x41e: {  	s0 =	simm.s32 $0x811;
	[tilespmem:v11+s26+$0x0] =	vst.idx.add.f32.msk $0xffff, v3  }
0x41f: {  	v5 =	vadd.s32 s0, v0;
	[tilespmem:v10+s26+$0x0] =	vst.idx.add.f32.msk $0xffff, v3  }
0x420: {  	[tilespmem:v12+s26+$0x0] =	vst.idx.add.f32.msk $0xffff, v3  }
0x421: {  	s6 =	simm.s32 $0x3016;
	[tilespmem:v8+s26+$0x0] =	vst.idx.add.f32.msk $0xffff, v3  }
0x422: {  	s22 =	simm.s32 $0x1012;
	v15 =	vadd.s32 s6, v0;
	[tilespmem:v7+s26+$0x0] =	vst.idx.add.f32.msk $0xffff, v3  }
0x423: {  	s1 =	simm.s32 $0x801;
	v8 =	vadd.s32 s22, v0;
	[tilespmem:v6+s26+$0x0] =	vst.idx.add.f32.msk $0xffff, v3  }
0x424: {  	s29 =	simm.s32 $0x1813;
	s30 =	simm.s32 $0x10010;
	v7 =	vadd.s32 s1, v0;
	v5 =	vld.idx.msk [tilespmem:v5+s26+$0x0], $0xffff  }
0x425: {  	s22 =	simm.s32 $0x1002;
	v6 =	vadd.s32 s29, v0;
	v9 =	vld [tilespmem:s30+$0x0]  }
0x426: {  	s31 =	simm.s32 $0x2014;
	v11 =	vadd.s32 s22, v0;
	v14 =	vld [tilespmem:s30+$0xFFFFFFF0]  }
0x427: {  	s5 =	simm.s32 $0x1803;
	v10 =	vadd.s32 s31, v0;
	v15 =	vld.idx.msk [tilespmem:v15+s26+$0x0], $0xffff  }
0x428: {  	s3 =	simm.s32 $0x2815;
	v13 =	vadd.s32 s5, v0;
	v8 =	vld.idx.msk [tilespmem:v8+s26+$0x0], $0xffff  }
0x429: {  	s7 =	simm.s32 $0x2004;
	v12 =	vadd.s32 s3, v0;
	v7 =	vld.idx.msk [tilespmem:v7+s26+$0x0], $0xffff  }
0x42a: {  	v16 =	vadd.s32 s7, v0;
	s22 =	simm.s32 $0x3817;
	v6 =	vld.idx.msk [tilespmem:v6+s26+$0x0], $0xffff  }
0x42b: {  	s29 =	simm.s32 $0x2805;
	v5 =	vadd.f32 v5, v9;
	v9 =	vld.idx.msk [tilespmem:v11+s26+$0x0], $0xffff;
	v11 =	vadd.s32 s22, v0  }
0x42c: {  	v17 =	vadd.s32 s29, v0;
	s30 =	simm.s32 $0x4018;
	v10 =	vld.idx.msk [tilespmem:v10+s26+$0x0], $0xffff  }
0x42d: {  	s31 =	simm.s32 $0x3006;
	v5 =	vadd.f32 v8, v5;
	v8 =	vld.idx.msk [tilespmem:v13+s26+$0x0], $0xffff;
	v13 =	vadd.s32 s30, v0  }
0x42e: {  	s3 =	simm.s32 $0x4819;
	v18 =	vadd.s32 s31, v0;
	v12 =	vld.idx.msk [tilespmem:v12+s26+$0x0], $0xffff  }
0x42f: {  	s5 =	simm.s32 $0x3807;
	v7 =	vadd.f32 v7, v14;
	v14 =	vadd.s32 s3, v0;
	v5 =	vadd.f32 v6, v5;
	v6 =	vld.idx.msk [tilespmem:v16+s26+$0x0], $0xffff  }
0x430: {  	s7 =	simm.s32 $0x4008;
	v16 =	vadd.s32 s5, v0;
	v11 =	vld.idx.msk [tilespmem:v11+s26+$0x0], $0xffff  }
0x431: {  	s6 =	simm.s32 $0x501A;
	v7 =	vadd.f32 v9, v7;
	v9 =	vld.idx.msk [tilespmem:v17+s26+$0x0], $0xffff;
	v17 =	vadd.s32 s7, v0;
	v5 =	vadd.f32 v10, v5  }
0x432: {  	s29 =	simm.s32 $0x4809;
	v10 =	vadd.s32 s6, v0;
	v19 =	vld.idx.msk [tilespmem:v13+s26+$0x0], $0xffff  }
0x433: {  	s22 =	simm.s32 $0x581B;
	v7 =	vadd.f32 v8, v7;
	v8 =	vld.idx.msk [tilespmem:v18+s26+$0x0], $0xffff;
	v18 =	vadd.s32 s29, v0;
	v5 =	vadd.f32 v12, v5  }
0x434: {  	s30 =	simm.s32 $0x601C;
	v12 =	vadd.s32 s22, v0;
	v20 =	vld.idx.msk [tilespmem:v14+s26+$0x0], $0xffff  }
0x435: {  	s31 =	simm.s32 $0x500A;
	v6 =	vadd.f32 v6, v7;
	v7 =	vadd.s32 s30, v0;
	v5 =	vadd.f32 v15, v5;
	v15 =	vld.idx.msk [tilespmem:v16+s26+$0x0], $0xffff  }
0x436: {  	s3 =	simm.s32 $0x681D;
	v16 =	vadd.s32 s31, v0;
	v22 =	vld.idx.msk [tilespmem:v17+s26+$0x0], $0xffff  }
0x437: {  	s5 =	simm.s32 $0x580B;
	v21 =	vld.idx.msk [tilespmem:v10+s26+$0x0], $0xffff;
	v6 =	vadd.f32 v9, v6;
	v5 =	vadd.f32 v11, v5;
	v11 =	vadd.s32 s3, v0  }
0x438: {  	p1 =	por $0x1, $0x1;
	v23 =	vadd.s32 s5, v0;
	v14 =	vld.idx.msk [tilespmem:v18+s26+$0x0], $0xffff  }
.Ltmp17:
0x439: {  	s29 =	simm.s32 $0x781F;
	v13 =	vld.idx.msk [tilespmem:v12+s26+$0x0], $0xffff;
	v6 =	vadd.f32 v8, v6;
	v5 =	vadd.f32 v19, v5;
	(pc) =	sbr.rel @!p1 .LBB2_36-.Ltmp17, $4  }
0x43a: {  	s31 =	simm.s32 $0x701E;
	v17 =	vadd.s32 s29, v0;
	v9 =	vld.idx.msk [tilespmem:v7+s26+$0x0], $0xffff  }
0x43b: {  	s7 =	simm.s32 $0x680D;
	s6 =	simm.s32 $0x600C;
	s22 =	simm.s32 $0x700E;
	v18 =	vadd.s32 s31, v0;
	v19 =	vadd.f32 v15, v6;
	v10 =	vld.idx.msk [tilespmem:v16+s26+$0x0], $0xffff;
	v12 =	vadd.f32 v20, v5  }
0x43c: {  	s30 =	simm.s32 $0x780F;
	v8 =	vadd.s32 s6, v0;
	v7 =	vadd.s32 s7, v0;
	v6 =	vadd.s32 s22, v0;
	v11 =	vld.idx.msk [tilespmem:v11+s26+$0x0], $0xffff  }
0x43d: {  	p0 =	por $0x0, $0x0;
	s0 =	simm.s32 $0x18090;
	s22 =	simm.s32 $0x783F;
	v5 =	vadd.s32 s30, v0;
	v16 =	vadd.f32 v22, v19;
	v15 =	vadd.f32 v21, v12;
	v12 =	vld.idx.msk [tilespmem:v23+s26+$0x0], $0xffff  }
0x43e: {  	_ =	sdelay $0x3  }
0x43f: {  	v18 =	vld.idx.msk [tilespmem:v18+s26+$0x0], $0xffff  }
0x440: {  	s1 =	simm.s32 $0x831;
	v8 =	vld.idx.msk [tilespmem:v8+s26+$0x0], $0xffff  }
0x441: {  	v17 =	vld.idx.msk [tilespmem:v17+s26+$0x0], $0xffff;
	v19 =	vadd.s32 s1, v0  }
0x442: {  	s7 =	simm.s32 $0x1032;
	v7 =	vld.idx.msk [tilespmem:v7+s26+$0x0], $0xffff  }
0x443: {  	s29 =	simm.s32 $0x821;
	v6 =	vld.idx.msk [tilespmem:v6+s26+$0x0], $0xffff;
	v20 =	vadd.s32 s7, v0  }
0x444: {  	s31 =	simm.s32 $0x1833;
	v5 =	vld.idx.msk [tilespmem:v5+s26+$0x0], $0xffff;
	v21 =	vadd.s32 s29, v0;
	s1 =	simm.s32 $0x10030  }
0x445: {  	s30 =	simm.s32 $0x1022;
	v22 =	vadd.s32 s31, v0;
	v23 =	vld [tilespmem:s1+$0x0]  }
0x446: {  	s29 =	simm.s32 $0x2034;
	v25 =	vadd.s32 s30, v0;
	v19 =	vld.idx.msk [tilespmem:v19+s26+$0x0], $0xffff  }
0x447: {  	s30 =	simm.s32 $0x1823;
	v24 =	vadd.s32 s29, v0;
	s29 =	simm.s32 $0x2835;
	v28 =	vld [tilespmem:s1+$0xFFFFFFF0]  }
0x448: {  	v27 =	vadd.s32 s30, v0;
	s30 =	simm.s32 $0x2024;
	v26 =	vadd.s32 s29, v0;
	v20 =	vld.idx.msk [tilespmem:v20+s26+$0x0], $0xffff  }
0x449: {  	v30 =	vadd.s32 s30, v0;
	v21 =	vld.idx.msk [tilespmem:v21+s26+$0x0], $0xffff  }
0x44a: {  	s29 =	simm.s32 $0x3036;
	v22 =	vld.idx.msk [tilespmem:v22+s26+$0x0], $0xffff  }
0x44b: {  	s30 =	simm.s32 $0x2825;
	v29 =	vadd.s32 s29, v0;
	v51 =	vld.idx.msk [tilespmem:v25+s26+$0x0], $0xffff;
	v19 =	vadd.f32 v19, v23  }
0x44c: {  	s29 =	simm.s32 $0x3837;
	v31 =	vadd.s32 s30, v0;
	v24 =	vld.idx.msk [tilespmem:v24+s26+$0x0], $0xffff  }
0x44d: {  	s30 =	simm.s32 $0x3026;
	v52 =	vadd.s32 s29, v0;
	v26 =	vld.idx.msk [tilespmem:v26+s26+$0x0], $0xffff;
	v19 =	vadd.f32 v20, v19  }
0x44e: {  	v14 =	vadd.f32 v14, v16;
	s29 =	simm.s32 $0x4038;
	v16 =	vadd.s32 s30, v0;
	v54 =	vld.idx.msk [tilespmem:v30+s26+$0x0], $0xffff  }
0x44f: {  	v13 =	vadd.f32 v13, v15;
	s30 =	simm.s32 $0x3827;
	v53 =	vadd.s32 s29, v0;
	s29 =	simm.s32 $0x4839;
	v20 =	vld.idx.msk [tilespmem:v27+s26+$0x0], $0xffff;
	v19 =	vadd.f32 v22, v19  }
0x450: {  	v56 =	vadd.s32 s30, v0;
	s30 =	simm.s32 $0x4028;
	v55 =	vadd.s32 s29, v0;
	v29 =	vld.idx.msk [tilespmem:v29+s26+$0x0], $0xffff;
	v21 =	vadd.f32 v21, v28  }
0x451: {  	v10 =	vadd.f32 v10, v14;
	s29 =	simm.s32 $0x503A;
	v15 =	vadd.s32 s30, v0;
	v57 =	vld.idx.msk [tilespmem:v31+s26+$0x0], $0xffff;
	v19 =	vadd.f32 v24, v19  }
0x452: {  	v9 =	vadd.f32 v9, v13;
	v58 =	vadd.s32 s29, v0;
	s29 =	simm.s32 $0x583B;
	v14 =	vld.idx.msk [tilespmem:v52+s26+$0x0], $0xffff;
	v21 =	vadd.f32 v51, v21  }
0x453: {  	v10 =	vadd.f32 v12, v10;
	v59 =	vadd.s32 s29, v0;
	s29 =	simm.s32 $0x603C;
	v16 =	vld.idx.msk [tilespmem:v16+s26+$0x0], $0xffff;
	v19 =	vadd.f32 v26, v19  }
0x454: {  	v9 =	vadd.f32 v11, v9;
	v61 =	vadd.s32 s29, v0;
	v12 =	vld.idx.msk [tilespmem:v53+s26+$0x0], $0xffff;
	v20 =	vadd.f32 v20, v21  }
0x455: {  	s30 =	simm.s32 $0x4829;
	v8 =	vadd.f32 v8, v10;
	v10 =	vld.idx.msk [tilespmem:v55+s26+$0x0], $0xffff;
	v13 =	vadd.f32 v29, v19  }
0x456: {  	v60 =	vadd.s32 s30, v0;
	s30 =	simm.s32 $0x502A;
	v62 =	vld.idx.msk [tilespmem:v15+s26+$0x0], $0xffff;
	v19 =	vadd.f32 v54, v20  }
0x457: {  	v9 =	vadd.f32 v18, v9;
	v11 =	vadd.s32 s30, v0;
	s29 =	simm.s32 $0x683D;
	v20 =	vld.idx.msk [tilespmem:v56+s26+$0x0], $0xffff;
	v14 =	vadd.f32 v14, v13  }
0x458: {  	v7 =	vadd.f32 v7, v8;
	s30 =	simm.s32 $0x582B;
	v15 =	vadd.s32 s29, v0;
	v24 =	vld.idx.msk [tilespmem:v58+s26+$0x0], $0xffff;
	v19 =	vadd.f32 v57, v19  }
0x459: {  	p1 =	por $0x1, $0x1;
	s31 =	simm.s32 $0x703E;
	v17 =	vadd.f32 v17, v9;
	v63 =	vadd.s32 s30, v0;
	v9 =	vld.idx.msk [tilespmem:v61+s26+$0x0], $0xffff;
	v12 =	vadd.f32 v12, v14  }
.Ltmp18:
0x45a: {  	v18 =	vadd.s32 s31, v0;
	v6 =	vadd.f32 v6, v7;
	s29 =	simm.s32 $0x602C;
	v13 =	vld.idx.msk [tilespmem:v59+s26+$0x0], $0xffff;
	v16 =	vadd.f32 v16, v19;
	(pc) =	sbr.rel @!p1 .LBB2_38-.Ltmp18, $4  }
0x45b: {  	v8 =	vadd.s32 s29, v0;
	v14 =	vld.idx.msk [tilespmem:v60+s26+$0x0], $0xffff;
	v12 =	vadd.f32 v10, v12  }
0x45c: {  	s30 =	simm.s32 $0x682D;
	[tilespmem:s0+$0x0] =	vst v17;
	v17 =	vadd.s32 s22, v0;
	v19 =	vadd.f32 v5, v6;
	v16 =	vadd.f32 v20, v16;
	v10 =	vld.idx.msk [tilespmem:v11+s26+$0x0], $0xffff  }
0x45d: {  	p0 =	por $0x1, $0x1;
	v7 =	vadd.s32 s30, v0;
	s30 =	simm.s32 $0x782F;
	s29 =	simm.s32 $0x702E;
	v11 =	vld.idx.msk [tilespmem:v15+s26+$0x0], $0xffff;
	v15 =	vadd.f32 v24, v12  }
0x45e: {  	s22 =	simm.s32 $0x18090;
	v6 =	vadd.s32 s29, v0;
	s29 =	simm.s32 $0x2;
	v5 =	vadd.s32 s30, v0;
	s30 =	simm.s32 $0x785F;
	[tilespmem:s0+$0xFFFFFFF0] =	vst v19;
	v16 =	vadd.f32 v62, v16;
	v12 =	vld.idx.msk [tilespmem:v63+s26+$0x0], $0xffff  }
.LBB2_39:
0x45f: {  	s31 =	sadd.s32 $0xFFFF8FE2, s30;
	s3 =	sadd.s32 $0xFFFF8FF2, s30;
	s29 =	sadd.s32 $0x2, s29;
	v13 =	vadd.f32 v13, v15;
	v15 =	vld.idx.msk [tilespmem:v18+s26+$0x0], $0xffff  }
0x460: {  	s5 =	sadd.s32 $0xFFFF9FE4, s30;
	v18 =	vadd.s32 s31, v0;
	s31 =	sadd.s32 $0xFFFF97E3, s30;
	v19 =	vadd.s32 s3, v0;
	p1 =	slt.u32 s29, $0x7E;
	v14 =	vadd.f32 v14, v16;
	v16 =	vld.idx.msk [tilespmem:v8+s26+$0x0], $0xffff  }
0x461: {  	v21 =	vadd.s32 s5, v0;
	s3 =	sadd.s32 $0xFFFFA7E5, s30;
	s5 =	sadd.s32 $0xFFFFAFE6, s30;
	v20 =	vadd.s32 s31, v0;
	s31 =	sadd.s32 $0xFFFF97F3, s30;
	v8 =	vadd.f32 v9, v13;
	v9 =	vld.idx.msk [tilespmem:v17+s26+$0x0], $0xffff  }
0x462: {  	s6 =	sadd.s32 $0xFFFFC7E9, s30;
	v13 =	vadd.s32 s3, v0;
	v17 =	vadd.s32 s5, v0;
	s3 =	sadd.s32 $0xFFFFB7E7, s30;
	s5 =	sadd.s32 $0xFFFFBFE8, s30;
	v22 =	vadd.s32 s31, v0;
	v23 =	vld.idx.msk [tilespmem:v7+s26+$0x0], $0xffff  }
0x463: {  	v24 =	vadd.s32 s3, v0;
	v25 =	vadd.s32 s5, v0;
	s3 =	sadd.s32 $0xFFFFCFEA, s30;
	s5 =	sadd.s32 $0xFFFFD7EB, s30;
	s31 =	sadd.s32 $0xFFFF9FF4, s30;
	v26 =	vld.idx.msk [tilespmem:v6+s26+$0x0], $0xffff;
	v6 =	vadd.f32 v11, v8  }
0x464: {  	s7 =	sadd.s32 $0xFFFFEFEE, s30;
	v11 =	vadd.s32 s6, v0;
	v27 =	vadd.s32 s3, v0;
	s3 =	sadd.s32 $0xFFFFDFEC, s30;
	s6 =	sadd.s32 $0xFFFFE7ED, s30;
	v28 =	vadd.s32 s31, v0;
	v29 =	vld.idx.msk [tilespmem:v5+s26+$0x0], $0xffff  }
0x465: {  	s1 =	sadd.s32 $0x20, s1;
	v30 =	vadd.s32 s5, v0;
	s5 =	sadd.s32 $0xFFFFA7F5, s30;
	v31 =	vadd.s32 s3, v0;
	s3 =	sadd.s32 $0xFFFFF7EF, s30;
	v19 =	vld.idx.msk [tilespmem:v19+s26+$0x0], $0xffff;
	v5 =	vadd.f32 v15, v6  }
0x466: {  	v10 =	vadd.f32 v10, v14;
	v8 =	vadd.s32 s6, v0;
	s6 =	sadd.s32 $0xFFFFFFF0, s30;
	v32 =	vadd.s32 s5, v0;
	v15 =	vld [tilespmem:s1+$0x0]  }
0x467: {  	v7 =	vadd.s32 s7, v0;
	v6 =	vadd.s32 s3, v0;
	s3 =	sadd.s32 $0xFFFFAFF6, s30;
	v14 =	vld.idx.msk [tilespmem:v22+s26+$0x0], $0xffff;
	v9 =	vadd.f32 v9, v5  }
0x468: {  	s22 =	sadd.s32 $0x20, s22;
	v10 =	vadd.f32 v12, v10;
	v5 =	vadd.s32 s6, v0;
	v22 =	vadd.s32 s3, v0;
	v18 =	vld.idx.msk [tilespmem:v18+s26+$0x0], $0xffff  }
0x469: {  	s3 =	sadd.s32 $0xFFFFB7F7, s30;
	v12 =	vld.idx.msk [tilespmem:v28+s26+$0x0], $0xffff;
	[tilespmem:s22+$0x0] =	vst v9  }
0x46a: {  	v10 =	vadd.f32 v16, v10;
	v28 =	vadd.s32 s3, v0;
	v9 =	vld [tilespmem:s1+$0xFFFFFFF0]  }
0x46b: {  	s3 =	sadd.s32 $0xFFFFBFF8, s30;
	v15 =	vadd.f32 v19, v15;
	v16 =	vld.idx.msk [tilespmem:v32+s26+$0x0], $0xffff  }
0x46c: {  	v10 =	vadd.f32 v23, v10;
	v19 =	vld.idx.msk [tilespmem:v20+s26+$0x0], $0xffff;
	v20 =	vadd.s32 s3, v0  }
0x46d: {  	s3 =	sadd.s32 $0xFFFFC7F9, s30;
	v14 =	vadd.f32 v14, v15;
	v15 =	vld.idx.msk [tilespmem:v22+s26+$0x0], $0xffff  }
0x46e: {  	v10 =	vadd.f32 v26, v10;
	v22 =	vadd.s32 s3, v0;
	v21 =	vld.idx.msk [tilespmem:v21+s26+$0x0], $0xffff  }
0x46f: {  	s3 =	sadd.s32 $0xFFFFCFFA, s30;
	v9 =	vadd.f32 v18, v9;
	v12 =	vadd.f32 v12, v14;
	v14 =	vld.idx.msk [tilespmem:v28+s26+$0x0], $0xffff  }
0x470: {  	v10 =	vadd.f32 v29, v10;
	v18 =	vadd.s32 s3, v0;
	v13 =	vld.idx.msk [tilespmem:v13+s26+$0x0], $0xffff  }
0x471: {  	s3 =	sadd.s32 $0xFFFFD7FB, s30;
	v12 =	vadd.f32 v16, v12;
	v16 =	vld.idx.msk [tilespmem:v20+s26+$0x0], $0xffff  }
0x472: {  	v9 =	vadd.f32 v19, v9;
	v19 =	vadd.s32 s3, v0;
	v17 =	vld.idx.msk [tilespmem:v17+s26+$0x0], $0xffff;
	[tilespmem:s22+$0xFFFFFFF0] =	vst v10  }
0x473: {  	s3 =	sadd.s32 $0xFFFFDFFC, s30;
	v10 =	vadd.f32 v15, v12;
	v12 =	vld.idx.msk [tilespmem:v22+s26+$0x0], $0xffff  }
0x474: {  	v20 =	vadd.s32 s3, v0;
	v9 =	vadd.f32 v21, v9;
	v15 =	vld.idx.msk [tilespmem:v24+s26+$0x0], $0xffff  }
0x475: {  	s3 =	sadd.s32 $0xFFFFE7FD, s30;
	v10 =	vadd.f32 v14, v10;
	v21 =	vld.idx.msk [tilespmem:v18+s26+$0x0], $0xffff  }
0x476: {  	v23 =	vadd.s32 s3, v0;
	v9 =	vadd.f32 v13, v9;
	v22 =	vld.idx.msk [tilespmem:v25+s26+$0x0], $0xffff  }
0x477: {  	s3 =	sadd.s32 $0xFFFFEFFE, s30;
	v10 =	vadd.f32 v16, v10;
	v16 =	vld.idx.msk [tilespmem:v19+s26+$0x0], $0xffff  }
0x478: {  	v9 =	vadd.f32 v17, v9;
	v19 =	vld.idx.msk [tilespmem:v11+s26+$0x0], $0xffff;
	v11 =	vadd.s32 s3, v0  }
0x479: {  	s3 =	sadd.s32 $0xFFFFF7FF, s30;
	v10 =	vadd.f32 v12, v10;
	v13 =	vld.idx.msk [tilespmem:v20+s26+$0x0], $0xffff  }
.Ltmp19:
0x47a: {  	v12 =	vadd.f32 v15, v9;
	v18 =	vadd.s32 s3, v0;
	v14 =	vld.idx.msk [tilespmem:v27+s26+$0x0], $0xffff;
	(pc) =	sbr.rel @p1 .LBB2_39-.Ltmp19, $4  }
0x47b: {  	v15 =	vadd.f32 v21, v10;
	v9 =	vld.idx.msk [tilespmem:v23+s26+$0x0], $0xffff  }
0x47c: {  	v17 =	vadd.s32 s30, v0;
	v12 =	vadd.f32 v22, v12;
	v10 =	vld.idx.msk [tilespmem:v30+s26+$0x0], $0xffff  }
0x47d: {  	v15 =	vadd.f32 v16, v15;
	v11 =	vld.idx.msk [tilespmem:v11+s26+$0x0], $0xffff  }
0x47e: {  	s30 =	sadd.s32 $0x20, s30;
	v16 =	vadd.f32 v19, v12;
	v12 =	vld.idx.msk [tilespmem:v31+s26+$0x0], $0xffff  }
.LBB2_40:
0x47f: {  	_ =	sdelay $0x2  }
0x480: {  	v14 =	vadd.f32 v14, v16  }
0x481: {  	v8 =	vld.idx.msk [tilespmem:v8+s26+$0x0], $0xffff  }
0x482: {  	v10 =	vadd.f32 v10, v14  }
0x483: {  	v13 =	vadd.f32 v13, v15;
	v7 =	vld.idx.msk [tilespmem:v7+s26+$0x0], $0xffff  }
0x484: {  	v61 =	vld.idx.msk [tilespmem:v18+s26+$0x0], $0xffff;
	v10 =	vadd.f32 v12, v10  }
0x485: {  	v6 =	vld.idx.msk [tilespmem:v6+s26+$0x0], $0xffff;
	v9 =	vadd.f32 v9, v13  }
0x486: {  	v62 =	vld.idx.msk [tilespmem:v17+s26+$0x0], $0xffff;
	v8 =	vadd.f32 v8, v10  }
0x487: {  	v5 =	vld.idx.msk [tilespmem:v5+s26+$0x0], $0xffff;
	v9 =	vadd.f32 v11, v9  }
0x488: {  	v7 =	vadd.f32 v7, v8  }
0x489: {  	v63 =	vadd.f32 v61, v9  }
0x48a: {  	v6 =	vadd.f32 v6, v7  }
0x48b: {  	s1 =	sadd.s32 @p0 $0x20, s22;
	v7 =	vadd.f32 v62, v63  }
0x48c: {  	s0 =	smov.u32 @p0 s1;
	v5 =	vadd.f32 v5, v6  }
0x48d: {  	[tilespmem:s0+$0x0] =	vst v7  }
0x48e: {  	[tilespmem:s0+$0xFFFFFFF0] =	vst v5  }
0x48f: {  	v5 =	vld.idx.msk [tilespmem:v4+s26+$0x0], $0xffff;
	_ =	sdelay $0x4  }
0x490: {  	(xrf2) =	vadd.scan.msk.f32 $0xffff, v5;
	_ =	sdelay $0x6  }
0x491: {  	v5 =	vld [tilespmem:$0x18870];
	_ =	sdelay $0x2  }
0x492: {  	v6, _, _ =	vpop (xrf2)  }
0x493: {  	v6 =	vsel vm0, $0x0, v6  }
0x494: {  	v5 =	vadd.f32 v6, v5  }
0x495: {  	s30 =	simm.s32 $0x80;
	s2 =	sadd.s32 $0x1, s2  }
0x496: {  	s31 =	simm.s32 $0x400;
	s3 =	simm.s32 $0x18080;
	p0 =	sne.s32 s2, s21;
	[tilespmem:$0x18870] =	vst v5  }
0x497: {  	[hbm4b:s20+s30] =	stream.strided.scatter [tilespmem:s3], [sflag:$0x3], $0x800, s31, s30, $0x38;
	[tilespmem:$0x18900] =	vst v63  }
.Ltmp20:
0x498: {  	_ = 	snop;
	(pc) =	sbr.rel @p0 .LBB2_1-.Ltmp20, $4  }
.Ltmp21:
0x499: {  	_ = 	snop;
	(pc) =	sbr.rel @!p0 .LBB2_41-.Ltmp21, $4  }
0x49a: {  	_ =	swait.ge [sflag:s23], $0x800  }
0x49b: {  	[sflag:s23] =	ssyncset.done $0x0  }
0x49c: {  	[sflag:s23] =	ssyncadd.s32 $0xFFFFF800  }
0x49d: {  	_ = 	snop  }
.LBB2_36:
.Ltmp22:
0x49e: {  	(pc) =	sbr.rel .LBB2_40-.Ltmp22, $2  }
0x49f: {  	_ =	sdelay $0x2  }
0x4a0: {  	s22 =	simm.s32 $0x18090  }
.LBB2_38:
.Ltmp23:
0x4a1: {  	(pc) =	sbr.rel .LBB2_40-.Ltmp23, $2  }
0x4a2: {  	_ =	sdelay $0x2  }
0x4a3: {  	s22 =	simm.s32 $0x18090  }
.LBB2_41:
0x4a4: {  	_ =	sfence.sel $0x180000  }
0x4a5: {  	[bflag:$0x0] =	sbarrier.arrive $0xFFFF  }
0x4a6: {  	_ =	strace $0x90000047  }
0x4a7: {  	s0 =	stileid.u32;
	[bflag:$0x2] =	sbarrier.arrive $0xFFFF  }
0x4a8: {  	p0 =	sne.s32 s0, $0x0;
	s0 =	rddreg [dreg:$0x3]  }
0x4a9: {  	s0 =	sadd.s32 @!p0 $0x100000, s0  }
0x4aa: {  	[sflag:s0] =	ssyncadd.tile.s32 @!p0 $0x1;
	_ =	shalt  }
.Lfunc_end2:
_tile_overlayer_lowered:
.L_overlay_start_2:
0x4ab: {  	(tag) =	ssettag $0x2  }
0x4ac: {  	s0 =	rddreg [dreg:$0x0];
	s2 =	stileid.u32  }
0x4ad: {  	s1 =	rddreg [dreg:$0x1];
	p0 =	sne.s32 s2, $0x0  }
0x4ae: {  	s3 =	rddreg [dreg:$0x2];
	[bflag:$0x3] =	sbarrier.arrive $0xFFFF;
	s2 =	simm.s32 @!p0 $0x1C03  }
0x4af: {  	[timem:s3], [sflag:s2] =	dma.local @!p0 [hbm:s0], s1  }
0x4b0: {  	s0 =	simm.s32 @!p0 $0x3  }
0x4b1: {  	_ =	swait.ge @!p0 [sflag:s0], s1  }
0x4b2: {  	s1 =	ssub.s32 @!p0 $0x0, s1;
	[sflag:s0] =	ssyncset.done @!p0 $0x0  }
0x4b3: {  	[sflag:s0] =	ssyncadd.s32 @!p0 s1  }
0x4b4: {  	[bflag:$0x3] =	sbarrier.arrive $0xFFFF  }
0x4b5: {  	_ =	shalt  }

</sc_bundles>
